<compile_context>
chip_gen: v7x
topology: tpu7x:2x2x1
jax: 0.10.2.dev20260603
libtpu: 0.0.44.dev20260713+nightly
codegen_flags: <defaults>
</compile_context>

<pallas_src>
import functools

import jax
import jax.numpy as jnp
from jax import lax
from jax.experimental import pallas as pl
from jax.experimental.pallas import tpu as pltpu
from jax.experimental.pallas import tpu_sc as plsc

N_NODES = 10000
D = 128
N_EDGES = 320000

NC = 2
NS = 16
NW = NC * NS
EPT = N_EDGES // NW
CHUNK = 80
NCHUNK = EPT // CHUNK
C2 = 128
NCH2 = 78
EPT2 = NCH2 * C2
HALF = NCH2 // 2
NREG = NW * EPT2
NP = 10240
RPT = NP // NS

_mesh = plsc.VectorSubcoreMesh(
    core_axis_name="c", subcore_axis_name="s", num_cores=NC, num_subcores=NS
)
_sc_params = pltpu.CompilerParams(use_tc_tiling_on_sc=False)


@functools.partial(
    pl.kernel,
    mesh=_mesh,
    compiler_params=_sc_params,
    out_type=[
        jax.ShapeDtypeStruct((NP,), jnp.float32),
        jax.ShapeDtypeStruct((NP,), jnp.float32),
    ],
    scratch_types=[
        pltpu.VMEM((EPT,), jnp.int32),
        pltpu.VMEM((CHUNK,), jnp.float32),
        pltpu.VMEM((RPT,), jnp.float32),
        pltpu.VMEM_SHARED((NP,), jnp.float32),
    ],
)
def _sc_degree(dst_hbm, d0_hbm, d1_hbm, dst_v, ones_v, zb_v, acc_sh):
    cid = lax.axis_index("c")
    sid = lax.axis_index("s")
    wid = cid * NS + sid
    ebase = pl.multiple_of(wid * EPT, EPT)
    row0 = pl.multiple_of(sid * RPT, RPT)

    pltpu.sync_copy(dst_hbm.at[pl.ds(ebase, EPT)], dst_v)

    def _fill(i, _):
        ones_v[pl.ds(i * 16, 16)] = jnp.ones((16,), jnp.float32)
        return 0

    lax.fori_loop(0, CHUNK // 16, _fill, 0)

    def _zero(i, _):
        zb_v[pl.ds(i * 16, 16)] = jnp.zeros((16,), jnp.float32)
        return 0

    lax.fori_loop(0, RPT // 16, _zero, 0)
    pltpu.sync_copy(zb_v, acc_sh.at[pl.ds(row0, RPT)])
    plsc.subcore_barrier()

    def _chunk(i, _):
        off = pl.multiple_of(i * CHUNK, CHUNK)
        pltpu.sync_copy(ones_v, acc_sh.at[dst_v.at[pl.ds(off, CHUNK)]], add=True)
        return 0

    lax.fori_loop(0, NCHUNK, _chunk, 0)
    plsc.subcore_barrier()

    @pl.when(cid == 0)
    def _():
        pltpu.sync_copy(acc_sh.at[pl.ds(row0, RPT)], d0_hbm.at[pl.ds(row0, RPT)])

    @pl.when(cid == 1)
    def _():
        pltpu.sync_copy(acc_sh.at[pl.ds(row0, RPT)], d1_hbm.at[pl.ds(row0, RPT)])


@functools.partial(
    pl.kernel,
    mesh=_mesh,
    compiler_params=_sc_params,
    out_type=[
        jax.ShapeDtypeStruct((NP, D), jnp.float32),
        jax.ShapeDtypeStruct((NP, D), jnp.float32),
    ],
    scratch_types=[
        pltpu.VMEM((HALF * C2,), jnp.int32),
        pltpu.VMEM((NCH2 * C2,), jnp.int32),
        pltpu.VMEM((C2,), jnp.int32),
        pltpu.VMEM((C2,), jnp.int32),
        pltpu.VMEM((C2, D), jnp.float32),
        pltpu.VMEM((C2, D), jnp.float32),
        pltpu.VMEM_SHARED((NP, D), jnp.float32),
        pltpu.SemaphoreType.DMA,
        pltpu.SemaphoreType.DMA,
    ],
)
def _sc_aggregate(y_hbm, src_hbm, dst_hbm, p0_hbm, p1_hbm,
                  src_v, dst_v, src_c, dst_c, rows_a, rows_b, acc_sh,
                  sga, sgb):
    cid = lax.axis_index("c")
    sid = lax.axis_index("s")
    wid = cid * NS + sid
    ebase = pl.multiple_of(wid * EPT2, 8)
    row0 = pl.multiple_of(sid * RPT, RPT)

    pltpu.sync_copy(dst_hbm.at[pl.ds(ebase, NCH2 * C2)], dst_v)

    @pl.when(cid == 0)
    def _():
        pltpu.sync_copy(y_hbm.at[pl.ds(row0, RPT)], acc_sh.at[pl.ds(row0, RPT)])

    @pl.when(cid == 1)
    def _():
        def _zero(i, _):
            for j in range(D // 16):
                rows_a[i, pl.ds(j * 16, 16)] = jnp.zeros((16,), jnp.float32)
            return 0

        lax.fori_loop(0, C2, _zero, 0)
        for j in range(RPT // C2):
            pltpu.sync_copy(rows_a, acc_sh.at[pl.ds(row0 + j * C2, C2)])

    plsc.subcore_barrier()

    @pl.when(wid < 4)
    def _():
        lbase = pl.multiple_of(NREG + wid * C2, 8)
        pltpu.sync_copy(src_hbm.at[pl.ds(lbase, C2)], src_c)
        pltpu.sync_copy(dst_hbm.at[pl.ds(lbase, C2)], dst_c)
        pltpu.async_copy(y_hbm.at[src_c], rows_a, sga).wait()
        pltpu.sync_copy(rows_a, acc_sh.at[dst_c], add=True)

    def _start_gather(j, rows, sem):
        off = pl.multiple_of(j * C2, C2)
        pltpu.async_copy(y_hbm.at[src_v.at[pl.ds(off, C2)]], rows, sem)

    def _wait_gather(rows, sem):
        pltpu.make_async_copy(y_hbm.at[src_v.at[pl.ds(0, C2)]], rows, sem).wait()

    def _scatter(i, rows):
        off = pl.multiple_of(i * C2, C2)
        pltpu.sync_copy(rows, acc_sh.at[dst_v.at[pl.ds(off, C2)]], add=True)

    for p in range(2):
        pltpu.sync_copy(
            src_hbm.at[pl.ds(pl.multiple_of(ebase + p * HALF * C2, 8), HALF * C2)],
            src_v,
        )
        pbase = p * HALF

        _start_gather(0, rows_a, sga)
        _start_gather(1, rows_b, sgb)

        def _pair(k, _):
            j = 2 * k
            _wait_gather(rows_a, sga)
            _scatter(pbase + j, rows_a)
            _start_gather(j + 2, rows_a, sga)
            _wait_gather(rows_b, sgb)
            _scatter(pbase + j + 1, rows_b)

            @pl.when(j + 3 < HALF)
            def _():
                _start_gather(j + 3, rows_b, sgb)

            return 0

        lax.fori_loop(0, (HALF - 1) // 2, _pair, 0)
        _wait_gather(rows_a, sga)
        _scatter(pbase + HALF - 1, rows_a)

    plsc.subcore_barrier()

    @pl.when(cid == 0)
    def _():
        pltpu.sync_copy(acc_sh.at[pl.ds(row0, RPT)], p0_hbm.at[pl.ds(row0, RPT)])

    @pl.when(cid == 1)
    def _():
        pltpu.sync_copy(acc_sh.at[pl.ds(row0, RPT)], p1_hbm.at[pl.ds(row0, RPT)])


RB = 400
NG = N_NODES // RB


def _dinv(d0, d1):
    return lax.rsqrt(d0 + d1 + 1.0)


def _y1_body(x_ref, w_ref, d0_ref, d1_ref, o_ref):
    dinv = _dinv(d0_ref[...], d1_ref[...])
    xw = jnp.dot(x_ref[...], w_ref[...], preferred_element_type=jnp.float32)
    o_ref[...] = xw * dinv


def _mid_body(p0_ref, p1_ref, d0_ref, d1_ref, b_ref, w_ref, o_ref):
    dinv = _dinv(d0_ref[...], d1_ref[...])
    h = jnp.maximum(dinv * (p0_ref[...] + p1_ref[...]) + b_ref[...], 0.0)
    o_ref[...] = dinv * jnp.dot(h, w_ref[...], preferred_element_type=jnp.float32)


def _fin_body(p0_ref, p1_ref, d0_ref, d1_ref, b_ref, o_ref):
    dinv = _dinv(d0_ref[...], d1_ref[...])
    o_ref[...] = dinv * (p0_ref[...] + p1_ref[...]) + b_ref[...]


_row_spec = pl.BlockSpec((RB, D), lambda i: (i, 0))
_deg_spec = pl.BlockSpec((RB, 1), lambda i: (i, 0))
_w_spec = pl.BlockSpec((D, D), lambda i: (0, 0))
_b_spec = pl.BlockSpec((1, D), lambda i: (0, 0))
_out_sds = jax.ShapeDtypeStruct((NP, D), jnp.float32)

_tc_y1 = pl.pallas_call(
    _y1_body,
    grid=(NG,),
    in_specs=[_row_spec, _w_spec, _deg_spec, _deg_spec],
    out_specs=_row_spec,
    out_shape=_out_sds,
)

_tc_mid = pl.pallas_call(
    _mid_body,
    grid=(NG,),
    in_specs=[_row_spec, _row_spec, _deg_spec, _deg_spec, _b_spec, _w_spec],
    out_specs=_row_spec,
    out_shape=_out_sds,
)

_tc_fin = pl.pallas_call(
    _fin_body,
    grid=(NG,),
    in_specs=[_row_spec, _row_spec, _deg_spec, _deg_spec, _b_spec],
    out_specs=_row_spec,
    out_shape=jax.ShapeDtypeStruct((N_NODES, D), jnp.float32),
)


@jax.jit
def kernel(x, edge_index, W1, b1, W2, b2):
    src = edge_index[0].astype(jnp.int32)
    dst = edge_index[1].astype(jnp.int32)

    dd0, dd1 = _sc_degree(dst)
    d0 = dd0.reshape(NP, 1)
    d1 = dd1.reshape(NP, 1)
    b1r = b1.reshape(1, D)
    b2r = b2.reshape(1, D)

    y1 = _tc_y1(x, W1, d0, d1)
    p0, p1 = _sc_aggregate(y1, src, dst)
    y2 = _tc_mid(p0, p1, d0, d1, b1r, W2)
    q0, q1 = _sc_aggregate(y2, src, dst)
    return _tc_fin(q0, q1, d0, d1, b2r)

# --- scband reference (transcript-rebuilt; emitter-appended) ---
"""Pipeline reference for scband-gcn-27797028339956 (READ-ONLY COPY).

The authoritative reference and input builder live on the scoring server;
editing this copy changes nothing except your own understanding.
"""

import jax, jax.numpy as jnp
import numpy as np

N_NODES = 10000
N_EDGES = 320000
D_IN = 128
D_HID = 128
D_OUT = 128


def gcn_conv(x, src, dst, W, b, num_nodes):
    # add self loops (as torch_geometric GCNConv does by default)
    loop = jnp.arange(num_nodes, dtype=src.dtype)
    src_sl = jnp.concatenate([src, loop])
    dst_sl = jnp.concatenate([dst, loop])
    # symmetric normalization D^{-1/2} (A+I) D^{-1/2}
    deg = jnp.zeros((num_nodes,), dtype=x.dtype).at[dst_sl].add(1.0)
    dinv = jnp.where(deg > 0, 1.0 / jnp.sqrt(deg), 0.0)
    norm = dinv[src_sl] * dinv[dst_sl]
    xw = x @ W
    msg = xw[src_sl] * norm[:, None]
    out = jax.ops.segment_sum(msg, dst_sl, num_segments=num_nodes)
    return out + b


def setup_inputs(seed: int = 0) -> dict:
    key = jax.random.key(seed)
    k_x, k_e, k_w1, k_b1, k_w2, k_b2 = jax.random.split(key, 6)
    x = jax.random.normal(k_x, (N_NODES, D_IN), dtype=jnp.float32)
    edge_index = jax.random.randint(k_e, (2, N_EDGES), 0, N_NODES, dtype=jnp.int64)
    # Glorot-like init for GCNConv weights
    W1 = jax.random.normal(k_w1, (D_IN, D_HID), dtype=jnp.float32) * (1.0 / np.sqrt(D_IN))
    b1 = jnp.zeros((D_HID,), dtype=jnp.float32)
    W2 = jax.random.normal(k_w2, (D_HID, D_OUT), dtype=jnp.float32) * (1.0 / np.sqrt(D_HID))
    b2 = jnp.zeros((D_OUT,), dtype=jnp.float32)
    return {"x": x, "edge_index": edge_index, "W1": W1, "b1": b1, "W2": W2, "b2": b2}


def reference(x, edge_index, W1, b1, W2, b2):
    src, dst = edge_index[0], edge_index[1]
    h = gcn_conv(x, src, dst, W1, b1, N_NODES)
    h = jax.nn.relu(h)
    out = gcn_conv(h, src, dst, W2, b2, N_NODES)
    return out

if __name__ == "__main__":
    import jax
    _d = setup_inputs()
    print(jax.jit(kernel)(*tuple(_d.values())))

</pallas_src>

<mosaic_0001>
#map = affine_map<(d0, d1) -> (0)>
module attributes {stable_mosaic.version = 14 : i64} {
  func.func @_sc_degree(%arg0: i32, %arg1: i32, %arg2: memref<320000xi32, #tpu.memory_space<hbm>>, %arg3: memref<10240xf32, #tpu.memory_space<hbm>>, %arg4: memref<10240xf32, #tpu.memory_space<hbm>>, %arg5: memref<10000xi32, #tpu.memory_space<vmem>>, %arg6: memref<80xf32, #tpu.memory_space<vmem>>, %arg7: memref<640xf32, #tpu.memory_space<vmem>>, %arg8: memref<10240xf32, #tpu.memory_space<vmem_shared>>) attributes {dimension_semantics = [#tpu.dimension_semantics<core_parallel>, #tpu.dimension_semantics<subcore_parallel>], iteration_bounds = array<i64: 2, 16>, scalar_prefetch = 0 : i64, scratch_operands = 4 : i64, tpu.core_type = #tpu.core_type<sc_vector_subcore>, window_params = [{transform_indices = #map}, {transform_indices = #map}, {transform_indices = #map}]} {
    %mul3A = arith.constant 16 : i32
    %mul3A_0 = arith.muli %arg0, %mul3A : i32
    %add3A = arith.addi %mul3A_0, %arg1 : i32
    %mul3A_1 = arith.constant 10000 : i32
    %mul3A_2 = arith.muli %add3A, %mul3A_1 : i32
    %multiple_of3A = tpu.assume_multiple %mul3A_2, 10000 : i32
    %mul3A_3 = arith.constant 640 : i32
    %mul3A_4 = arith.muli %arg1, %mul3A_3 : i32
    %multiple_of3A_5 = tpu.assume_multiple %mul3A_4, 640 : i32
    "tpu.region"() ({
      %run_scoped3A = tpu.sem_alloc : memref<!tpu.dma_semaphore, #tpu.memory_space<semaphore_mem>>
      %dma_start3A = tpu.memref_slice %arg2[%multiple_of3A] : memref<320000xi32, #tpu.memory_space<hbm>> -> memref<10000xi32, #tpu.memory_space<hbm>>
      %dma_start3A_34 = tpu.memref_slice %arg2[%multiple_of3A] : memref<320000xi32, #tpu.memory_space<hbm>> -> memref<10000xi32, #tpu.memory_space<hbm>>
      tpu.enqueue_dma source(%dma_start3A_34 : memref<10000xi32, #tpu.memory_space<hbm>>) target(%arg5 : memref<10000xi32, #tpu.memory_space<vmem>>) target_semaphore(%run_scoped3A : memref<!tpu.dma_semaphore, #tpu.memory_space<semaphore_mem>>)
      %dma_wait3A = tpu.memref_slice %arg2[%multiple_of3A] : memref<320000xi32, #tpu.memory_space<hbm>> -> memref<10000xi32, #tpu.memory_space<hbm>>
      %dma_wait3A_35 = tpu.memref_slice %arg2[%multiple_of3A] : memref<320000xi32, #tpu.memory_space<hbm>> -> memref<10000xi32, #tpu.memory_space<hbm>>
      tpu.wait_dma2 semaphore(%run_scoped3A : memref<!tpu.dma_semaphore, #tpu.memory_space<semaphore_mem>>) src(%dma_wait3A_35 : memref<10000xi32, #tpu.memory_space<hbm>>) dst(%arg5 : memref<10000xi32, #tpu.memory_space<vmem>>)
      tpu.yield
    }) : () -> ()
    %scan3A = arith.constant 0 : i32
    %scan3A_6 = arith.constant 0 : i32
    %scan3A_7 = arith.constant 5 : i32
    %scan3A_8 = arith.addi %scan3A_6, %scan3A_7 : i32
    %scan3A_9 = arith.constant 1 : i32
    %scan3A_10 = scf.for %scan3A_34 = %scan3A_6 to %scan3A_8 step %scan3A_9 iter_args(%scan3A_35 = %scan3A) -> (i32)  : i32 {
      %broadcast_in_dim3A = arith.constant 1.000000e+00 : f32
      %broadcast_in_dim3A_36 = vector.broadcast %broadcast_in_dim3A : f32 to vector<16xf32>
      %mul3A_37 = arith.constant 16 : i32
      %mul3A_38 = arith.muli %scan3A_34, %mul3A_37 : i32
      %swap3A = arith.index_cast %mul3A_38 : i32 to index
      %swap3A_39 = tpu.vector_load %arg6[%swap3A] {strides = array<i32>} : memref<80xf32, #tpu.memory_space<vmem>>, vector<16xf32>,
      %swap3A_40 = vector.shape_cast %swap3A_39 : vector<16xf32> to vector<16xf32>
      %swap3A_41 = vector.shape_cast %broadcast_in_dim3A_36 : vector<16xf32> to vector<16xf32>
      tpu.vector_store %arg6[%swap3A], %swap3A_41 {strides = array<i32>} : memref<80xf32, #tpu.memory_space<vmem>>, vector<16xf32>,
      %scan3A_42 = arith.constant 0 : i32
      scf.yield %scan3A_42 : i32
    }
    %scan3A_11 = arith.constant 5 : i32
    %scan3A_12 = arith.constant 0 : i32
    %scan3A_13 = arith.constant 0 : i32
    %scan3A_14 = arith.constant 40 : i32
    %scan3A_15 = arith.addi %scan3A_13, %scan3A_14 : i32
    %scan3A_16 = arith.constant 1 : i32
    %scan3A_17 = scf.for %scan3A_34 = %scan3A_13 to %scan3A_15 step %scan3A_16 iter_args(%scan3A_35 = %scan3A_12) -> (i32)  : i32 {
      %broadcast_in_dim3A = arith.constant 0.000000e+00 : f32
      %broadcast_in_dim3A_36 = vector.broadcast %broadcast_in_dim3A : f32 to vector<16xf32>
      %mul3A_37 = arith.constant 16 : i32
      %mul3A_38 = arith.muli %scan3A_34, %mul3A_37 : i32
      %swap3A = arith.index_cast %mul3A_38 : i32 to index
      %swap3A_39 = tpu.vector_load %arg7[%swap3A] {strides = array<i32>} : memref<640xf32, #tpu.memory_space<vmem>>, vector<16xf32>,
      %swap3A_40 = vector.shape_cast %swap3A_39 : vector<16xf32> to vector<16xf32>
      %swap3A_41 = vector.shape_cast %broadcast_in_dim3A_36 : vector<16xf32> to vector<16xf32>
      tpu.vector_store %arg7[%swap3A], %swap3A_41 {strides = array<i32>} : memref<640xf32, #tpu.memory_space<vmem>>, vector<16xf32>,
      %scan3A_42 = arith.constant 0 : i32
      scf.yield %scan3A_42 : i32
    }
    %scan3A_18 = arith.constant 40 : i32
    "tpu.region"() ({
      %run_scoped3A = tpu.sem_alloc : memref<!tpu.dma_semaphore, #tpu.memory_space<semaphore_mem>>
      %dma_start3A = tpu.memref_slice %arg8[%multiple_of3A_5] : memref<10240xf32, #tpu.memory_space<vmem_shared>> -> memref<640xf32, #tpu.memory_space<vmem_shared>>
      %dma_start3A_34 = tpu.memref_slice %arg8[%multiple_of3A_5] : memref<10240xf32, #tpu.memory_space<vmem_shared>> -> memref<640xf32, #tpu.memory_space<vmem_shared>>
      tpu.enqueue_dma source(%arg7 : memref<640xf32, #tpu.memory_space<vmem>>) target(%dma_start3A_34 : memref<640xf32, #tpu.memory_space<vmem_shared>>) target_semaphore(%run_scoped3A : memref<!tpu.dma_semaphore, #tpu.memory_space<semaphore_mem>>)
      %dma_wait3A = tpu.memref_slice %arg8[%multiple_of3A_5] : memref<10240xf32, #tpu.memory_space<vmem_shared>> -> memref<640xf32, #tpu.memory_space<vmem_shared>>
      %dma_wait3A_35 = tpu.memref_slice %arg8[%multiple_of3A_5] : memref<10240xf32, #tpu.memory_space<vmem_shared>> -> memref<640xf32, #tpu.memory_space<vmem_shared>>
      tpu.wait_dma2 semaphore(%run_scoped3A : memref<!tpu.dma_semaphore, #tpu.memory_space<semaphore_mem>>) src(%arg7 : memref<640xf32, #tpu.memory_space<vmem>>) dst(%dma_wait3A_35 : memref<640xf32, #tpu.memory_space<vmem_shared>>)
      tpu.yield
    }) : () -> ()
    %barrier3A = arith.constant 0 : index
    tpu.barrier barrier_id(%barrier3A)
    %scan3A_19 = arith.constant 0 : i32
    %scan3A_20 = arith.constant 0 : i32
    %scan3A_21 = arith.constant 125 : i32
    %scan3A_22 = arith.addi %scan3A_20, %scan3A_21 : i32
    %scan3A_23 = arith.constant 1 : i32
    %scan3A_24 = scf.for %scan3A_34 = %scan3A_20 to %scan3A_22 step %scan3A_23 iter_args(%scan3A_35 = %scan3A_19) -> (i32)  : i32 {
      %mul3A_36 = arith.constant 80 : i32
      %mul3A_37 = arith.muli %scan3A_34, %mul3A_36 : i32
      %multiple_of3A_38 = tpu.assume_multiple %mul3A_37, 80 : i32
      "tpu.region"() ({
        %run_scoped3A = tpu.sem_alloc : memref<!tpu.dma_semaphore, #tpu.memory_space<semaphore_mem>>
        %dma_start3A = tpu.memref_slice %arg5[%multiple_of3A_38] : memref<10000xi32, #tpu.memory_space<vmem>> -> memref<80xi32, #tpu.memory_space<vmem>>
        %dma_start3A_40 = arith.constant 0 : i32
        %dma_start3A_41 = tpu.memref_slice %arg8[%dma_start3A_40] : memref<10240xf32, #tpu.memory_space<vmem_shared>> -> memref<10240xf32, #tpu.memory_space<vmem_shared>>
        tpu.enqueue_indirect_dma source(%arg6 : memref<80xf32, #tpu.memory_space<vmem>>) target(%dma_start3A_41 : memref<10240xf32, #tpu.memory_space<vmem_shared>>) offsets(%dma_start3A : memref<80xi32, #tpu.memory_space<vmem>>) semaphore(%run_scoped3A : memref<!tpu.dma_semaphore, #tpu.memory_space<semaphore_mem>>) {add = true}
        %dma_wait3A = tpu.memref_slice %arg5[%multiple_of3A_38] : memref<10000xi32, #tpu.memory_space<vmem>> -> memref<80xi32, #tpu.memory_space<vmem>>
        %dma_wait3A_42 = arith.constant 0 : i32
        %dma_wait3A_43 = tpu.memref_slice %arg8[%dma_wait3A_42] : memref<10240xf32, #tpu.memory_space<vmem_shared>> -> memref<10240xf32, #tpu.memory_space<vmem_shared>>
        tpu.wait_indirect_dma semaphore(%run_scoped3A : memref<!tpu.dma_semaphore, #tpu.memory_space<semaphore_mem>>) src(%arg6 : memref<80xf32, #tpu.memory_space<vmem>>) dst(%dma_wait3A_43 : memref<10240xf32, #tpu.memory_space<vmem_shared>>)
        tpu.yield
      }) : () -> ()
      %scan3A_39 = arith.constant 0 : i32
      scf.yield %scan3A_39 : i32
    }
    %scan3A_25 = arith.constant 125 : i32
    %barrier3A_26 = arith.constant 0 : index
    tpu.barrier barrier_id(%barrier3A_26)
    %eq3A = arith.constant 0 : i32
    %eq3A_27 = arith.cmpi eq, %arg0, %eq3A : i32
    %convert_element_type3A = arith.extui %eq3A_27 : i1 to i32
    %cond3A = arith.constant 0 : i32
    %cond3A_28 = arith.cmpi ne, %convert_element_type3A, %cond3A : i32
    scf.if %cond3A_28 {
      "tpu.region"() ({
        %run_scoped3A = tpu.sem_alloc : memref<!tpu.dma_semaphore, #tpu.memory_space<semaphore_mem>>
        %dma_start3A = tpu.memref_slice %arg3[%multiple_of3A_5] : memref<10240xf32, #tpu.memory_space<hbm>> -> memref<640xf32, #tpu.memory_space<hbm>>
        %dma_start3A_34 = tpu.memref_slice %arg8[%multiple_of3A_5] : memref<10240xf32, #tpu.memory_space<vmem_shared>> -> memref<640xf32, #tpu.memory_space<vmem_shared>>
        tpu.enqueue_dma source(%dma_start3A_34 : memref<640xf32, #tpu.memory_space<vmem_shared>>) target(%dma_start3A : memref<640xf32, #tpu.memory_space<hbm>>) target_semaphore(%run_scoped3A : memref<!tpu.dma_semaphore, #tpu.memory_space<semaphore_mem>>)
        %dma_wait3A = tpu.memref_slice %arg3[%multiple_of3A_5] : memref<10240xf32, #tpu.memory_space<hbm>> -> memref<640xf32, #tpu.memory_space<hbm>>
        %dma_wait3A_35 = tpu.memref_slice %arg8[%multiple_of3A_5] : memref<10240xf32, #tpu.memory_space<vmem_shared>> -> memref<640xf32, #tpu.memory_space<vmem_shared>>
        tpu.wait_dma2 semaphore(%run_scoped3A : memref<!tpu.dma_semaphore, #tpu.memory_space<semaphore_mem>>) src(%dma_wait3A_35 : memref<640xf32, #tpu.memory_space<vmem_shared>>) dst(%dma_wait3A : memref<640xf32, #tpu.memory_space<hbm>>)
        tpu.yield
      }) : () -> ()
    } else {
    }
    %eq3A_29 = arith.constant 1 : i32
    %eq3A_30 = arith.cmpi eq, %arg0, %eq3A_29 : i32
    %convert_element_type3A_31 = arith.extui %eq3A_30 : i1 to i32
    %cond3A_32 = arith.constant 0 : i32
    %cond3A_33 = arith.cmpi ne, %convert_element_type3A_31, %cond3A_32 : i32
    scf.if %cond3A_33 {
      "tpu.region"() ({
        %run_scoped3A = tpu.sem_alloc : memref<!tpu.dma_semaphore, #tpu.memory_space<semaphore_mem>>
        %dma_start3A = tpu.memref_slice %arg4[%multiple_of3A_5] : memref<10240xf32, #tpu.memory_space<hbm>> -> memref<640xf32, #tpu.memory_space<hbm>>
        %dma_start3A_34 = tpu.memref_slice %arg8[%multiple_of3A_5] : memref<10240xf32, #tpu.memory_space<vmem_shared>> -> memref<640xf32, #tpu.memory_space<vmem_shared>>
        tpu.enqueue_dma source(%dma_start3A_34 : memref<640xf32, #tpu.memory_space<vmem_shared>>) target(%dma_start3A : memref<640xf32, #tpu.memory_space<hbm>>) target_semaphore(%run_scoped3A : memref<!tpu.dma_semaphore, #tpu.memory_space<semaphore_mem>>)
        %dma_wait3A = tpu.memref_slice %arg4[%multiple_of3A_5] : memref<10240xf32, #tpu.memory_space<hbm>> -> memref<640xf32, #tpu.memory_space<hbm>>
        %dma_wait3A_35 = tpu.memref_slice %arg8[%multiple_of3A_5] : memref<10240xf32, #tpu.memory_space<vmem_shared>> -> memref<640xf32, #tpu.memory_space<vmem_shared>>
        tpu.wait_dma2 semaphore(%run_scoped3A : memref<!tpu.dma_semaphore, #tpu.memory_space<semaphore_mem>>) src(%dma_wait3A_35 : memref<640xf32, #tpu.memory_space<vmem_shared>>) dst(%dma_wait3A : memref<640xf32, #tpu.memory_space<hbm>>)
        tpu.yield
      }) : () -> ()
    } else {
    }
    return
  }
}

#map = affine_map<(d0, d1) -> (0, 0)>
#map1 = affine_map<(d0, d1) -> (0)>
module attributes {stable_mosaic.version = 14 : i64} {
  func.func @_sc_aggregate(%arg0: i32, %arg1: i32, %arg2: memref<10240x128xf32, #tpu.memory_space<hbm>>, %arg3: memref<320000xi32, #tpu.memory_space<hbm>>, %arg4: memref<320000xi32, #tpu.memory_space<hbm>>, %arg5: memref<10240x128xf32, #tpu.memory_space<hbm>>, %arg6: memref<10240x128xf32, #tpu.memory_space<hbm>>, %arg7: memref<4992xi32, #tpu.memory_space<vmem>>, %arg8: memref<9984xi32, #tpu.memory_space<vmem>>, %arg9: memref<128xi32, #tpu.memory_space<vmem>>, %arg10: memref<128xi32, #tpu.memory_space<vmem>>, %arg11: memref<128x128xf32, #tpu.memory_space<vmem>>, %arg12: memref<128x128xf32, #tpu.memory_space<vmem>>, %arg13: memref<10240x128xf32, #tpu.memory_space<vmem_shared>>, %arg14: memref<!tpu.dma_semaphore, #tpu.memory_space<semaphore_mem>>, %arg15: memref<!tpu.dma_semaphore, #tpu.memory_space<semaphore_mem>>) attributes {dimension_semantics = [#tpu.dimension_semantics<core_parallel>, #tpu.dimension_semantics<subcore_parallel>], iteration_bounds = array<i64: 2, 16>, scalar_prefetch = 0 : i64, scratch_operands = 9 : i64, tpu.core_type = #tpu.core_type<sc_vector_subcore>, window_params = [{transform_indices = #map}, {transform_indices = #map1}, {transform_indices = #map1}, {transform_indices = #map}, {transform_indices = #map}]} {
    %mul3A = arith.constant 16 : i32
    %mul3A_0 = arith.muli %arg0, %mul3A : i32
    %add3A = arith.addi %mul3A_0, %arg1 : i32
    %mul3A_1 = arith.constant 9984 : i32
    %mul3A_2 = arith.muli %add3A, %mul3A_1 : i32
    %multiple_of3A = tpu.assume_multiple %mul3A_2, 8 : i32
    %mul3A_3 = arith.constant 640 : i32
    %mul3A_4 = arith.muli %arg1, %mul3A_3 : i32
    %multiple_of3A_5 = tpu.assume_multiple %mul3A_4, 640 : i32
    "tpu.region"() ({
      %run_scoped3A = tpu.sem_alloc : memref<!tpu.dma_semaphore, #tpu.memory_space<semaphore_mem>>
      %dma_start3A_83 = tpu.memref_slice %arg4[%multiple_of3A] : memref<320000xi32, #tpu.memory_space<hbm>> -> memref<9984xi32, #tpu.memory_space<hbm>>
      %dma_start3A_84 = tpu.memref_slice %arg4[%multiple_of3A] : memref<320000xi32, #tpu.memory_space<hbm>> -> memref<9984xi32, #tpu.memory_space<hbm>>
      tpu.enqueue_dma source(%dma_start3A_84 : memref<9984xi32, #tpu.memory_space<hbm>>) target(%arg8 : memref<9984xi32, #tpu.memory_space<vmem>>) target_semaphore(%run_scoped3A : memref<!tpu.dma_semaphore, #tpu.memory_space<semaphore_mem>>)
      %dma_wait3A_85 = tpu.memref_slice %arg4[%multiple_of3A] : memref<320000xi32, #tpu.memory_space<hbm>> -> memref<9984xi32, #tpu.memory_space<hbm>>
      %dma_wait3A_86 = tpu.memref_slice %arg4[%multiple_of3A] : memref<320000xi32, #tpu.memory_space<hbm>> -> memref<9984xi32, #tpu.memory_space<hbm>>
      tpu.wait_dma2 semaphore(%run_scoped3A : memref<!tpu.dma_semaphore, #tpu.memory_space<semaphore_mem>>) src(%dma_wait3A_86 : memref<9984xi32, #tpu.memory_space<hbm>>) dst(%arg8 : memref<9984xi32, #tpu.memory_space<vmem>>)
      tpu.yield
    }) : () -> ()
    %eq3A = arith.constant 0 : i32
    %eq3A_6 = arith.cmpi eq, %arg0, %eq3A : i32
    %convert_element_type3A = arith.extui %eq3A_6 : i1 to i32
    %cond3A = arith.constant 0 : i32
    %cond3A_7 = arith.cmpi ne, %convert_element_type3A, %cond3A : i32
    scf.if %cond3A_7 {
      "tpu.region"() ({
        %run_scoped3A = tpu.sem_alloc : memref<!tpu.dma_semaphore, #tpu.memory_space<semaphore_mem>>
        %dma_start3A_83 = arith.constant 0 : i32
        %dma_start3A_84 = tpu.memref_slice %arg13[%multiple_of3A_5, %dma_start3A_83] : memref<10240x128xf32, #tpu.memory_space<vmem_shared>> -> memref<640x128xf32, #tpu.memory_space<vmem_shared>>
        %dma_start3A_85 = arith.constant 0 : i32
        %dma_start3A_86 = tpu.memref_slice %arg2[%multiple_of3A_5, %dma_start3A_85] : memref<10240x128xf32, #tpu.memory_space<hbm>> -> memref<640x128xf32, #tpu.memory_space<hbm>>
        tpu.enqueue_dma source(%dma_start3A_86 : memref<640x128xf32, #tpu.memory_space<hbm>>) target(%dma_start3A_84 : memref<640x128xf32, #tpu.memory_space<vmem_shared>>) target_semaphore(%run_scoped3A : memref<!tpu.dma_semaphore, #tpu.memory_space<semaphore_mem>>)
        %dma_wait3A_87 = arith.constant 0 : i32
        %dma_wait3A_88 = tpu.memref_slice %arg13[%multiple_of3A_5, %dma_wait3A_87] : memref<10240x128xf32, #tpu.memory_space<vmem_shared>> -> memref<640x128xf32, #tpu.memory_space<vmem_shared>>
        %dma_wait3A_89 = arith.constant 0 : i32
        %dma_wait3A_90 = tpu.memref_slice %arg2[%multiple_of3A_5, %dma_wait3A_89] : memref<10240x128xf32, #tpu.memory_space<hbm>> -> memref<640x128xf32, #tpu.memory_space<hbm>>
        tpu.wait_dma2 semaphore(%run_scoped3A : memref<!tpu.dma_semaphore, #tpu.memory_space<semaphore_mem>>) src(%dma_wait3A_90 : memref<640x128xf32, #tpu.memory_space<hbm>>) dst(%dma_wait3A_88 : memref<640x128xf32, #tpu.memory_space<vmem_shared>>)
        tpu.yield
      }) : () -> ()
    } else {
    }
    %eq3A_8 = arith.constant 1 : i32
    %eq3A_9 = arith.cmpi eq, %arg0, %eq3A_8 : i32
    %convert_element_type3A_10 = arith.extui %eq3A_9 : i1 to i32
    %cond3A_11 = arith.constant 0 : i32
    %cond3A_12 = arith.cmpi ne, %convert_element_type3A_10, %cond3A_11 : i32
    scf.if %cond3A_12 {
      %scan3A_83 = arith.constant 0 : i32
      %scan3A_84 = arith.constant 0 : i32
      %scan3A_85 = arith.constant 128 : i32
      %scan3A_86 = arith.addi %scan3A_84, %scan3A_85 : i32
      %scan3A_87 = arith.constant 1 : i32
      %scan3A_88 = scf.for %scan3A_100 = %scan3A_84 to %scan3A_86 step %scan3A_87 iter_args(%scan3A_101 = %scan3A_83) -> (i32)  : i32 {
        %broadcast_in_dim3A = arith.constant 0.000000e+00 : f32
        %broadcast_in_dim3A_102 = vector.broadcast %broadcast_in_dim3A : f32 to vector<16xf32>
        %swap3A = arith.index_cast %scan3A_100 : i32 to index
        %swap3A_103 = arith.constant 0 : index
        %swap3A_104 = tpu.vector_load %arg11[%swap3A, %swap3A_103] {strides = array<i32>} : memref<128x128xf32, #tpu.memory_space<vmem>>, vector<1x16xf32>,
        %swap3A_105 = vector.shape_cast %swap3A_104 : vector<1x16xf32> to vector<16xf32>
        %swap3A_106 = vector.shape_cast %broadcast_in_dim3A_102 : vector<16xf32> to vector<1x16xf32>
        tpu.vector_store %arg11[%swap3A, %swap3A_103], %swap3A_106 {strides = array<i32>} : memref<128x128xf32, #tpu.memory_space<vmem>>, vector<1x16xf32>,
        %broadcast_in_dim3A_107 = arith.constant 0.000000e+00 : f32
        %broadcast_in_dim3A_108 = vector.broadcast %broadcast_in_dim3A_107 : f32 to vector<16xf32>
        %swap3A_109 = arith.index_cast %scan3A_100 : i32 to index
        %swap3A_110 = arith.constant 16 : index
        %swap3A_111 = tpu.vector_load %arg11[%swap3A_109, %swap3A_110] {strides = array<i32>} : memref<128x128xf32, #tpu.memory_space<vmem>>, vector<1x16xf32>,
        %swap3A_112 = vector.shape_cast %swap3A_111 : vector<1x16xf32> to vector<16xf32>
        %swap3A_113 = vector.shape_cast %broadcast_in_dim3A_108 : vector<16xf32> to vector<1x16xf32>
        tpu.vector_store %arg11[%swap3A_109, %swap3A_110], %swap3A_113 {strides = array<i32>} : memref<128x128xf32, #tpu.memory_space<vmem>>, vector<1x16xf32>,
        %broadcast_in_dim3A_114 = arith.constant 0.000000e+00 : f32
        %broadcast_in_dim3A_115 = vector.broadcast %broadcast_in_dim3A_114 : f32 to vector<16xf32>
        %swap3A_116 = arith.index_cast %scan3A_100 : i32 to index
        %swap3A_117 = arith.constant 32 : index
        %swap3A_118 = tpu.vector_load %arg11[%swap3A_116, %swap3A_117] {strides = array<i32>} : memref<128x128xf32, #tpu.memory_space<vmem>>, vector<1x16xf32>,
        %swap3A_119 = vector.shape_cast %swap3A_118 : vector<1x16xf32> to vector<16xf32>
        %swap3A_120 = vector.shape_cast %broadcast_in_dim3A_115 : vector<16xf32> to vector<1x16xf32>
        tpu.vector_store %arg11[%swap3A_116, %swap3A_117], %swap3A_120 {strides = array<i32>} : memref<128x128xf32, #tpu.memory_space<vmem>>, vector<1x16xf32>,
        %broadcast_in_dim3A_121 = arith.constant 0.000000e+00 : f32
        %broadcast_in_dim3A_122 = vector.broadcast %broadcast_in_dim3A_121 : f32 to vector<16xf32>
        %swap3A_123 = arith.index_cast %scan3A_100 : i32 to index
        %swap3A_124 = arith.constant 48 : index
        %swap3A_125 = tpu.vector_load %arg11[%swap3A_123, %swap3A_124] {strides = array<i32>} : memref<128x128xf32, #tpu.memory_space<vmem>>, vector<1x16xf32>,
        %swap3A_126 = vector.shape_cast %swap3A_125 : vector<1x16xf32> to vector<16xf32>
        %swap3A_127 = vector.shape_cast %broadcast_in_dim3A_122 : vector<16xf32> to vector<1x16xf32>
        tpu.vector_store %arg11[%swap3A_123, %swap3A_124], %swap3A_127 {strides = array<i32>} : memref<128x128xf32, #tpu.memory_space<vmem>>, vector<1x16xf32>,
        %broadcast_in_dim3A_128 = arith.constant 0.000000e+00 : f32
        %broadcast_in_dim3A_129 = vector.broadcast %broadcast_in_dim3A_128 : f32 to vector<16xf32>
        %swap3A_130 = arith.index_cast %scan3A_100 : i32 to index
        %swap3A_131 = arith.constant 64 : index
        %swap3A_132 = tpu.vector_load %arg11[%swap3A_130, %swap3A_131] {strides = array<i32>} : memref<128x128xf32, #tpu.memory_space<vmem>>, vector<1x16xf32>,
        %swap3A_133 = vector.shape_cast %swap3A_132 : vector<1x16xf32> to vector<16xf32>
        %swap3A_134 = vector.shape_cast %broadcast_in_dim3A_129 : vector<16xf32> to vector<1x16xf32>
        tpu.vector_store %arg11[%swap3A_130, %swap3A_131], %swap3A_134 {strides = array<i32>} : memref<128x128xf32, #tpu.memory_space<vmem>>, vector<1x16xf32>,
        %broadcast_in_dim3A_135 = arith.constant 0.000000e+00 : f32
        %broadcast_in_dim3A_136 = vector.broadcast %broadcast_in_dim3A_135 : f32 to vector<16xf32>
        %swap3A_137 = arith.index_cast %scan3A_100 : i32 to index
        %swap3A_138 = arith.constant 80 : index
        %swap3A_139 = tpu.vector_load %arg11[%swap3A_137, %swap3A_138] {strides = array<i32>} : memref<128x128xf32, #tpu.memory_space<vmem>>, vector<1x16xf32>,
        %swap3A_140 = vector.shape_cast %swap3A_139 : vector<1x16xf32> to vector<16xf32>
        %swap3A_141 = vector.shape_cast %broadcast_in_dim3A_136 : vector<16xf32> to vector<1x16xf32>
        tpu.vector_store %arg11[%swap3A_137, %swap3A_138], %swap3A_141 {strides = array<i32>} : memref<128x128xf32, #tpu.memory_space<vmem>>, vector<1x16xf32>,
        %broadcast_in_dim3A_142 = arith.constant 0.000000e+00 : f32
        %broadcast_in_dim3A_143 = vector.broadcast %broadcast_in_dim3A_142 : f32 to vector<16xf32>
        %swap3A_144 = arith.index_cast %scan3A_100 : i32 to index
        %swap3A_145 = arith.constant 96 : index
        %swap3A_146 = tpu.vector_load %arg11[%swap3A_144, %swap3A_145] {strides = array<i32>} : memref<128x128xf32, #tpu.memory_space<vmem>>, vector<1x16xf32>,
        %swap3A_147 = vector.shape_cast %swap3A_146 : vector<1x16xf32> to vector<16xf32>
        %swap3A_148 = vector.shape_cast %broadcast_in_dim3A_143 : vector<16xf32> to vector<1x16xf32>
        tpu.vector_store %arg11[%swap3A_144, %swap3A_145], %swap3A_148 {strides = array<i32>} : memref<128x128xf32, #tpu.memory_space<vmem>>, vector<1x16xf32>,
        %broadcast_in_dim3A_149 = arith.constant 0.000000e+00 : f32
        %broadcast_in_dim3A_150 = vector.broadcast %broadcast_in_dim3A_149 : f32 to vector<16xf32>
        %swap3A_151 = arith.index_cast %scan3A_100 : i32 to index
        %swap3A_152 = arith.constant 112 : index
        %swap3A_153 = tpu.vector_load %arg11[%swap3A_151, %swap3A_152] {strides = array<i32>} : memref<128x128xf32, #tpu.memory_space<vmem>>, vector<1x16xf32>,
        %swap3A_154 = vector.shape_cast %swap3A_153 : vector<1x16xf32> to vector<16xf32>
        %swap3A_155 = vector.shape_cast %broadcast_in_dim3A_150 : vector<16xf32> to vector<1x16xf32>
        tpu.vector_store %arg11[%swap3A_151, %swap3A_152], %swap3A_155 {strides = array<i32>} : memref<128x128xf32, #tpu.memory_space<vmem>>, vector<1x16xf32>,
        %scan3A_156 = arith.constant 0 : i32
        scf.yield %scan3A_156 : i32
      }
      %scan3A_89 = arith.constant 128 : i32
      %add3A_90 = arith.constant 0 : i32
      %add3A_91 = arith.addi %multiple_of3A_5, %add3A_90 : i32
      "tpu.region"() ({
        %run_scoped3A = tpu.sem_alloc : memref<!tpu.dma_semaphore, #tpu.memory_space<semaphore_mem>>
        %dma_start3A_100 = arith.constant 0 : i32
        %dma_start3A_101 = tpu.memref_slice %arg13[%add3A_91, %dma_start3A_100] : memref<10240x128xf32, #tpu.memory_space<vmem_shared>> -> memref<128x128xf32, #tpu.memory_space<vmem_shared>>
        %dma_start3A_102 = arith.constant 0 : i32
        %dma_start3A_103 = tpu.memref_slice %arg13[%add3A_91, %dma_start3A_102] : memref<10240x128xf32, #tpu.memory_space<vmem_shared>> -> memref<128x128xf32, #tpu.memory_space<vmem_shared>>
        tpu.enqueue_dma source(%arg11 : memref<128x128xf32, #tpu.memory_space<vmem>>) target(%dma_start3A_103 : memref<128x128xf32, #tpu.memory_space<vmem_shared>>) target_semaphore(%run_scoped3A : memref<!tpu.dma_semaphore, #tpu.memory_space<semaphore_mem>>)
        %dma_wait3A_104 = arith.constant 0 : i32
        %dma_wait3A_105 = tpu.memref_slice %arg13[%add3A_91, %dma_wait3A_104] : memref<10240x128xf32, #tpu.memory_space<vmem_shared>> -> memref<128x128xf32, #tpu.memory_space<vmem_shared>>
        %dma_wait3A_106 = arith.constant 0 : i32
        %dma_wait3A_107 = tpu.memref_slice %arg13[%add3A_91, %dma_wait3A_106] : memref<10240x128xf32, #tpu.memory_space<vmem_shared>> -> memref<128x128xf32, #tpu.memory_space<vmem_shared>>
        tpu.wait_dma2 semaphore(%run_scoped3A : memref<!tpu.dma_semaphore, #tpu.memory_space<semaphore_mem>>) src(%arg11 : memref<128x128xf32, #tpu.memory_space<vmem>>) dst(%dma_wait3A_107 : memref<128x128xf32, #tpu.memory_space<vmem_shared>>)
        tpu.yield
      }) : () -> ()
      %add3A_92 = arith.constant 128 : i32
      %add3A_93 = arith.addi %multiple_of3A_5, %add3A_92 : i32
      "tpu.region"() ({
        %run_scoped3A = tpu.sem_alloc : memref<!tpu.dma_semaphore, #tpu.memory_space<semaphore_mem>>
        %dma_start3A_100 = arith.constant 0 : i32
        %dma_start3A_101 = tpu.memref_slice %arg13[%add3A_93, %dma_start3A_100] : memref<10240x128xf32, #tpu.memory_space<vmem_shared>> -> memref<128x128xf32, #tpu.memory_space<vmem_shared>>
        %dma_start3A_102 = arith.constant 0 : i32
        %dma_start3A_103 = tpu.memref_slice %arg13[%add3A_93, %dma_start3A_102] : memref<10240x128xf32, #tpu.memory_space<vmem_shared>> -> memref<128x128xf32, #tpu.memory_space<vmem_shared>>
        tpu.enqueue_dma source(%arg11 : memref<128x128xf32, #tpu.memory_space<vmem>>) target(%dma_start3A_103 : memref<128x128xf32, #tpu.memory_space<vmem_shared>>) target_semaphore(%run_scoped3A : memref<!tpu.dma_semaphore, #tpu.memory_space<semaphore_mem>>)
        %dma_wait3A_104 = arith.constant 0 : i32
        %dma_wait3A_105 = tpu.memref_slice %arg13[%add3A_93, %dma_wait3A_104] : memref<10240x128xf32, #tpu.memory_space<vmem_shared>> -> memref<128x128xf32, #tpu.memory_space<vmem_shared>>
        %dma_wait3A_106 = arith.constant 0 : i32
        %dma_wait3A_107 = tpu.memref_slice %arg13[%add3A_93, %dma_wait3A_106] : memref<10240x128xf32, #tpu.memory_space<vmem_shared>> -> memref<128x128xf32, #tpu.memory_space<vmem_shared>>
        tpu.wait_dma2 semaphore(%run_scoped3A : memref<!tpu.dma_semaphore, #tpu.memory_space<semaphore_mem>>) src(%arg11 : memref<128x128xf32, #tpu.memory_space<vmem>>) dst(%dma_wait3A_107 : memref<128x128xf32, #tpu.memory_space<vmem_shared>>)
        tpu.yield
      }) : () -> ()
      %add3A_94 = arith.constant 256 : i32
      %add3A_95 = arith.addi %multiple_of3A_5, %add3A_94 : i32
      "tpu.region"() ({
        %run_scoped3A = tpu.sem_alloc : memref<!tpu.dma_semaphore, #tpu.memory_space<semaphore_mem>>
        %dma_start3A_100 = arith.constant 0 : i32
        %dma_start3A_101 = tpu.memref_slice %arg13[%add3A_95, %dma_start3A_100] : memref<10240x128xf32, #tpu.memory_space<vmem_shared>> -> memref<128x128xf32, #tpu.memory_space<vmem_shared>>
        %dma_start3A_102 = arith.constant 0 : i32
        %dma_start3A_103 = tpu.memref_slice %arg13[%add3A_95, %dma_start3A_102] : memref<10240x128xf32, #tpu.memory_space<vmem_shared>> -> memref<128x128xf32, #tpu.memory_space<vmem_shared>>
        tpu.enqueue_dma source(%arg11 : memref<128x128xf32, #tpu.memory_space<vmem>>) target(%dma_start3A_103 : memref<128x128xf32, #tpu.memory_space<vmem_shared>>) target_semaphore(%run_scoped3A : memref<!tpu.dma_semaphore, #tpu.memory_space<semaphore_mem>>)
        %dma_wait3A_104 = arith.constant 0 : i32
        %dma_wait3A_105 = tpu.memref_slice %arg13[%add3A_95, %dma_wait3A_104] : memref<10240x128xf32, #tpu.memory_space<vmem_shared>> -> memref<128x128xf32, #tpu.memory_space<vmem_shared>>
        %dma_wait3A_106 = arith.constant 0 : i32
        %dma_wait3A_107 = tpu.memref_slice %arg13[%add3A_95, %dma_wait3A_106] : memref<10240x128xf32, #tpu.memory_space<vmem_shared>> -> memref<128x128xf32, #tpu.memory_space<vmem_shared>>
        tpu.wait_dma2 semaphore(%run_scoped3A : memref<!tpu.dma_semaphore, #tpu.memory_space<semaphore_mem>>) src(%arg11 : memref<128x128xf32, #tpu.memory_space<vmem>>) dst(%dma_wait3A_107 : memref<128x128xf32, #tpu.memory_space<vmem_shared>>)
        tpu.yield
      }) : () -> ()
      %add3A_96 = arith.constant 384 : i32
      %add3A_97 = arith.addi %multiple_of3A_5, %add3A_96 : i32
      "tpu.region"() ({
        %run_scoped3A = tpu.sem_alloc : memref<!tpu.dma_semaphore, #tpu.memory_space<semaphore_mem>>
        %dma_start3A_100 = arith.constant 0 : i32
        %dma_start3A_101 = tpu.memref_slice %arg13[%add3A_97, %dma_start3A_100] : memref<10240x128xf32, #tpu.memory_space<vmem_shared>> -> memref<128x128xf32, #tpu.memory_space<vmem_shared>>
        %dma_start3A_102 = arith.constant 0 : i32
        %dma_start3A_103 = tpu.memref_slice %arg13[%add3A_97, %dma_start3A_102] : memref<10240x128xf32, #tpu.memory_space<vmem_shared>> -> memref<128x128xf32, #tpu.memory_space<vmem_shared>>
        tpu.enqueue_dma source(%arg11 : memref<128x128xf32, #tpu.memory_space<vmem>>) target(%dma_start3A_103 : memref<128x128xf32, #tpu.memory_space<vmem_shared>>) target_semaphore(%run_scoped3A : memref<!tpu.dma_semaphore, #tpu.memory_space<semaphore_mem>>)
        %dma_wait3A_104 = arith.constant 0 : i32
        %dma_wait3A_105 = tpu.memref_slice %arg13[%add3A_97, %dma_wait3A_104] : memref<10240x128xf32, #tpu.memory_space<vmem_shared>> -> memref<128x128xf32, #tpu.memory_space<vmem_shared>>
        %dma_wait3A_106 = arith.constant 0 : i32
        %dma_wait3A_107 = tpu.memref_slice %arg13[%add3A_97, %dma_wait3A_106] : memref<10240x128xf32, #tpu.memory_space<vmem_shared>> -> memref<128x128xf32, #tpu.memory_space<vmem_shared>>
        tpu.wait_dma2 semaphore(%run_scoped3A : memref<!tpu.dma_semaphore, #tpu.memory_space<semaphore_mem>>) src(%arg11 : memref<128x128xf32, #tpu.memory_space<vmem>>) dst(%dma_wait3A_107 : memref<128x128xf32, #tpu.memory_space<vmem_shared>>)
        tpu.yield
      }) : () -> ()
      %add3A_98 = arith.constant 512 : i32
      %add3A_99 = arith.addi %multiple_of3A_5, %add3A_98 : i32
      "tpu.region"() ({
        %run_scoped3A = tpu.sem_alloc : memref<!tpu.dma_semaphore, #tpu.memory_space<semaphore_mem>>
        %dma_start3A_100 = arith.constant 0 : i32
        %dma_start3A_101 = tpu.memref_slice %arg13[%add3A_99, %dma_start3A_100] : memref<10240x128xf32, #tpu.memory_space<vmem_shared>> -> memref<128x128xf32, #tpu.memory_space<vmem_shared>>
        %dma_start3A_102 = arith.constant 0 : i32
        %dma_start3A_103 = tpu.memref_slice %arg13[%add3A_99, %dma_start3A_102] : memref<10240x128xf32, #tpu.memory_space<vmem_shared>> -> memref<128x128xf32, #tpu.memory_space<vmem_shared>>
        tpu.enqueue_dma source(%arg11 : memref<128x128xf32, #tpu.memory_space<vmem>>) target(%dma_start3A_103 : memref<128x128xf32, #tpu.memory_space<vmem_shared>>) target_semaphore(%run_scoped3A : memref<!tpu.dma_semaphore, #tpu.memory_space<semaphore_mem>>)
        %dma_wait3A_104 = arith.constant 0 : i32
        %dma_wait3A_105 = tpu.memref_slice %arg13[%add3A_99, %dma_wait3A_104] : memref<10240x128xf32, #tpu.memory_space<vmem_shared>> -> memref<128x128xf32, #tpu.memory_space<vmem_shared>>
        %dma_wait3A_106 = arith.constant 0 : i32
        %dma_wait3A_107 = tpu.memref_slice %arg13[%add3A_99, %dma_wait3A_106] : memref<10240x128xf32, #tpu.memory_space<vmem_shared>> -> memref<128x128xf32, #tpu.memory_space<vmem_shared>>
        tpu.wait_dma2 semaphore(%run_scoped3A : memref<!tpu.dma_semaphore, #tpu.memory_space<semaphore_mem>>) src(%arg11 : memref<128x128xf32, #tpu.memory_space<vmem>>) dst(%dma_wait3A_107 : memref<128x128xf32, #tpu.memory_space<vmem_shared>>)
        tpu.yield
      }) : () -> ()
    } else {
    }
    %barrier3A = arith.constant 0 : index
    tpu.barrier barrier_id(%barrier3A)
    %lt3A = arith.constant 4 : i32
    %lt3A_13 = arith.cmpi slt, %add3A, %lt3A : i32
    %convert_element_type3A_14 = arith.extui %lt3A_13 : i1 to i32
    %cond3A_15 = arith.constant 0 : i32
    %cond3A_16 = arith.cmpi ne, %convert_element_type3A_14, %cond3A_15 : i32
    scf.if %cond3A_16 {
      %mul3A_83 = arith.constant 128 : i32
      %mul3A_84 = arith.muli %add3A, %mul3A_83 : i32
      %add3A_85 = arith.constant 319488 : i32
      %add3A_86 = arith.addi %add3A_85, %mul3A_84 : i32
      %multiple_of3A_87 = tpu.assume_multiple %add3A_86, 8 : i32
      "tpu.region"() ({
        %run_scoped3A = tpu.sem_alloc : memref<!tpu.dma_semaphore, #tpu.memory_space<semaphore_mem>>
        %dma_start3A_94 = tpu.memref_slice %arg3[%multiple_of3A_87] : memref<320000xi32, #tpu.memory_space<hbm>> -> memref<128xi32, #tpu.memory_space<hbm>>
        %dma_start3A_95 = tpu.memref_slice %arg3[%multiple_of3A_87] : memref<320000xi32, #tpu.memory_space<hbm>> -> memref<128xi32, #tpu.memory_space<hbm>>
        tpu.enqueue_dma source(%dma_start3A_95 : memref<128xi32, #tpu.memory_space<hbm>>) target(%arg9 : memref<128xi32, #tpu.memory_space<vmem>>) target_semaphore(%run_scoped3A : memref<!tpu.dma_semaphore, #tpu.memory_space<semaphore_mem>>)
        %dma_wait3A_96 = tpu.memref_slice %arg3[%multiple_of3A_87] : memref<320000xi32, #tpu.memory_space<hbm>> -> memref<128xi32, #tpu.memory_space<hbm>>
        %dma_wait3A_97 = tpu.memref_slice %arg3[%multiple_of3A_87] : memref<320000xi32, #tpu.memory_space<hbm>> -> memref<128xi32, #tpu.memory_space<hbm>>
        tpu.wait_dma2 semaphore(%run_scoped3A : memref<!tpu.dma_semaphore, #tpu.memory_space<semaphore_mem>>) src(%dma_wait3A_97 : memref<128xi32, #tpu.memory_space<hbm>>) dst(%arg9 : memref<128xi32, #tpu.memory_space<vmem>>)
        tpu.yield
      }) : () -> ()
      "tpu.region"() ({
        %run_scoped3A = tpu.sem_alloc : memref<!tpu.dma_semaphore, #tpu.memory_space<semaphore_mem>>
        %dma_start3A_94 = tpu.memref_slice %arg4[%multiple_of3A_87] : memref<320000xi32, #tpu.memory_space<hbm>> -> memref<128xi32, #tpu.memory_space<hbm>>
        %dma_start3A_95 = tpu.memref_slice %arg4[%multiple_of3A_87] : memref<320000xi32, #tpu.memory_space<hbm>> -> memref<128xi32, #tpu.memory_space<hbm>>
        tpu.enqueue_dma source(%dma_start3A_95 : memref<128xi32, #tpu.memory_space<hbm>>) target(%arg10 : memref<128xi32, #tpu.memory_space<vmem>>) target_semaphore(%run_scoped3A : memref<!tpu.dma_semaphore, #tpu.memory_space<semaphore_mem>>)
        %dma_wait3A_96 = tpu.memref_slice %arg4[%multiple_of3A_87] : memref<320000xi32, #tpu.memory_space<hbm>> -> memref<128xi32, #tpu.memory_space<hbm>>
        %dma_wait3A_97 = tpu.memref_slice %arg4[%multiple_of3A_87] : memref<320000xi32, #tpu.memory_space<hbm>> -> memref<128xi32, #tpu.memory_space<hbm>>
        tpu.wait_dma2 semaphore(%run_scoped3A : memref<!tpu.dma_semaphore, #tpu.memory_space<semaphore_mem>>) src(%dma_wait3A_97 : memref<128xi32, #tpu.memory_space<hbm>>) dst(%arg10 : memref<128xi32, #tpu.memory_space<vmem>>)
        tpu.yield
      }) : () -> ()
      %dma_start3A_88 = arith.constant 0 : i32
      %dma_start3A_89 = arith.constant 0 : i32
      %dma_start3A_90 = tpu.memref_slice %arg2[%dma_start3A_88, %dma_start3A_89] : memref<10240x128xf32, #tpu.memory_space<hbm>> -> memref<10240x128xf32, #tpu.memory_space<hbm>>
      tpu.enqueue_indirect_dma source(%dma_start3A_90 : memref<10240x128xf32, #tpu.memory_space<hbm>>) target(%arg11 : memref<128x128xf32, #tpu.memory_space<vmem>>) offsets(%arg9 : memref<128xi32, #tpu.memory_space<vmem>>) semaphore(%arg14 : memref<!tpu.dma_semaphore, #tpu.memory_space<semaphore_mem>>)
      %dma_wait3A_91 = arith.constant 0 : i32
      %dma_wait3A_92 = arith.constant 0 : i32
      %dma_wait3A_93 = tpu.memref_slice %arg2[%dma_wait3A_91, %dma_wait3A_92] : memref<10240x128xf32, #tpu.memory_space<hbm>> -> memref<10240x128xf32, #tpu.memory_space<hbm>>
      tpu.wait_indirect_dma semaphore(%arg14 : memref<!tpu.dma_semaphore, #tpu.memory_space<semaphore_mem>>) src(%dma_wait3A_93 : memref<10240x128xf32, #tpu.memory_space<hbm>>) dst(%arg11 : memref<128x128xf32, #tpu.memory_space<vmem>>)
      "tpu.region"() ({
        %run_scoped3A = tpu.sem_alloc : memref<!tpu.dma_semaphore, #tpu.memory_space<semaphore_mem>>
        %dma_start3A_94 = arith.constant 0 : i32
        %dma_start3A_95 = arith.constant 0 : i32
        %dma_start3A_96 = tpu.memref_slice %arg13[%dma_start3A_94, %dma_start3A_95] : memref<10240x128xf32, #tpu.memory_space<vmem_shared>> -> memref<10240x128xf32, #tpu.memory_space<vmem_shared>>
        tpu.enqueue_indirect_dma source(%arg11 : memref<128x128xf32, #tpu.memory_space<vmem>>) target(%dma_start3A_96 : memref<10240x128xf32, #tpu.memory_space<vmem_shared>>) offsets(%arg10 : memref<128xi32, #tpu.memory_space<vmem>>) semaphore(%run_scoped3A : memref<!tpu.dma_semaphore, #tpu.memory_space<semaphore_mem>>) {add = true}
        %dma_wait3A_97 = arith.constant 0 : i32
        %dma_wait3A_98 = arith.constant 0 : i32
        %dma_wait3A_99 = tpu.memref_slice %arg13[%dma_wait3A_97, %dma_wait3A_98] : memref<10240x128xf32, #tpu.memory_space<vmem_shared>> -> memref<10240x128xf32, #tpu.memory_space<vmem_shared>>
        tpu.wait_indirect_dma semaphore(%run_scoped3A : memref<!tpu.dma_semaphore, #tpu.memory_space<semaphore_mem>>) src(%arg11 : memref<128x128xf32, #tpu.memory_space<vmem>>) dst(%dma_wait3A_99 : memref<10240x128xf32, #tpu.memory_space<vmem_shared>>)
        tpu.yield
      }) : () -> ()
    } else {
    }
    %add3A_17 = arith.constant 0 : i32
    %add3A_18 = arith.addi %multiple_of3A, %add3A_17 : i32
    %multiple_of3A_19 = tpu.assume_multiple %add3A_18, 8 : i32
    "tpu.region"() ({
      %run_scoped3A = tpu.sem_alloc : memref<!tpu.dma_semaphore, #tpu.memory_space<semaphore_mem>>
      %dma_start3A_83 = tpu.memref_slice %arg3[%multiple_of3A_19] : memref<320000xi32, #tpu.memory_space<hbm>> -> memref<4992xi32, #tpu.memory_space<hbm>>
      %dma_start3A_84 = tpu.memref_slice %arg3[%multiple_of3A_19] : memref<320000xi32, #tpu.memory_space<hbm>> -> memref<4992xi32, #tpu.memory_space<hbm>>
      tpu.enqueue_dma source(%dma_start3A_84 : memref<4992xi32, #tpu.memory_space<hbm>>) target(%arg7 : memref<4992xi32, #tpu.memory_space<vmem>>) target_semaphore(%run_scoped3A : memref<!tpu.dma_semaphore, #tpu.memory_space<semaphore_mem>>)
      %dma_wait3A_85 = tpu.memref_slice %arg3[%multiple_of3A_19] : memref<320000xi32, #tpu.memory_space<hbm>> -> memref<4992xi32, #tpu.memory_space<hbm>>
      %dma_wait3A_86 = tpu.memref_slice %arg3[%multiple_of3A_19] : memref<320000xi32, #tpu.memory_space<hbm>> -> memref<4992xi32, #tpu.memory_space<hbm>>
      tpu.wait_dma2 semaphore(%run_scoped3A : memref<!tpu.dma_semaphore, #tpu.memory_space<semaphore_mem>>) src(%dma_wait3A_86 : memref<4992xi32, #tpu.memory_space<hbm>>) dst(%arg7 : memref<4992xi32, #tpu.memory_space<vmem>>)
      tpu.yield
    }) : () -> ()
    %multiple_of3A_20 = arith.constant 0 : i32
    %multiple_of3A_21 = tpu.assume_multiple %multiple_of3A_20, 128 : i32
    %dma_start3A = tpu.memref_slice %arg7[%multiple_of3A_21] : memref<4992xi32, #tpu.memory_space<vmem>> -> memref<128xi32, #tpu.memory_space<vmem>>
    %dma_start3A_22 = arith.constant 0 : i32
    %dma_start3A_23 = arith.constant 0 : i32
    %dma_start3A_24 = tpu.memref_slice %arg2[%dma_start3A_22, %dma_start3A_23] : memref<10240x128xf32, #tpu.memory_space<hbm>> -> memref<10240x128xf32, #tpu.memory_space<hbm>>
    tpu.enqueue_indirect_dma source(%dma_start3A_24 : memref<10240x128xf32, #tpu.memory_space<hbm>>) target(%arg11 : memref<128x128xf32, #tpu.memory_space<vmem>>) offsets(%dma_start3A : memref<128xi32, #tpu.memory_space<vmem>>) semaphore(%arg14 : memref<!tpu.dma_semaphore, #tpu.memory_space<semaphore_mem>>)
    %multiple_of3A_25 = arith.constant 128 : i32
    %multiple_of3A_26 = tpu.assume_multiple %multiple_of3A_25, 128 : i32
    %dma_start3A_27 = tpu.memref_slice %arg7[%multiple_of3A_26] : memref<4992xi32, #tpu.memory_space<vmem>> -> memref<128xi32, #tpu.memory_space<vmem>>
    %dma_start3A_28 = arith.constant 0 : i32
    %dma_start3A_29 = arith.constant 0 : i32
    %dma_start3A_30 = tpu.memref_slice %arg2[%dma_start3A_28, %dma_start3A_29] : memref<10240x128xf32, #tpu.memory_space<hbm>> -> memref<10240x128xf32, #tpu.memory_space<hbm>>
    tpu.enqueue_indirect_dma source(%dma_start3A_30 : memref<10240x128xf32, #tpu.memory_space<hbm>>) target(%arg12 : memref<128x128xf32, #tpu.memory_space<vmem>>) offsets(%dma_start3A_27 : memref<128xi32, #tpu.memory_space<vmem>>) semaphore(%arg15 : memref<!tpu.dma_semaphore, #tpu.memory_space<semaphore_mem>>)
    %scan3A = arith.constant 0 : i32
    %scan3A_31 = arith.constant 0 : i32
    %scan3A_32 = arith.constant 19 : i32
    %scan3A_33 = arith.addi %scan3A_31, %scan3A_32 : i32
    %scan3A_34 = arith.constant 1 : i32
    %scan3A_35 = scf.for %scan3A_83 = %scan3A_31 to %scan3A_33 step %scan3A_34 iter_args(%scan3A_84 = %scan3A) -> (i32)  : i32 {
      %mul3A_85 = arith.constant 2 : i32
      %mul3A_86 = arith.muli %mul3A_85, %scan3A_83 : i32
      %dma_wait3A_87 = arith.constant 0 : i32
      %dma_wait3A_88 = tpu.memref_slice %arg7[%dma_wait3A_87] : memref<4992xi32, #tpu.memory_space<vmem>> -> memref<128xi32, #tpu.memory_space<vmem>>
      %dma_wait3A_89 = arith.constant 0 : i32
      %dma_wait3A_90 = arith.constant 0 : i32
      %dma_wait3A_91 = tpu.memref_slice %arg2[%dma_wait3A_89, %dma_wait3A_90] : memref<10240x128xf32, #tpu.memory_space<hbm>> -> memref<10240x128xf32, #tpu.memory_space<hbm>>
      tpu.wait_indirect_dma semaphore(%arg14 : memref<!tpu.dma_semaphore, #tpu.memory_space<semaphore_mem>>) src(%dma_wait3A_91 : memref<10240x128xf32, #tpu.memory_space<hbm>>) dst(%arg11 : memref<128x128xf32, #tpu.memory_space<vmem>>)
      %add3A_92 = arith.constant 0 : i32
      %add3A_93 = arith.addi %add3A_92, %mul3A_86 : i32
      %mul3A_94 = arith.constant 128 : i32
      %mul3A_95 = arith.muli %add3A_93, %mul3A_94 : i32
      %multiple_of3A_96 = tpu.assume_multiple %mul3A_95, 128 : i32
      "tpu.region"() ({
        %run_scoped3A = tpu.sem_alloc : memref<!tpu.dma_semaphore, #tpu.memory_space<semaphore_mem>>
        %dma_start3A_126 = tpu.memref_slice %arg8[%multiple_of3A_96] : memref<9984xi32, #tpu.memory_space<vmem>> -> memref<128xi32, #tpu.memory_space<vmem>>
        %dma_start3A_127 = arith.constant 0 : i32
        %dma_start3A_128 = arith.constant 0 : i32
        %dma_start3A_129 = tpu.memref_slice %arg13[%dma_start3A_127, %dma_start3A_128] : memref<10240x128xf32, #tpu.memory_space<vmem_shared>> -> memref<10240x128xf32, #tpu.memory_space<vmem_shared>>
        tpu.enqueue_indirect_dma source(%arg11 : memref<128x128xf32, #tpu.memory_space<vmem>>) target(%dma_start3A_129 : memref<10240x128xf32, #tpu.memory_space<vmem_shared>>) offsets(%dma_start3A_126 : memref<128xi32, #tpu.memory_space<vmem>>) semaphore(%run_scoped3A : memref<!tpu.dma_semaphore, #tpu.memory_space<semaphore_mem>>) {add = true}
        %dma_wait3A_130 = tpu.memref_slice %arg8[%multiple_of3A_96] : memref<9984xi32, #tpu.memory_space<vmem>> -> memref<128xi32, #tpu.memory_space<vmem>>
        %dma_wait3A_131 = arith.constant 0 : i32
        %dma_wait3A_132 = arith.constant 0 : i32
        %dma_wait3A_133 = tpu.memref_slice %arg13[%dma_wait3A_131, %dma_wait3A_132] : memref<10240x128xf32, #tpu.memory_space<vmem_shared>> -> memref<10240x128xf32, #tpu.memory_space<vmem_shared>>
        tpu.wait_indirect_dma semaphore(%run_scoped3A : memref<!tpu.dma_semaphore, #tpu.memory_space<semaphore_mem>>) src(%arg11 : memref<128x128xf32, #tpu.memory_space<vmem>>) dst(%dma_wait3A_133 : memref<10240x128xf32, #tpu.memory_space<vmem_shared>>)
        tpu.yield
      }) : () -> ()
      %add3A_97 = arith.constant 2 : i32
      %add3A_98 = arith.addi %mul3A_86, %add3A_97 : i32
      %mul3A_99 = arith.constant 128 : i32
      %mul3A_100 = arith.muli %add3A_98, %mul3A_99 : i32
      %multiple_of3A_101 = tpu.assume_multiple %mul3A_100, 128 : i32
      %dma_start3A_102 = tpu.memref_slice %arg7[%multiple_of3A_101] : memref<4992xi32, #tpu.memory_space<vmem>> -> memref<128xi32, #tpu.memory_space<vmem>>
      %dma_start3A_103 = arith.constant 0 : i32
      %dma_start3A_104 = arith.constant 0 : i32
      %dma_start3A_105 = tpu.memref_slice %arg2[%dma_start3A_103, %dma_start3A_104] : memref<10240x128xf32, #tpu.memory_space<hbm>> -> memref<10240x128xf32, #tpu.memory_space<hbm>>
      tpu.enqueue_indirect_dma source(%dma_start3A_105 : memref<10240x128xf32, #tpu.memory_space<hbm>>) target(%arg11 : memref<128x128xf32, #tpu.memory_space<vmem>>) offsets(%dma_start3A_102 : memref<128xi32, #tpu.memory_space<vmem>>) semaphore(%arg14 : memref<!tpu.dma_semaphore, #tpu.memory_space<semaphore_mem>>)
      %dma_wait3A_106 = arith.constant 0 : i32
      %dma_wait3A_107 = tpu.memref_slice %arg7[%dma_wait3A_106] : memref<4992xi32, #tpu.memory_space<vmem>> -> memref<128xi32, #tpu.memory_space<vmem>>
      %dma_wait3A_108 = arith.constant 0 : i32
      %dma_wait3A_109 = arith.constant 0 : i32
      %dma_wait3A_110 = tpu.memref_slice %arg2[%dma_wait3A_108, %dma_wait3A_109] : memref<10240x128xf32, #tpu.memory_space<hbm>> -> memref<10240x128xf32, #tpu.memory_space<hbm>>
      tpu.wait_indirect_dma semaphore(%arg15 : memref<!tpu.dma_semaphore, #tpu.memory_space<semaphore_mem>>) src(%dma_wait3A_110 : memref<10240x128xf32, #tpu.memory_space<hbm>>) dst(%arg12 : memref<128x128xf32, #tpu.memory_space<vmem>>)
      %add3A_111 = arith.constant 0 : i32
      %add3A_112 = arith.addi %add3A_111, %mul3A_86 : i32
      %add3A_113 = arith.constant 1 : i32
      %add3A_114 = arith.addi %add3A_112, %add3A_113 : i32
      %mul3A_115 = arith.constant 128 : i32
      %mul3A_116 = arith.muli %add3A_114, %mul3A_115 : i32
      %multiple_of3A_117 = tpu.assume_multiple %mul3A_116, 128 : i32
      "tpu.region"() ({
        %run_scoped3A = tpu.sem_alloc : memref<!tpu.dma_semaphore, #tpu.memory_space<semaphore_mem>>
        %dma_start3A_126 = tpu.memref_slice %arg8[%multiple_of3A_117] : memref<9984xi32, #tpu.memory_space<vmem>> -> memref<128xi32, #tpu.memory_space<vmem>>
        %dma_start3A_127 = arith.constant 0 : i32
        %dma_start3A_128 = arith.constant 0 : i32
        %dma_start3A_129 = tpu.memref_slice %arg13[%dma_start3A_127, %dma_start3A_128] : memref<10240x128xf32, #tpu.memory_space<vmem_shared>> -> memref<10240x128xf32, #tpu.memory_space<vmem_shared>>
        tpu.enqueue_indirect_dma source(%arg12 : memref<128x128xf32, #tpu.memory_space<vmem>>) target(%dma_start3A_129 : memref<10240x128xf32, #tpu.memory_space<vmem_shared>>) offsets(%dma_start3A_126 : memref<128xi32, #tpu.memory_space<vmem>>) semaphore(%run_scoped3A : memref<!tpu.dma_semaphore, #tpu.memory_space<semaphore_mem>>) {add = true}
        %dma_wait3A_130 = tpu.memref_slice %arg8[%multiple_of3A_117] : memref<9984xi32, #tpu.memory_space<vmem>> -> memref<128xi32, #tpu.memory_space<vmem>>
        %dma_wait3A_131 = arith.constant 0 : i32
        %dma_wait3A_132 = arith.constant 0 : i32
        %dma_wait3A_133 = tpu.memref_slice %arg13[%dma_wait3A_131, %dma_wait3A_132] : memref<10240x128xf32, #tpu.memory_space<vmem_shared>> -> memref<10240x128xf32, #tpu.memory_space<vmem_shared>>
        tpu.wait_indirect_dma semaphore(%run_scoped3A : memref<!tpu.dma_semaphore, #tpu.memory_space<semaphore_mem>>) src(%arg12 : memref<128x128xf32, #tpu.memory_space<vmem>>) dst(%dma_wait3A_133 : memref<10240x128xf32, #tpu.memory_space<vmem_shared>>)
        tpu.yield
      }) : () -> ()
      %add3A_118 = arith.constant 3 : i32
      %add3A_119 = arith.addi %mul3A_86, %add3A_118 : i32
      %lt3A_120 = arith.constant 39 : i32
      %lt3A_121 = arith.cmpi slt, %add3A_119, %lt3A_120 : i32
      %convert_element_type3A_122 = arith.extui %lt3A_121 : i1 to i32
      %cond3A_123 = arith.constant 0 : i32
      %cond3A_124 = arith.cmpi ne, %convert_element_type3A_122, %cond3A_123 : i32
      scf.if %cond3A_124 {
        %add3A_126 = arith.constant 3 : i32
        %add3A_127 = arith.addi %mul3A_86, %add3A_126 : i32
        %mul3A_128 = arith.constant 128 : i32
        %mul3A_129 = arith.muli %add3A_127, %mul3A_128 : i32
        %multiple_of3A_130 = tpu.assume_multiple %mul3A_129, 128 : i32
        %dma_start3A_131 = tpu.memref_slice %arg7[%multiple_of3A_130] : memref<4992xi32, #tpu.memory_space<vmem>> -> memref<128xi32, #tpu.memory_space<vmem>>
        %dma_start3A_132 = arith.constant 0 : i32
        %dma_start3A_133 = arith.constant 0 : i32
        %dma_start3A_134 = tpu.memref_slice %arg2[%dma_start3A_132, %dma_start3A_133] : memref<10240x128xf32, #tpu.memory_space<hbm>> -> memref<10240x128xf32, #tpu.memory_space<hbm>>
        tpu.enqueue_indirect_dma source(%dma_start3A_134 : memref<10240x128xf32, #tpu.memory_space<hbm>>) target(%arg12 : memref<128x128xf32, #tpu.memory_space<vmem>>) offsets(%dma_start3A_131 : memref<128xi32, #tpu.memory_space<vmem>>) semaphore(%arg15 : memref<!tpu.dma_semaphore, #tpu.memory_space<semaphore_mem>>)
      } else {
      }
      %scan3A_125 = arith.constant 0 : i32
      scf.yield %scan3A_125 : i32
    }
    %scan3A_36 = arith.constant 19 : i32
    %dma_wait3A = arith.constant 0 : i32
    %dma_wait3A_37 = tpu.memref_slice %arg7[%dma_wait3A] : memref<4992xi32, #tpu.memory_space<vmem>> -> memref<128xi32, #tpu.memory_space<vmem>>
    %dma_wait3A_38 = arith.constant 0 : i32
    %dma_wait3A_39 = arith.constant 0 : i32
    %dma_wait3A_40 = tpu.memref_slice %arg2[%dma_wait3A_38, %dma_wait3A_39] : memref<10240x128xf32, #tpu.memory_space<hbm>> -> memref<10240x128xf32, #tpu.memory_space<hbm>>
    tpu.wait_indirect_dma semaphore(%arg14 : memref<!tpu.dma_semaphore, #tpu.memory_space<semaphore_mem>>) src(%dma_wait3A_40 : memref<10240x128xf32, #tpu.memory_space<hbm>>) dst(%arg11 : memref<128x128xf32, #tpu.memory_space<vmem>>)
    %multiple_of3A_41 = arith.constant 4864 : i32
    %multiple_of3A_42 = tpu.assume_multiple %multiple_of3A_41, 128 : i32
    "tpu.region"() ({
      %run_scoped3A = tpu.sem_alloc : memref<!tpu.dma_semaphore, #tpu.memory_space<semaphore_mem>>
      %dma_start3A_83 = tpu.memref_slice %arg8[%multiple_of3A_42] : memref<9984xi32, #tpu.memory_space<vmem>> -> memref<128xi32, #tpu.memory_space<vmem>>
      %dma_start3A_84 = arith.constant 0 : i32
      %dma_start3A_85 = arith.constant 0 : i32
      %dma_start3A_86 = tpu.memref_slice %arg13[%dma_start3A_84, %dma_start3A_85] : memref<10240x128xf32, #tpu.memory_space<vmem_shared>> -> memref<10240x128xf32, #tpu.memory_space<vmem_shared>>
      tpu.enqueue_indirect_dma source(%arg11 : memref<128x128xf32, #tpu.memory_space<vmem>>) target(%dma_start3A_86 : memref<10240x128xf32, #tpu.memory_space<vmem_shared>>) offsets(%dma_start3A_83 : memref<128xi32, #tpu.memory_space<vmem>>) semaphore(%run_scoped3A : memref<!tpu.dma_semaphore, #tpu.memory_space<semaphore_mem>>) {add = true}
      %dma_wait3A_87 = tpu.memref_slice %arg8[%multiple_of3A_42] : memref<9984xi32, #tpu.memory_space<vmem>> -> memref<128xi32, #tpu.memory_space<vmem>>
      %dma_wait3A_88 = arith.constant 0 : i32
      %dma_wait3A_89 = arith.constant 0 : i32
      %dma_wait3A_90 = tpu.memref_slice %arg13[%dma_wait3A_88, %dma_wait3A_89] : memref<10240x128xf32, #tpu.memory_space<vmem_shared>> -> memref<10240x128xf32, #tpu.memory_space<vmem_shared>>
      tpu.wait_indirect_dma semaphore(%run_scoped3A : memref<!tpu.dma_semaphore, #tpu.memory_space<semaphore_mem>>) src(%arg11 : memref<128x128xf32, #tpu.memory_space<vmem>>) dst(%dma_wait3A_90 : memref<10240x128xf32, #tpu.memory_space<vmem_shared>>)
      tpu.yield
    }) : () -> ()
    %add3A_43 = arith.constant 4992 : i32
    %add3A_44 = arith.addi %multiple_of3A, %add3A_43 : i32
    %multiple_of3A_45 = tpu.assume_multiple %add3A_44, 8 : i32
    "tpu.region"() ({
      %run_scoped3A = tpu.sem_alloc : memref<!tpu.dma_semaphore, #tpu.memory_space<semaphore_mem>>
      %dma_start3A_83 = tpu.memref_slice %arg3[%multiple_of3A_45] : memref<320000xi32, #tpu.memory_space<hbm>> -> memref<4992xi32, #tpu.memory_space<hbm>>
      %dma_start3A_84 = tpu.memref_slice %arg3[%multiple_of3A_45] : memref<320000xi32, #tpu.memory_space<hbm>> -> memref<4992xi32, #tpu.memory_space<hbm>>
      tpu.enqueue_dma source(%dma_start3A_84 : memref<4992xi32, #tpu.memory_space<hbm>>) target(%arg7 : memref<4992xi32, #tpu.memory_space<vmem>>) target_semaphore(%run_scoped3A : memref<!tpu.dma_semaphore, #tpu.memory_space<semaphore_mem>>)
      %dma_wait3A_85 = tpu.memref_slice %arg3[%multiple_of3A_45] : memref<320000xi32, #tpu.memory_space<hbm>> -> memref<4992xi32, #tpu.memory_space<hbm>>
      %dma_wait3A_86 = tpu.memref_slice %arg3[%multiple_of3A_45] : memref<320000xi32, #tpu.memory_space<hbm>> -> memref<4992xi32, #tpu.memory_space<hbm>>
      tpu.wait_dma2 semaphore(%run_scoped3A : memref<!tpu.dma_semaphore, #tpu.memory_space<semaphore_mem>>) src(%dma_wait3A_86 : memref<4992xi32, #tpu.memory_space<hbm>>) dst(%arg7 : memref<4992xi32, #tpu.memory_space<vmem>>)
      tpu.yield
    }) : () -> ()
    %multiple_of3A_46 = arith.constant 0 : i32
    %multiple_of3A_47 = tpu.assume_multiple %multiple_of3A_46, 128 : i32
    %dma_start3A_48 = tpu.memref_slice %arg7[%multiple_of3A_47] : memref<4992xi32, #tpu.memory_space<vmem>> -> memref<128xi32, #tpu.memory_space<vmem>>
    %dma_start3A_49 = arith.constant 0 : i32
    %dma_start3A_50 = arith.constant 0 : i32
    %dma_start3A_51 = tpu.memref_slice %arg2[%dma_start3A_49, %dma_start3A_50] : memref<10240x128xf32, #tpu.memory_space<hbm>> -> memref<10240x128xf32, #tpu.memory_space<hbm>>
    tpu.enqueue_indirect_dma source(%dma_start3A_51 : memref<10240x128xf32, #tpu.memory_space<hbm>>) target(%arg11 : memref<128x128xf32, #tpu.memory_space<vmem>>) offsets(%dma_start3A_48 : memref<128xi32, #tpu.memory_space<vmem>>) semaphore(%arg14 : memref<!tpu.dma_semaphore, #tpu.memory_space<semaphore_mem>>)
    %multiple_of3A_52 = arith.constant 128 : i32
    %multiple_of3A_53 = tpu.assume_multiple %multiple_of3A_52, 128 : i32
    %dma_start3A_54 = tpu.memref_slice %arg7[%multiple_of3A_53] : memref<4992xi32, #tpu.memory_space<vmem>> -> memref<128xi32, #tpu.memory_space<vmem>>
    %dma_start3A_55 = arith.constant 0 : i32
    %dma_start3A_56 = arith.constant 0 : i32
    %dma_start3A_57 = tpu.memref_slice %arg2[%dma_start3A_55, %dma_start3A_56] : memref<10240x128xf32, #tpu.memory_space<hbm>> -> memref<10240x128xf32, #tpu.memory_space<hbm>>
    tpu.enqueue_indirect_dma source(%dma_start3A_57 : memref<10240x128xf32, #tpu.memory_space<hbm>>) target(%arg12 : memref<128x128xf32, #tpu.memory_space<vmem>>) offsets(%dma_start3A_54 : memref<128xi32, #tpu.memory_space<vmem>>) semaphore(%arg15 : memref<!tpu.dma_semaphore, #tpu.memory_space<semaphore_mem>>)
    %scan3A_58 = arith.constant 0 : i32
    %scan3A_59 = arith.constant 0 : i32
    %scan3A_60 = arith.constant 19 : i32
    %scan3A_61 = arith.addi %scan3A_59, %scan3A_60 : i32
    %scan3A_62 = arith.constant 1 : i32
    %scan3A_63 = scf.for %scan3A_83 = %scan3A_59 to %scan3A_61 step %scan3A_62 iter_args(%scan3A_84 = %scan3A_58) -> (i32)  : i32 {
      %mul3A_85 = arith.constant 2 : i32
      %mul3A_86 = arith.muli %mul3A_85, %scan3A_83 : i32
      %dma_wait3A_87 = arith.constant 0 : i32
      %dma_wait3A_88 = tpu.memref_slice %arg7[%dma_wait3A_87] : memref<4992xi32, #tpu.memory_space<vmem>> -> memref<128xi32, #tpu.memory_space<vmem>>
      %dma_wait3A_89 = arith.constant 0 : i32
      %dma_wait3A_90 = arith.constant 0 : i32
      %dma_wait3A_91 = tpu.memref_slice %arg2[%dma_wait3A_89, %dma_wait3A_90] : memref<10240x128xf32, #tpu.memory_space<hbm>> -> memref<10240x128xf32, #tpu.memory_space<hbm>>
      tpu.wait_indirect_dma semaphore(%arg14 : memref<!tpu.dma_semaphore, #tpu.memory_space<semaphore_mem>>) src(%dma_wait3A_91 : memref<10240x128xf32, #tpu.memory_space<hbm>>) dst(%arg11 : memref<128x128xf32, #tpu.memory_space<vmem>>)
      %add3A_92 = arith.constant 39 : i32
      %add3A_93 = arith.addi %add3A_92, %mul3A_86 : i32
      %mul3A_94 = arith.constant 128 : i32
      %mul3A_95 = arith.muli %add3A_93, %mul3A_94 : i32
      %multiple_of3A_96 = tpu.assume_multiple %mul3A_95, 128 : i32
      "tpu.region"() ({
        %run_scoped3A = tpu.sem_alloc : memref<!tpu.dma_semaphore, #tpu.memory_space<semaphore_mem>>
        %dma_start3A_126 = tpu.memref_slice %arg8[%multiple_of3A_96] : memref<9984xi32, #tpu.memory_space<vmem>> -> memref<128xi32, #tpu.memory_space<vmem>>
        %dma_start3A_127 = arith.constant 0 : i32
        %dma_start3A_128 = arith.constant 0 : i32
        %dma_start3A_129 = tpu.memref_slice %arg13[%dma_start3A_127, %dma_start3A_128] : memref<10240x128xf32, #tpu.memory_space<vmem_shared>> -> memref<10240x128xf32, #tpu.memory_space<vmem_shared>>
        tpu.enqueue_indirect_dma source(%arg11 : memref<128x128xf32, #tpu.memory_space<vmem>>) target(%dma_start3A_129 : memref<10240x128xf32, #tpu.memory_space<vmem_shared>>) offsets(%dma_start3A_126 : memref<128xi32, #tpu.memory_space<vmem>>) semaphore(%run_scoped3A : memref<!tpu.dma_semaphore, #tpu.memory_space<semaphore_mem>>) {add = true}
        %dma_wait3A_130 = tpu.memref_slice %arg8[%multiple_of3A_96] : memref<9984xi32, #tpu.memory_space<vmem>> -> memref<128xi32, #tpu.memory_space<vmem>>
        %dma_wait3A_131 = arith.constant 0 : i32
        %dma_wait3A_132 = arith.constant 0 : i32
        %dma_wait3A_133 = tpu.memref_slice %arg13[%dma_wait3A_131, %dma_wait3A_132] : memref<10240x128xf32, #tpu.memory_space<vmem_shared>> -> memref<10240x128xf32, #tpu.memory_space<vmem_shared>>
        tpu.wait_indirect_dma semaphore(%run_scoped3A : memref<!tpu.dma_semaphore, #tpu.memory_space<semaphore_mem>>) src(%arg11 : memref<128x128xf32, #tpu.memory_space<vmem>>) dst(%dma_wait3A_133 : memref<10240x128xf32, #tpu.memory_space<vmem_shared>>)
        tpu.yield
      }) : () -> ()
      %add3A_97 = arith.constant 2 : i32
      %add3A_98 = arith.addi %mul3A_86, %add3A_97 : i32
      %mul3A_99 = arith.constant 128 : i32
      %mul3A_100 = arith.muli %add3A_98, %mul3A_99 : i32
      %multiple_of3A_101 = tpu.assume_multiple %mul3A_100, 128 : i32
      %dma_start3A_102 = tpu.memref_slice %arg7[%multiple_of3A_101] : memref<4992xi32, #tpu.memory_space<vmem>> -> memref<128xi32, #tpu.memory_space<vmem>>
      %dma_start3A_103 = arith.constant 0 : i32
      %dma_start3A_104 = arith.constant 0 : i32
      %dma_start3A_105 = tpu.memref_slice %arg2[%dma_start3A_103, %dma_start3A_104] : memref<10240x128xf32, #tpu.memory_space<hbm>> -> memref<10240x128xf32, #tpu.memory_space<hbm>>
      tpu.enqueue_indirect_dma source(%dma_start3A_105 : memref<10240x128xf32, #tpu.memory_space<hbm>>) target(%arg11 : memref<128x128xf32, #tpu.memory_space<vmem>>) offsets(%dma_start3A_102 : memref<128xi32, #tpu.memory_space<vmem>>) semaphore(%arg14 : memref<!tpu.dma_semaphore, #tpu.memory_space<semaphore_mem>>)
      %dma_wait3A_106 = arith.constant 0 : i32
      %dma_wait3A_107 = tpu.memref_slice %arg7[%dma_wait3A_106] : memref<4992xi32, #tpu.memory_space<vmem>> -> memref<128xi32, #tpu.memory_space<vmem>>
      %dma_wait3A_108 = arith.constant 0 : i32
      %dma_wait3A_109 = arith.constant 0 : i32
      %dma_wait3A_110 = tpu.memref_slice %arg2[%dma_wait3A_108, %dma_wait3A_109] : memref<10240x128xf32, #tpu.memory_space<hbm>> -> memref<10240x128xf32, #tpu.memory_space<hbm>>
      tpu.wait_indirect_dma semaphore(%arg15 : memref<!tpu.dma_semaphore, #tpu.memory_space<semaphore_mem>>) src(%dma_wait3A_110 : memref<10240x128xf32, #tpu.memory_space<hbm>>) dst(%arg12 : memref<128x128xf32, #tpu.memory_space<vmem>>)
      %add3A_111 = arith.constant 39 : i32
      %add3A_112 = arith.addi %add3A_111, %mul3A_86 : i32
      %add3A_113 = arith.constant 1 : i32
      %add3A_114 = arith.addi %add3A_112, %add3A_113 : i32
      %mul3A_115 = arith.constant 128 : i32
      %mul3A_116 = arith.muli %add3A_114, %mul3A_115 : i32
      %multiple_of3A_117 = tpu.assume_multiple %mul3A_116, 128 : i32
      "tpu.region"() ({
        %run_scoped3A = tpu.sem_alloc : memref<!tpu.dma_semaphore, #tpu.memory_space<semaphore_mem>>
        %dma_start3A_126 = tpu.memref_slice %arg8[%multiple_of3A_117] : memref<9984xi32, #tpu.memory_space<vmem>> -> memref<128xi32, #tpu.memory_space<vmem>>
        %dma_start3A_127 = arith.constant 0 : i32
        %dma_start3A_128 = arith.constant 0 : i32
        %dma_start3A_129 = tpu.memref_slice %arg13[%dma_start3A_127, %dma_start3A_128] : memref<10240x128xf32, #tpu.memory_space<vmem_shared>> -> memref<10240x128xf32, #tpu.memory_space<vmem_shared>>
        tpu.enqueue_indirect_dma source(%arg12 : memref<128x128xf32, #tpu.memory_space<vmem>>) target(%dma_start3A_129 : memref<10240x128xf32, #tpu.memory_space<vmem_shared>>) offsets(%dma_start3A_126 : memref<128xi32, #tpu.memory_space<vmem>>) semaphore(%run_scoped3A : memref<!tpu.dma_semaphore, #tpu.memory_space<semaphore_mem>>) {add = true}
        %dma_wait3A_130 = tpu.memref_slice %arg8[%multiple_of3A_117] : memref<9984xi32, #tpu.memory_space<vmem>> -> memref<128xi32, #tpu.memory_space<vmem>>
        %dma_wait3A_131 = arith.constant 0 : i32
        %dma_wait3A_132 = arith.constant 0 : i32
        %dma_wait3A_133 = tpu.memref_slice %arg13[%dma_wait3A_131, %dma_wait3A_132] : memref<10240x128xf32, #tpu.memory_space<vmem_shared>> -> memref<10240x128xf32, #tpu.memory_space<vmem_shared>>
        tpu.wait_indirect_dma semaphore(%run_scoped3A : memref<!tpu.dma_semaphore, #tpu.memory_space<semaphore_mem>>) src(%arg12 : memref<128x128xf32, #tpu.memory_space<vmem>>) dst(%dma_wait3A_133 : memref<10240x128xf32, #tpu.memory_space<vmem_shared>>)
        tpu.yield
      }) : () -> ()
      %add3A_118 = arith.constant 3 : i32
      %add3A_119 = arith.addi %mul3A_86, %add3A_118 : i32
      %lt3A_120 = arith.constant 39 : i32
      %lt3A_121 = arith.cmpi slt, %add3A_119, %lt3A_120 : i32
      %convert_element_type3A_122 = arith.extui %lt3A_121 : i1 to i32
      %cond3A_123 = arith.constant 0 : i32
      %cond3A_124 = arith.cmpi ne, %convert_element_type3A_122, %cond3A_123 : i32
      scf.if %cond3A_124 {
        %add3A_126 = arith.constant 3 : i32
        %add3A_127 = arith.addi %mul3A_86, %add3A_126 : i32
        %mul3A_128 = arith.constant 128 : i32
        %mul3A_129 = arith.muli %add3A_127, %mul3A_128 : i32
        %multiple_of3A_130 = tpu.assume_multiple %mul3A_129, 128 : i32
        %dma_start3A_131 = tpu.memref_slice %arg7[%multiple_of3A_130] : memref<4992xi32, #tpu.memory_space<vmem>> -> memref<128xi32, #tpu.memory_space<vmem>>
        %dma_start3A_132 = arith.constant 0 : i32
        %dma_start3A_133 = arith.constant 0 : i32
        %dma_start3A_134 = tpu.memref_slice %arg2[%dma_start3A_132, %dma_start3A_133] : memref<10240x128xf32, #tpu.memory_space<hbm>> -> memref<10240x128xf32, #tpu.memory_space<hbm>>
        tpu.enqueue_indirect_dma source(%dma_start3A_134 : memref<10240x128xf32, #tpu.memory_space<hbm>>) target(%arg12 : memref<128x128xf32, #tpu.memory_space<vmem>>) offsets(%dma_start3A_131 : memref<128xi32, #tpu.memory_space<vmem>>) semaphore(%arg15 : memref<!tpu.dma_semaphore, #tpu.memory_space<semaphore_mem>>)
      } else {
      }
      %scan3A_125 = arith.constant 0 : i32
      scf.yield %scan3A_125 : i32
    }
    %scan3A_64 = arith.constant 19 : i32
    %dma_wait3A_65 = arith.constant 0 : i32
    %dma_wait3A_66 = tpu.memref_slice %arg7[%dma_wait3A_65] : memref<4992xi32, #tpu.memory_space<vmem>> -> memref<128xi32, #tpu.memory_space<vmem>>
    %dma_wait3A_67 = arith.constant 0 : i32
    %dma_wait3A_68 = arith.constant 0 : i32
    %dma_wait3A_69 = tpu.memref_slice %arg2[%dma_wait3A_67, %dma_wait3A_68] : memref<10240x128xf32, #tpu.memory_space<hbm>> -> memref<10240x128xf32, #tpu.memory_space<hbm>>
    tpu.wait_indirect_dma semaphore(%arg14 : memref<!tpu.dma_semaphore, #tpu.memory_space<semaphore_mem>>) src(%dma_wait3A_69 : memref<10240x128xf32, #tpu.memory_space<hbm>>) dst(%arg11 : memref<128x128xf32, #tpu.memory_space<vmem>>)
    %multiple_of3A_70 = arith.constant 9856 : i32
    %multiple_of3A_71 = tpu.assume_multiple %multiple_of3A_70, 128 : i32
    "tpu.region"() ({
      %run_scoped3A = tpu.sem_alloc : memref<!tpu.dma_semaphore, #tpu.memory_space<semaphore_mem>>
      %dma_start3A_83 = tpu.memref_slice %arg8[%multiple_of3A_71] : memref<9984xi32, #tpu.memory_space<vmem>> -> memref<128xi32, #tpu.memory_space<vmem>>
      %dma_start3A_84 = arith.constant 0 : i32
      %dma_start3A_85 = arith.constant 0 : i32
      %dma_start3A_86 = tpu.memref_slice %arg13[%dma_start3A_84, %dma_start3A_85] : memref<10240x128xf32, #tpu.memory_space<vmem_shared>> -> memref<10240x128xf32, #tpu.memory_space<vmem_shared>>
      tpu.enqueue_indirect_dma source(%arg11 : memref<128x128xf32, #tpu.memory_space<vmem>>) target(%dma_start3A_86 : memref<10240x128xf32, #tpu.memory_space<vmem_shared>>) offsets(%dma_start3A_83 : memref<128xi32, #tpu.memory_space<vmem>>) semaphore(%run_scoped3A : memref<!tpu.dma_semaphore, #tpu.memory_space<semaphore_mem>>) {add = true}
      %dma_wait3A_87 = tpu.memref_slice %arg8[%multiple_of3A_71] : memref<9984xi32, #tpu.memory_space<vmem>> -> memref<128xi32, #tpu.memory_space<vmem>>
      %dma_wait3A_88 = arith.constant 0 : i32
      %dma_wait3A_89 = arith.constant 0 : i32
      %dma_wait3A_90 = tpu.memref_slice %arg13[%dma_wait3A_88, %dma_wait3A_89] : memref<10240x128xf32, #tpu.memory_space<vmem_shared>> -> memref<10240x128xf32, #tpu.memory_space<vmem_shared>>
      tpu.wait_indirect_dma semaphore(%run_scoped3A : memref<!tpu.dma_semaphore, #tpu.memory_space<semaphore_mem>>) src(%arg11 : memref<128x128xf32, #tpu.memory_space<vmem>>) dst(%dma_wait3A_90 : memref<10240x128xf32, #tpu.memory_space<vmem_shared>>)
      tpu.yield
    }) : () -> ()
    %barrier3A_72 = arith.constant 0 : index
    tpu.barrier barrier_id(%barrier3A_72)
    %eq3A_73 = arith.constant 0 : i32
    %eq3A_74 = arith.cmpi eq, %arg0, %eq3A_73 : i32
    %convert_element_type3A_75 = arith.extui %eq3A_74 : i1 to i32
    %cond3A_76 = arith.constant 0 : i32
    %cond3A_77 = arith.cmpi ne, %convert_element_type3A_75, %cond3A_76 : i32
    scf.if %cond3A_77 {
      "tpu.region"() ({
        %run_scoped3A = tpu.sem_alloc : memref<!tpu.dma_semaphore, #tpu.memory_space<semaphore_mem>>
        %dma_start3A_83 = arith.constant 0 : i32
        %dma_start3A_84 = tpu.memref_slice %arg5[%multiple_of3A_5, %dma_start3A_83] : memref<10240x128xf32, #tpu.memory_space<hbm>> -> memref<640x128xf32, #tpu.memory_space<hbm>>
        %dma_start3A_85 = arith.constant 0 : i32
        %dma_start3A_86 = tpu.memref_slice %arg13[%multiple_of3A_5, %dma_start3A_85] : memref<10240x128xf32, #tpu.memory_space<vmem_shared>> -> memref<640x128xf32, #tpu.memory_space<vmem_shared>>
        tpu.enqueue_dma source(%dma_start3A_86 : memref<640x128xf32, #tpu.memory_space<vmem_shared>>) target(%dma_start3A_84 : memref<640x128xf32, #tpu.memory_space<hbm>>) target_semaphore(%run_scoped3A : memref<!tpu.dma_semaphore, #tpu.memory_space<semaphore_mem>>)
        %dma_wait3A_87 = arith.constant 0 : i32
        %dma_wait3A_88 = tpu.memref_slice %arg5[%multiple_of3A_5, %dma_wait3A_87] : memref<10240x128xf32, #tpu.memory_space<hbm>> -> memref<640x128xf32, #tpu.memory_space<hbm>>
        %dma_wait3A_89 = arith.constant 0 : i32
        %dma_wait3A_90 = tpu.memref_slice %arg13[%multiple_of3A_5, %dma_wait3A_89] : memref<10240x128xf32, #tpu.memory_space<vmem_shared>> -> memref<640x128xf32, #tpu.memory_space<vmem_shared>>
        tpu.wait_dma2 semaphore(%run_scoped3A : memref<!tpu.dma_semaphore, #tpu.memory_space<semaphore_mem>>) src(%dma_wait3A_90 : memref<640x128xf32, #tpu.memory_space<vmem_shared>>) dst(%dma_wait3A_88 : memref<640x128xf32, #tpu.memory_space<hbm>>)
        tpu.yield
      }) : () -> ()
    } else {
    }
    %eq3A_78 = arith.constant 1 : i32
    %eq3A_79 = arith.cmpi eq, %arg0, %eq3A_78 : i32
    %convert_element_type3A_80 = arith.extui %eq3A_79 : i1 to i32
    %cond3A_81 = arith.constant 0 : i32
    %cond3A_82 = arith.cmpi ne, %convert_element_type3A_80, %cond3A_81 : i32
    scf.if %cond3A_82 {
      "tpu.region"() ({
        %run_scoped3A = tpu.sem_alloc : memref<!tpu.dma_semaphore, #tpu.memory_space<semaphore_mem>>
        %dma_start3A_83 = arith.constant 0 : i32
        %dma_start3A_84 = tpu.memref_slice %arg6[%multiple_of3A_5, %dma_start3A_83] : memref<10240x128xf32, #tpu.memory_space<hbm>> -> memref<640x128xf32, #tpu.memory_space<hbm>>
        %dma_start3A_85 = arith.constant 0 : i32
        %dma_start3A_86 = tpu.memref_slice %arg13[%multiple_of3A_5, %dma_start3A_85] : memref<10240x128xf32, #tpu.memory_space<vmem_shared>> -> memref<640x128xf32, #tpu.memory_space<vmem_shared>>
        tpu.enqueue_dma source(%dma_start3A_86 : memref<640x128xf32, #tpu.memory_space<vmem_shared>>) target(%dma_start3A_84 : memref<640x128xf32, #tpu.memory_space<hbm>>) target_semaphore(%run_scoped3A : memref<!tpu.dma_semaphore, #tpu.memory_space<semaphore_mem>>)
        %dma_wait3A_87 = arith.constant 0 : i32
        %dma_wait3A_88 = tpu.memref_slice %arg6[%multiple_of3A_5, %dma_wait3A_87] : memref<10240x128xf32, #tpu.memory_space<hbm>> -> memref<640x128xf32, #tpu.memory_space<hbm>>
        %dma_wait3A_89 = arith.constant 0 : i32
        %dma_wait3A_90 = tpu.memref_slice %arg13[%multiple_of3A_5, %dma_wait3A_89] : memref<10240x128xf32, #tpu.memory_space<vmem_shared>> -> memref<640x128xf32, #tpu.memory_space<vmem_shared>>
        tpu.wait_dma2 semaphore(%run_scoped3A : memref<!tpu.dma_semaphore, #tpu.memory_space<semaphore_mem>>) src(%dma_wait3A_90 : memref<640x128xf32, #tpu.memory_space<vmem_shared>>) dst(%dma_wait3A_88 : memref<640x128xf32, #tpu.memory_space<hbm>>)
        tpu.yield
      }) : () -> ()
    } else {
    }
    return
  }
}

#map = affine_map<(d0, d1) -> (0, 0)>
#map1 = affine_map<(d0, d1) -> (0)>
module attributes {stable_mosaic.version = 14 : i64} {
  func.func @_sc_aggregate(%arg0: i32, %arg1: i32, %arg2: memref<10240x128xf32, #tpu.memory_space<hbm>>, %arg3: memref<320000xi32, #tpu.memory_space<hbm>>, %arg4: memref<320000xi32, #tpu.memory_space<hbm>>, %arg5: memref<10240x128xf32, #tpu.memory_space<hbm>>, %arg6: memref<10240x128xf32, #tpu.memory_space<hbm>>, %arg7: memref<4992xi32, #tpu.memory_space<vmem>>, %arg8: memref<9984xi32, #tpu.memory_space<vmem>>, %arg9: memref<128xi32, #tpu.memory_space<vmem>>, %arg10: memref<128xi32, #tpu.memory_space<vmem>>, %arg11: memref<128x128xf32, #tpu.memory_space<vmem>>, %arg12: memref<128x128xf32, #tpu.memory_space<vmem>>, %arg13: memref<10240x128xf32, #tpu.memory_space<vmem_shared>>, %arg14: memref<!tpu.dma_semaphore, #tpu.memory_space<semaphore_mem>>, %arg15: memref<!tpu.dma_semaphore, #tpu.memory_space<semaphore_mem>>) attributes {dimension_semantics = [#tpu.dimension_semantics<core_parallel>, #tpu.dimension_semantics<subcore_parallel>], iteration_bounds = array<i64: 2, 16>, scalar_prefetch = 0 : i64, scratch_operands = 9 : i64, tpu.core_type = #tpu.core_type<sc_vector_subcore>, window_params = [{transform_indices = #map}, {transform_indices = #map1}, {transform_indices = #map1}, {transform_indices = #map}, {transform_indices = #map}]} {
    %mul3A = arith.constant 16 : i32
    %mul3A_0 = arith.muli %arg0, %mul3A : i32
    %add3A = arith.addi %mul3A_0, %arg1 : i32
    %mul3A_1 = arith.constant 9984 : i32
    %mul3A_2 = arith.muli %add3A, %mul3A_1 : i32
    %multiple_of3A = tpu.assume_multiple %mul3A_2, 8 : i32
    %mul3A_3 = arith.constant 640 : i32
    %mul3A_4 = arith.muli %arg1, %mul3A_3 : i32
    %multiple_of3A_5 = tpu.assume_multiple %mul3A_4, 640 : i32
    "tpu.region"() ({
      %run_scoped3A = tpu.sem_alloc : memref<!tpu.dma_semaphore, #tpu.memory_space<semaphore_mem>>
      %dma_start3A_83 = tpu.memref_slice %arg4[%multiple_of3A] : memref<320000xi32, #tpu.memory_space<hbm>> -> memref<9984xi32, #tpu.memory_space<hbm>>
      %dma_start3A_84 = tpu.memref_slice %arg4[%multiple_of3A] : memref<320000xi32, #tpu.memory_space<hbm>> -> memref<9984xi32, #tpu.memory_space<hbm>>
      tpu.enqueue_dma source(%dma_start3A_84 : memref<9984xi32, #tpu.memory_space<hbm>>) target(%arg8 : memref<9984xi32, #tpu.memory_space<vmem>>) target_semaphore(%run_scoped3A : memref<!tpu.dma_semaphore, #tpu.memory_space<semaphore_mem>>)
      %dma_wait3A_85 = tpu.memref_slice %arg4[%multiple_of3A] : memref<320000xi32, #tpu.memory_space<hbm>> -> memref<9984xi32, #tpu.memory_space<hbm>>
      %dma_wait3A_86 = tpu.memref_slice %arg4[%multiple_of3A] : memref<320000xi32, #tpu.memory_space<hbm>> -> memref<9984xi32, #tpu.memory_space<hbm>>
      tpu.wait_dma2 semaphore(%run_scoped3A : memref<!tpu.dma_semaphore, #tpu.memory_space<semaphore_mem>>) src(%dma_wait3A_86 : memref<9984xi32, #tpu.memory_space<hbm>>) dst(%arg8 : memref<9984xi32, #tpu.memory_space<vmem>>)
      tpu.yield
    }) : () -> ()
    %eq3A = arith.constant 0 : i32
    %eq3A_6 = arith.cmpi eq, %arg0, %eq3A : i32
    %convert_element_type3A = arith.extui %eq3A_6 : i1 to i32
    %cond3A = arith.constant 0 : i32
    %cond3A_7 = arith.cmpi ne, %convert_element_type3A, %cond3A : i32
    scf.if %cond3A_7 {
      "tpu.region"() ({
        %run_scoped3A = tpu.sem_alloc : memref<!tpu.dma_semaphore, #tpu.memory_space<semaphore_mem>>
        %dma_start3A_83 = arith.constant 0 : i32
        %dma_start3A_84 = tpu.memref_slice %arg13[%multiple_of3A_5, %dma_start3A_83] : memref<10240x128xf32, #tpu.memory_space<vmem_shared>> -> memref<640x128xf32, #tpu.memory_space<vmem_shared>>
        %dma_start3A_85 = arith.constant 0 : i32
        %dma_start3A_86 = tpu.memref_slice %arg2[%multiple_of3A_5, %dma_start3A_85] : memref<10240x128xf32, #tpu.memory_space<hbm>> -> memref<640x128xf32, #tpu.memory_space<hbm>>
        tpu.enqueue_dma source(%dma_start3A_86 : memref<640x128xf32, #tpu.memory_space<hbm>>) target(%dma_start3A_84 : memref<640x128xf32, #tpu.memory_space<vmem_shared>>) target_semaphore(%run_scoped3A : memref<!tpu.dma_semaphore, #tpu.memory_space<semaphore_mem>>)
        %dma_wait3A_87 = arith.constant 0 : i32
        %dma_wait3A_88 = tpu.memref_slice %arg13[%multiple_of3A_5, %dma_wait3A_87] : memref<10240x128xf32, #tpu.memory_space<vmem_shared>> -> memref<640x128xf32, #tpu.memory_space<vmem_shared>>
        %dma_wait3A_89 = arith.constant 0 : i32
        %dma_wait3A_90 = tpu.memref_slice %arg2[%multiple_of3A_5, %dma_wait3A_89] : memref<10240x128xf32, #tpu.memory_space<hbm>> -> memref<640x128xf32, #tpu.memory_space<hbm>>
        tpu.wait_dma2 semaphore(%run_scoped3A : memref<!tpu.dma_semaphore, #tpu.memory_space<semaphore_mem>>) src(%dma_wait3A_90 : memref<640x128xf32, #tpu.memory_space<hbm>>) dst(%dma_wait3A_88 : memref<640x128xf32, #tpu.memory_space<vmem_shared>>)
        tpu.yield
      }) : () -> ()
    } else {
    }
    %eq3A_8 = arith.constant 1 : i32
    %eq3A_9 = arith.cmpi eq, %arg0, %eq3A_8 : i32
    %convert_element_type3A_10 = arith.extui %eq3A_9 : i1 to i32
    %cond3A_11 = arith.constant 0 : i32
    %cond3A_12 = arith.cmpi ne, %convert_element_type3A_10, %cond3A_11 : i32
    scf.if %cond3A_12 {
      %scan3A_83 = arith.constant 0 : i32
      %scan3A_84 = arith.constant 0 : i32
      %scan3A_85 = arith.constant 128 : i32
      %scan3A_86 = arith.addi %scan3A_84, %scan3A_85 : i32
      %scan3A_87 = arith.constant 1 : i32
      %scan3A_88 = scf.for %scan3A_100 = %scan3A_84 to %scan3A_86 step %scan3A_87 iter_args(%scan3A_101 = %scan3A_83) -> (i32)  : i32 {
        %broadcast_in_dim3A = arith.constant 0.000000e+00 : f32
        %broadcast_in_dim3A_102 = vector.broadcast %broadcast_in_dim3A : f32 to vector<16xf32>
        %swap3A = arith.index_cast %scan3A_100 : i32 to index
        %swap3A_103 = arith.constant 0 : index
        %swap3A_104 = tpu.vector_load %arg11[%swap3A, %swap3A_103] {strides = array<i32>} : memref<128x128xf32, #tpu.memory_space<vmem>>, vector<1x16xf32>,
        %swap3A_105 = vector.shape_cast %swap3A_104 : vector<1x16xf32> to vector<16xf32>
        %swap3A_106 = vector.shape_cast %broadcast_in_dim3A_102 : vector<16xf32> to vector<1x16xf32>
        tpu.vector_store %arg11[%swap3A, %swap3A_103], %swap3A_106 {strides = array<i32>} : memref<128x128xf32, #tpu.memory_space<vmem>>, vector<1x16xf32>,
        %broadcast_in_dim3A_107 = arith.constant 0.000000e+00 : f32
        %broadcast_in_dim3A_108 = vector.broadcast %broadcast_in_dim3A_107 : f32 to vector<16xf32>
        %swap3A_109 = arith.index_cast %scan3A_100 : i32 to index
        %swap3A_110 = arith.constant 16 : index
        %swap3A_111 = tpu.vector_load %arg11[%swap3A_109, %swap3A_110] {strides = array<i32>} : memref<128x128xf32, #tpu.memory_space<vmem>>, vector<1x16xf32>,
        %swap3A_112 = vector.shape_cast %swap3A_111 : vector<1x16xf32> to vector<16xf32>
        %swap3A_113 = vector.shape_cast %broadcast_in_dim3A_108 : vector<16xf32> to vector<1x16xf32>
        tpu.vector_store %arg11[%swap3A_109, %swap3A_110], %swap3A_113 {strides = array<i32>} : memref<128x128xf32, #tpu.memory_space<vmem>>, vector<1x16xf32>,
        %broadcast_in_dim3A_114 = arith.constant 0.000000e+00 : f32
        %broadcast_in_dim3A_115 = vector.broadcast %broadcast_in_dim3A_114 : f32 to vector<16xf32>
        %swap3A_116 = arith.index_cast %scan3A_100 : i32 to index
        %swap3A_117 = arith.constant 32 : index
        %swap3A_118 = tpu.vector_load %arg11[%swap3A_116, %swap3A_117] {strides = array<i32>} : memref<128x128xf32, #tpu.memory_space<vmem>>, vector<1x16xf32>,
        %swap3A_119 = vector.shape_cast %swap3A_118 : vector<1x16xf32> to vector<16xf32>
        %swap3A_120 = vector.shape_cast %broadcast_in_dim3A_115 : vector<16xf32> to vector<1x16xf32>
        tpu.vector_store %arg11[%swap3A_116, %swap3A_117], %swap3A_120 {strides = array<i32>} : memref<128x128xf32, #tpu.memory_space<vmem>>, vector<1x16xf32>,
        %broadcast_in_dim3A_121 = arith.constant 0.000000e+00 : f32
        %broadcast_in_dim3A_122 = vector.broadcast %broadcast_in_dim3A_121 : f32 to vector<16xf32>
        %swap3A_123 = arith.index_cast %scan3A_100 : i32 to index
        %swap3A_124 = arith.constant 48 : index
        %swap3A_125 = tpu.vector_load %arg11[%swap3A_123, %swap3A_124] {strides = array<i32>} : memref<128x128xf32, #tpu.memory_space<vmem>>, vector<1x16xf32>,
        %swap3A_126 = vector.shape_cast %swap3A_125 : vector<1x16xf32> to vector<16xf32>
        %swap3A_127 = vector.shape_cast %broadcast_in_dim3A_122 : vector<16xf32> to vector<1x16xf32>
        tpu.vector_store %arg11[%swap3A_123, %swap3A_124], %swap3A_127 {strides = array<i32>} : memref<128x128xf32, #tpu.memory_space<vmem>>, vector<1x16xf32>,
        %broadcast_in_dim3A_128 = arith.constant 0.000000e+00 : f32
        %broadcast_in_dim3A_129 = vector.broadcast %broadcast_in_dim3A_128 : f32 to vector<16xf32>
        %swap3A_130 = arith.index_cast %scan3A_100 : i32 to index
        %swap3A_131 = arith.constant 64 : index
        %swap3A_132 = tpu.vector_load %arg11[%swap3A_130, %swap3A_131] {strides = array<i32>} : memref<128x128xf32, #tpu.memory_space<vmem>>, vector<1x16xf32>,
        %swap3A_133 = vector.shape_cast %swap3A_132 : vector<1x16xf32> to vector<16xf32>
        %swap3A_134 = vector.shape_cast %broadcast_in_dim3A_129 : vector<16xf32> to vector<1x16xf32>
        tpu.vector_store %arg11[%swap3A_130, %swap3A_131], %swap3A_134 {strides = array<i32>} : memref<128x128xf32, #tpu.memory_space<vmem>>, vector<1x16xf32>,
        %broadcast_in_dim3A_135 = arith.constant 0.000000e+00 : f32
        %broadcast_in_dim3A_136 = vector.broadcast %broadcast_in_dim3A_135 : f32 to vector<16xf32>
        %swap3A_137 = arith.index_cast %scan3A_100 : i32 to index
        %swap3A_138 = arith.constant 80 : index
        %swap3A_139 = tpu.vector_load %arg11[%swap3A_137, %swap3A_138] {strides = array<i32>} : memref<128x128xf32, #tpu.memory_space<vmem>>, vector<1x16xf32>,
        %swap3A_140 = vector.shape_cast %swap3A_139 : vector<1x16xf32> to vector<16xf32>
        %swap3A_141 = vector.shape_cast %broadcast_in_dim3A_136 : vector<16xf32> to vector<1x16xf32>
        tpu.vector_store %arg11[%swap3A_137, %swap3A_138], %swap3A_141 {strides = array<i32>} : memref<128x128xf32, #tpu.memory_space<vmem>>, vector<1x16xf32>,
        %broadcast_in_dim3A_142 = arith.constant 0.000000e+00 : f32
        %broadcast_in_dim3A_143 = vector.broadcast %broadcast_in_dim3A_142 : f32 to vector<16xf32>
        %swap3A_144 = arith.index_cast %scan3A_100 : i32 to index
        %swap3A_145 = arith.constant 96 : index
        %swap3A_146 = tpu.vector_load %arg11[%swap3A_144, %swap3A_145] {strides = array<i32>} : memref<128x128xf32, #tpu.memory_space<vmem>>, vector<1x16xf32>,
        %swap3A_147 = vector.shape_cast %swap3A_146 : vector<1x16xf32> to vector<16xf32>
        %swap3A_148 = vector.shape_cast %broadcast_in_dim3A_143 : vector<16xf32> to vector<1x16xf32>
        tpu.vector_store %arg11[%swap3A_144, %swap3A_145], %swap3A_148 {strides = array<i32>} : memref<128x128xf32, #tpu.memory_space<vmem>>, vector<1x16xf32>,
        %broadcast_in_dim3A_149 = arith.constant 0.000000e+00 : f32
        %broadcast_in_dim3A_150 = vector.broadcast %broadcast_in_dim3A_149 : f32 to vector<16xf32>
        %swap3A_151 = arith.index_cast %scan3A_100 : i32 to index
        %swap3A_152 = arith.constant 112 : index
        %swap3A_153 = tpu.vector_load %arg11[%swap3A_151, %swap3A_152] {strides = array<i32>} : memref<128x128xf32, #tpu.memory_space<vmem>>, vector<1x16xf32>,
        %swap3A_154 = vector.shape_cast %swap3A_153 : vector<1x16xf32> to vector<16xf32>
        %swap3A_155 = vector.shape_cast %broadcast_in_dim3A_150 : vector<16xf32> to vector<1x16xf32>
        tpu.vector_store %arg11[%swap3A_151, %swap3A_152], %swap3A_155 {strides = array<i32>} : memref<128x128xf32, #tpu.memory_space<vmem>>, vector<1x16xf32>,
        %scan3A_156 = arith.constant 0 : i32
        scf.yield %scan3A_156 : i32
      }
      %scan3A_89 = arith.constant 128 : i32
      %add3A_90 = arith.constant 0 : i32
      %add3A_91 = arith.addi %multiple_of3A_5, %add3A_90 : i32
      "tpu.region"() ({
        %run_scoped3A = tpu.sem_alloc : memref<!tpu.dma_semaphore, #tpu.memory_space<semaphore_mem>>
        %dma_start3A_100 = arith.constant 0 : i32
        %dma_start3A_101 = tpu.memref_slice %arg13[%add3A_91, %dma_start3A_100] : memref<10240x128xf32, #tpu.memory_space<vmem_shared>> -> memref<128x128xf32, #tpu.memory_space<vmem_shared>>
        %dma_start3A_102 = arith.constant 0 : i32
        %dma_start3A_103 = tpu.memref_slice %arg13[%add3A_91, %dma_start3A_102] : memref<10240x128xf32, #tpu.memory_space<vmem_shared>> -> memref<128x128xf32, #tpu.memory_space<vmem_shared>>
        tpu.enqueue_dma source(%arg11 : memref<128x128xf32, #tpu.memory_space<vmem>>) target(%dma_start3A_103 : memref<128x128xf32, #tpu.memory_space<vmem_shared>>) target_semaphore(%run_scoped3A : memref<!tpu.dma_semaphore, #tpu.memory_space<semaphore_mem>>)
        %dma_wait3A_104 = arith.constant 0 : i32
        %dma_wait3A_105 = tpu.memref_slice %arg13[%add3A_91, %dma_wait3A_104] : memref<10240x128xf32, #tpu.memory_space<vmem_shared>> -> memref<128x128xf32, #tpu.memory_space<vmem_shared>>
        %dma_wait3A_106 = arith.constant 0 : i32
        %dma_wait3A_107 = tpu.memref_slice %arg13[%add3A_91, %dma_wait3A_106] : memref<10240x128xf32, #tpu.memory_space<vmem_shared>> -> memref<128x128xf32, #tpu.memory_space<vmem_shared>>
        tpu.wait_dma2 semaphore(%run_scoped3A : memref<!tpu.dma_semaphore, #tpu.memory_space<semaphore_mem>>) src(%arg11 : memref<128x128xf32, #tpu.memory_space<vmem>>) dst(%dma_wait3A_107 : memref<128x128xf32, #tpu.memory_space<vmem_shared>>)
        tpu.yield
      }) : () -> ()
      %add3A_92 = arith.constant 128 : i32
      %add3A_93 = arith.addi %multiple_of3A_5, %add3A_92 : i32
      "tpu.region"() ({
        %run_scoped3A = tpu.sem_alloc : memref<!tpu.dma_semaphore, #tpu.memory_space<semaphore_mem>>
        %dma_start3A_100 = arith.constant 0 : i32
        %dma_start3A_101 = tpu.memref_slice %arg13[%add3A_93, %dma_start3A_100] : memref<10240x128xf32, #tpu.memory_space<vmem_shared>> -> memref<128x128xf32, #tpu.memory_space<vmem_shared>>
        %dma_start3A_102 = arith.constant 0 : i32
        %dma_start3A_103 = tpu.memref_slice %arg13[%add3A_93, %dma_start3A_102] : memref<10240x128xf32, #tpu.memory_space<vmem_shared>> -> memref<128x128xf32, #tpu.memory_space<vmem_shared>>
        tpu.enqueue_dma source(%arg11 : memref<128x128xf32, #tpu.memory_space<vmem>>) target(%dma_start3A_103 : memref<128x128xf32, #tpu.memory_space<vmem_shared>>) target_semaphore(%run_scoped3A : memref<!tpu.dma_semaphore, #tpu.memory_space<semaphore_mem>>)
        %dma_wait3A_104 = arith.constant 0 : i32
        %dma_wait3A_105 = tpu.memref_slice %arg13[%add3A_93, %dma_wait3A_104] : memref<10240x128xf32, #tpu.memory_space<vmem_shared>> -> memref<128x128xf32, #tpu.memory_space<vmem_shared>>
        %dma_wait3A_106 = arith.constant 0 : i32
        %dma_wait3A_107 = tpu.memref_slice %arg13[%add3A_93, %dma_wait3A_106] : memref<10240x128xf32, #tpu.memory_space<vmem_shared>> -> memref<128x128xf32, #tpu.memory_space<vmem_shared>>
        tpu.wait_dma2 semaphore(%run_scoped3A : memref<!tpu.dma_semaphore, #tpu.memory_space<semaphore_mem>>) src(%arg11 : memref<128x128xf32, #tpu.memory_space<vmem>>) dst(%dma_wait3A_107 : memref<128x128xf32, #tpu.memory_space<vmem_shared>>)
        tpu.yield
      }) : () -> ()
      %add3A_94 = arith.constant 256 : i32
      %add3A_95 = arith.addi %multiple_of3A_5, %add3A_94 : i32
      "tpu.region"() ({
        %run_scoped3A = tpu.sem_alloc : memref<!tpu.dma_semaphore, #tpu.memory_space<semaphore_mem>>
        %dma_start3A_100 = arith.constant 0 : i32
        %dma_start3A_101 = tpu.memref_slice %arg13[%add3A_95, %dma_start3A_100] : memref<10240x128xf32, #tpu.memory_space<vmem_shared>> -> memref<128x128xf32, #tpu.memory_space<vmem_shared>>
        %dma_start3A_102 = arith.constant 0 : i32
        %dma_start3A_103 = tpu.memref_slice %arg13[%add3A_95, %dma_start3A_102] : memref<10240x128xf32, #tpu.memory_space<vmem_shared>> -> memref<128x128xf32, #tpu.memory_space<vmem_shared>>
        tpu.enqueue_dma source(%arg11 : memref<128x128xf32, #tpu.memory_space<vmem>>) target(%dma_start3A_103 : memref<128x128xf32, #tpu.memory_space<vmem_shared>>) target_semaphore(%run_scoped3A : memref<!tpu.dma_semaphore, #tpu.memory_space<semaphore_mem>>)
        %dma_wait3A_104 = arith.constant 0 : i32
        %dma_wait3A_105 = tpu.memref_slice %arg13[%add3A_95, %dma_wait3A_104] : memref<10240x128xf32, #tpu.memory_space<vmem_shared>> -> memref<128x128xf32, #tpu.memory_space<vmem_shared>>
        %dma_wait3A_106 = arith.constant 0 : i32
        %dma_wait3A_107 = tpu.memref_slice %arg13[%add3A_95, %dma_wait3A_106] : memref<10240x128xf32, #tpu.memory_space<vmem_shared>> -> memref<128x128xf32, #tpu.memory_space<vmem_shared>>
        tpu.wait_dma2 semaphore(%run_scoped3A : memref<!tpu.dma_semaphore, #tpu.memory_space<semaphore_mem>>) src(%arg11 : memref<128x128xf32, #tpu.memory_space<vmem>>) dst(%dma_wait3A_107 : memref<128x128xf32, #tpu.memory_space<vmem_shared>>)
        tpu.yield
      }) : () -> ()
      %add3A_96 = arith.constant 384 : i32
      %add3A_97 = arith.addi %multiple_of3A_5, %add3A_96 : i32
      "tpu.region"() ({
        %run_scoped3A = tpu.sem_alloc : memref<!tpu.dma_semaphore, #tpu.memory_space<semaphore_mem>>
        %dma_start3A_100 = arith.constant 0 : i32
        %dma_start3A_101 = tpu.memref_slice %arg13[%add3A_97, %dma_start3A_100] : memref<10240x128xf32, #tpu.memory_space<vmem_shared>> -> memref<128x128xf32, #tpu.memory_space<vmem_shared>>
        %dma_start3A_102 = arith.constant 0 : i32
        %dma_start3A_103 = tpu.memref_slice %arg13[%add3A_97, %dma_start3A_102] : memref<10240x128xf32, #tpu.memory_space<vmem_shared>> -> memref<128x128xf32, #tpu.memory_space<vmem_shared>>
        tpu.enqueue_dma source(%arg11 : memref<128x128xf32, #tpu.memory_space<vmem>>) target(%dma_start3A_103 : memref<128x128xf32, #tpu.memory_space<vmem_shared>>) target_semaphore(%run_scoped3A : memref<!tpu.dma_semaphore, #tpu.memory_space<semaphore_mem>>)
        %dma_wait3A_104 = arith.constant 0 : i32
        %dma_wait3A_105 = tpu.memref_slice %arg13[%add3A_97, %dma_wait3A_104] : memref<10240x128xf32, #tpu.memory_space<vmem_shared>> -> memref<128x128xf32, #tpu.memory_space<vmem_shared>>
        %dma_wait3A_106 = arith.constant 0 : i32
        %dma_wait3A_107 = tpu.memref_slice %arg13[%add3A_97, %dma_wait3A_106] : memref<10240x128xf32, #tpu.memory_space<vmem_shared>> -> memref<128x128xf32, #tpu.memory_space<vmem_shared>>
        tpu.wait_dma2 semaphore(%run_scoped3A : memref<!tpu.dma_semaphore, #tpu.memory_space<semaphore_mem>>) src(%arg11 : memref<128x128xf32, #tpu.memory_space<vmem>>) dst(%dma_wait3A_107 : memref<128x128xf32, #tpu.memory_space<vmem_shared>>)
        tpu.yield
      }) : () -> ()
      %add3A_98 = arith.constant 512 : i32
      %add3A_99 = arith.addi %multiple_of3A_5, %add3A_98 : i32
      "tpu.region"() ({
        %run_scoped3A = tpu.sem_alloc : memref<!tpu.dma_semaphore, #tpu.memory_space<semaphore_mem>>
        %dma_start3A_100 = arith.constant 0 : i32
        %dma_start3A_101 = tpu.memref_slice %arg13[%add3A_99, %dma_start3A_100] : memref<10240x128xf32, #tpu.memory_space<vmem_shared>> -> memref<128x128xf32, #tpu.memory_space<vmem_shared>>
        %dma_start3A_102 = arith.constant 0 : i32
        %dma_start3A_103 = tpu.memref_slice %arg13[%add3A_99, %dma_start3A_102] : memref<10240x128xf32, #tpu.memory_space<vmem_shared>> -> memref<128x128xf32, #tpu.memory_space<vmem_shared>>
        tpu.enqueue_dma source(%arg11 : memref<128x128xf32, #tpu.memory_space<vmem>>) target(%dma_start3A_103 : memref<128x128xf32, #tpu.memory_space<vmem_shared>>) target_semaphore(%run_scoped3A : memref<!tpu.dma_semaphore, #tpu.memory_space<semaphore_mem>>)
        %dma_wait3A_104 = arith.constant 0 : i32
        %dma_wait3A_105 = tpu.memref_slice %arg13[%add3A_99, %dma_wait3A_104] : memref<10240x128xf32, #tpu.memory_space<vmem_shared>> -> memref<128x128xf32, #tpu.memory_space<vmem_shared>>
        %dma_wait3A_106 = arith.constant 0 : i32
        %dma_wait3A_107 = tpu.memref_slice %arg13[%add3A_99, %dma_wait3A_106] : memref<10240x128xf32, #tpu.memory_space<vmem_shared>> -> memref<128x128xf32, #tpu.memory_space<vmem_shared>>
        tpu.wait_dma2 semaphore(%run_scoped3A : memref<!tpu.dma_semaphore, #tpu.memory_space<semaphore_mem>>) src(%arg11 : memref<128x128xf32, #tpu.memory_space<vmem>>) dst(%dma_wait3A_107 : memref<128x128xf32, #tpu.memory_space<vmem_shared>>)
        tpu.yield
      }) : () -> ()
    } else {
    }
    %barrier3A = arith.constant 0 : index
    tpu.barrier barrier_id(%barrier3A)
    %lt3A = arith.constant 4 : i32
    %lt3A_13 = arith.cmpi slt, %add3A, %lt3A : i32
    %convert_element_type3A_14 = arith.extui %lt3A_13 : i1 to i32
    %cond3A_15 = arith.constant 0 : i32
    %cond3A_16 = arith.cmpi ne, %convert_element_type3A_14, %cond3A_15 : i32
    scf.if %cond3A_16 {
      %mul3A_83 = arith.constant 128 : i32
      %mul3A_84 = arith.muli %add3A, %mul3A_83 : i32
      %add3A_85 = arith.constant 319488 : i32
      %add3A_86 = arith.addi %add3A_85, %mul3A_84 : i32
      %multiple_of3A_87 = tpu.assume_multiple %add3A_86, 8 : i32
      "tpu.region"() ({
        %run_scoped3A = tpu.sem_alloc : memref<!tpu.dma_semaphore, #tpu.memory_space<semaphore_mem>>
        %dma_start3A_94 = tpu.memref_slice %arg3[%multiple_of3A_87] : memref<320000xi32, #tpu.memory_space<hbm>> -> memref<128xi32, #tpu.memory_space<hbm>>
        %dma_start3A_95 = tpu.memref_slice %arg3[%multiple_of3A_87] : memref<320000xi32, #tpu.memory_space<hbm>> -> memref<128xi32, #tpu.memory_space<hbm>>
        tpu.enqueue_dma source(%dma_start3A_95 : memref<128xi32, #tpu.memory_space<hbm>>) target(%arg9 : memref<128xi32, #tpu.memory_space<vmem>>) target_semaphore(%run_scoped3A : memref<!tpu.dma_semaphore, #tpu.memory_space<semaphore_mem>>)
        %dma_wait3A_96 = tpu.memref_slice %arg3[%multiple_of3A_87] : memref<320000xi32, #tpu.memory_space<hbm>> -> memref<128xi32, #tpu.memory_space<hbm>>
        %dma_wait3A_97 = tpu.memref_slice %arg3[%multiple_of3A_87] : memref<320000xi32, #tpu.memory_space<hbm>> -> memref<128xi32, #tpu.memory_space<hbm>>
        tpu.wait_dma2 semaphore(%run_scoped3A : memref<!tpu.dma_semaphore, #tpu.memory_space<semaphore_mem>>) src(%dma_wait3A_97 : memref<128xi32, #tpu.memory_space<hbm>>) dst(%arg9 : memref<128xi32, #tpu.memory_space<vmem>>)
        tpu.yield
      }) : () -> ()
      "tpu.region"() ({
        %run_scoped3A = tpu.sem_alloc : memref<!tpu.dma_semaphore, #tpu.memory_space<semaphore_mem>>
        %dma_start3A_94 = tpu.memref_slice %arg4[%multiple_of3A_87] : memref<320000xi32, #tpu.memory_space<hbm>> -> memref<128xi32, #tpu.memory_space<hbm>>
        %dma_start3A_95 = tpu.memref_slice %arg4[%multiple_of3A_87] : memref<320000xi32, #tpu.memory_space<hbm>> -> memref<128xi32, #tpu.memory_space<hbm>>
        tpu.enqueue_dma source(%dma_start3A_95 : memref<128xi32, #tpu.memory_space<hbm>>) target(%arg10 : memref<128xi32, #tpu.memory_space<vmem>>) target_semaphore(%run_scoped3A : memref<!tpu.dma_semaphore, #tpu.memory_space<semaphore_mem>>)
        %dma_wait3A_96 = tpu.memref_slice %arg4[%multiple_of3A_87] : memref<320000xi32, #tpu.memory_space<hbm>> -> memref<128xi32, #tpu.memory_space<hbm>>
        %dma_wait3A_97 = tpu.memref_slice %arg4[%multiple_of3A_87] : memref<320000xi32, #tpu.memory_space<hbm>> -> memref<128xi32, #tpu.memory_space<hbm>>
        tpu.wait_dma2 semaphore(%run_scoped3A : memref<!tpu.dma_semaphore, #tpu.memory_space<semaphore_mem>>) src(%dma_wait3A_97 : memref<128xi32, #tpu.memory_space<hbm>>) dst(%arg10 : memref<128xi32, #tpu.memory_space<vmem>>)
        tpu.yield
      }) : () -> ()
      %dma_start3A_88 = arith.constant 0 : i32
      %dma_start3A_89 = arith.constant 0 : i32
      %dma_start3A_90 = tpu.memref_slice %arg2[%dma_start3A_88, %dma_start3A_89] : memref<10240x128xf32, #tpu.memory_space<hbm>> -> memref<10240x128xf32, #tpu.memory_space<hbm>>
      tpu.enqueue_indirect_dma source(%dma_start3A_90 : memref<10240x128xf32, #tpu.memory_space<hbm>>) target(%arg11 : memref<128x128xf32, #tpu.memory_space<vmem>>) offsets(%arg9 : memref<128xi32, #tpu.memory_space<vmem>>) semaphore(%arg14 : memref<!tpu.dma_semaphore, #tpu.memory_space<semaphore_mem>>)
      %dma_wait3A_91 = arith.constant 0 : i32
      %dma_wait3A_92 = arith.constant 0 : i32
      %dma_wait3A_93 = tpu.memref_slice %arg2[%dma_wait3A_91, %dma_wait3A_92] : memref<10240x128xf32, #tpu.memory_space<hbm>> -> memref<10240x128xf32, #tpu.memory_space<hbm>>
      tpu.wait_indirect_dma semaphore(%arg14 : memref<!tpu.dma_semaphore, #tpu.memory_space<semaphore_mem>>) src(%dma_wait3A_93 : memref<10240x128xf32, #tpu.memory_space<hbm>>) dst(%arg11 : memref<128x128xf32, #tpu.memory_space<vmem>>)
      "tpu.region"() ({
        %run_scoped3A = tpu.sem_alloc : memref<!tpu.dma_semaphore, #tpu.memory_space<semaphore_mem>>
        %dma_start3A_94 = arith.constant 0 : i32
        %dma_start3A_95 = arith.constant 0 : i32
        %dma_start3A_96 = tpu.memref_slice %arg13[%dma_start3A_94, %dma_start3A_95] : memref<10240x128xf32, #tpu.memory_space<vmem_shared>> -> memref<10240x128xf32, #tpu.memory_space<vmem_shared>>
        tpu.enqueue_indirect_dma source(%arg11 : memref<128x128xf32, #tpu.memory_space<vmem>>) target(%dma_start3A_96 : memref<10240x128xf32, #tpu.memory_space<vmem_shared>>) offsets(%arg10 : memref<128xi32, #tpu.memory_space<vmem>>) semaphore(%run_scoped3A : memref<!tpu.dma_semaphore, #tpu.memory_space<semaphore_mem>>) {add = true}
        %dma_wait3A_97 = arith.constant 0 : i32
        %dma_wait3A_98 = arith.constant 0 : i32
        %dma_wait3A_99 = tpu.memref_slice %arg13[%dma_wait3A_97, %dma_wait3A_98] : memref<10240x128xf32, #tpu.memory_space<vmem_shared>> -> memref<10240x128xf32, #tpu.memory_space<vmem_shared>>
        tpu.wait_indirect_dma semaphore(%run_scoped3A : memref<!tpu.dma_semaphore, #tpu.memory_space<semaphore_mem>>) src(%arg11 : memref<128x128xf32, #tpu.memory_space<vmem>>) dst(%dma_wait3A_99 : memref<10240x128xf32, #tpu.memory_space<vmem_shared>>)
        tpu.yield
      }) : () -> ()
    } else {
    }
    %add3A_17 = arith.constant 0 : i32
    %add3A_18 = arith.addi %multiple_of3A, %add3A_17 : i32
    %multiple_of3A_19 = tpu.assume_multiple %add3A_18, 8 : i32
    "tpu.region"() ({
      %run_scoped3A = tpu.sem_alloc : memref<!tpu.dma_semaphore, #tpu.memory_space<semaphore_mem>>
      %dma_start3A_83 = tpu.memref_slice %arg3[%multiple_of3A_19] : memref<320000xi32, #tpu.memory_space<hbm>> -> memref<4992xi32, #tpu.memory_space<hbm>>
      %dma_start3A_84 = tpu.memref_slice %arg3[%multiple_of3A_19] : memref<320000xi32, #tpu.memory_space<hbm>> -> memref<4992xi32, #tpu.memory_space<hbm>>
      tpu.enqueue_dma source(%dma_start3A_84 : memref<4992xi32, #tpu.memory_space<hbm>>) target(%arg7 : memref<4992xi32, #tpu.memory_space<vmem>>) target_semaphore(%run_scoped3A : memref<!tpu.dma_semaphore, #tpu.memory_space<semaphore_mem>>)
      %dma_wait3A_85 = tpu.memref_slice %arg3[%multiple_of3A_19] : memref<320000xi32, #tpu.memory_space<hbm>> -> memref<4992xi32, #tpu.memory_space<hbm>>
      %dma_wait3A_86 = tpu.memref_slice %arg3[%multiple_of3A_19] : memref<320000xi32, #tpu.memory_space<hbm>> -> memref<4992xi32, #tpu.memory_space<hbm>>
      tpu.wait_dma2 semaphore(%run_scoped3A : memref<!tpu.dma_semaphore, #tpu.memory_space<semaphore_mem>>) src(%dma_wait3A_86 : memref<4992xi32, #tpu.memory_space<hbm>>) dst(%arg7 : memref<4992xi32, #tpu.memory_space<vmem>>)
      tpu.yield
    }) : () -> ()
    %multiple_of3A_20 = arith.constant 0 : i32
    %multiple_of3A_21 = tpu.assume_multiple %multiple_of3A_20, 128 : i32
    %dma_start3A = tpu.memref_slice %arg7[%multiple_of3A_21] : memref<4992xi32, #tpu.memory_space<vmem>> -> memref<128xi32, #tpu.memory_space<vmem>>
    %dma_start3A_22 = arith.constant 0 : i32
    %dma_start3A_23 = arith.constant 0 : i32
    %dma_start3A_24 = tpu.memref_slice %arg2[%dma_start3A_22, %dma_start3A_23] : memref<10240x128xf32, #tpu.memory_space<hbm>> -> memref<10240x128xf32, #tpu.memory_space<hbm>>
    tpu.enqueue_indirect_dma source(%dma_start3A_24 : memref<10240x128xf32, #tpu.memory_space<hbm>>) target(%arg11 : memref<128x128xf32, #tpu.memory_space<vmem>>) offsets(%dma_start3A : memref<128xi32, #tpu.memory_space<vmem>>) semaphore(%arg14 : memref<!tpu.dma_semaphore, #tpu.memory_space<semaphore_mem>>)
    %multiple_of3A_25 = arith.constant 128 : i32
    %multiple_of3A_26 = tpu.assume_multiple %multiple_of3A_25, 128 : i32
    %dma_start3A_27 = tpu.memref_slice %arg7[%multiple_of3A_26] : memref<4992xi32, #tpu.memory_space<vmem>> -> memref<128xi32, #tpu.memory_space<vmem>>
    %dma_start3A_28 = arith.constant 0 : i32
    %dma_start3A_29 = arith.constant 0 : i32
    %dma_start3A_30 = tpu.memref_slice %arg2[%dma_start3A_28, %dma_start3A_29] : memref<10240x128xf32, #tpu.memory_space<hbm>> -> memref<10240x128xf32, #tpu.memory_space<hbm>>
    tpu.enqueue_indirect_dma source(%dma_start3A_30 : memref<10240x128xf32, #tpu.memory_space<hbm>>) target(%arg12 : memref<128x128xf32, #tpu.memory_space<vmem>>) offsets(%dma_start3A_27 : memref<128xi32, #tpu.memory_space<vmem>>) semaphore(%arg15 : memref<!tpu.dma_semaphore, #tpu.memory_space<semaphore_mem>>)
    %scan3A = arith.constant 0 : i32
    %scan3A_31 = arith.constant 0 : i32
    %scan3A_32 = arith.constant 19 : i32
    %scan3A_33 = arith.addi %scan3A_31, %scan3A_32 : i32
    %scan3A_34 = arith.constant 1 : i32
    %scan3A_35 = scf.for %scan3A_83 = %scan3A_31 to %scan3A_33 step %scan3A_34 iter_args(%scan3A_84 = %scan3A) -> (i32)  : i32 {
      %mul3A_85 = arith.constant 2 : i32
      %mul3A_86 = arith.muli %mul3A_85, %scan3A_83 : i32
      %dma_wait3A_87 = arith.constant 0 : i32
      %dma_wait3A_88 = tpu.memref_slice %arg7[%dma_wait3A_87] : memref<4992xi32, #tpu.memory_space<vmem>> -> memref<128xi32, #tpu.memory_space<vmem>>
      %dma_wait3A_89 = arith.constant 0 : i32
      %dma_wait3A_90 = arith.constant 0 : i32
      %dma_wait3A_91 = tpu.memref_slice %arg2[%dma_wait3A_89, %dma_wait3A_90] : memref<10240x128xf32, #tpu.memory_space<hbm>> -> memref<10240x128xf32, #tpu.memory_space<hbm>>
      tpu.wait_indirect_dma semaphore(%arg14 : memref<!tpu.dma_semaphore, #tpu.memory_space<semaphore_mem>>) src(%dma_wait3A_91 : memref<10240x128xf32, #tpu.memory_space<hbm>>) dst(%arg11 : memref<128x128xf32, #tpu.memory_space<vmem>>)
      %add3A_92 = arith.constant 0 : i32
      %add3A_93 = arith.addi %add3A_92, %mul3A_86 : i32
      %mul3A_94 = arith.constant 128 : i32
      %mul3A_95 = arith.muli %add3A_93, %mul3A_94 : i32
      %multiple_of3A_96 = tpu.assume_multiple %mul3A_95, 128 : i32
      "tpu.region"() ({
        %run_scoped3A = tpu.sem_alloc : memref<!tpu.dma_semaphore, #tpu.memory_space<semaphore_mem>>
        %dma_start3A_126 = tpu.memref_slice %arg8[%multiple_of3A_96] : memref<9984xi32, #tpu.memory_space<vmem>> -> memref<128xi32, #tpu.memory_space<vmem>>
        %dma_start3A_127 = arith.constant 0 : i32
        %dma_start3A_128 = arith.constant 0 : i32
        %dma_start3A_129 = tpu.memref_slice %arg13[%dma_start3A_127, %dma_start3A_128] : memref<10240x128xf32, #tpu.memory_space<vmem_shared>> -> memref<10240x128xf32, #tpu.memory_space<vmem_shared>>
        tpu.enqueue_indirect_dma source(%arg11 : memref<128x128xf32, #tpu.memory_space<vmem>>) target(%dma_start3A_129 : memref<10240x128xf32, #tpu.memory_space<vmem_shared>>) offsets(%dma_start3A_126 : memref<128xi32, #tpu.memory_space<vmem>>) semaphore(%run_scoped3A : memref<!tpu.dma_semaphore, #tpu.memory_space<semaphore_mem>>) {add = true}
        %dma_wait3A_130 = tpu.memref_slice %arg8[%multiple_of3A_96] : memref<9984xi32, #tpu.memory_space<vmem>> -> memref<128xi32, #tpu.memory_space<vmem>>
        %dma_wait3A_131 = arith.constant 0 : i32
        %dma_wait3A_132 = arith.constant 0 : i32
        %dma_wait3A_133 = tpu.memref_slice %arg13[%dma_wait3A_131, %dma_wait3A_132] : memref<10240x128xf32, #tpu.memory_space<vmem_shared>> -> memref<10240x128xf32, #tpu.memory_space<vmem_shared>>
        tpu.wait_indirect_dma semaphore(%run_scoped3A : memref<!tpu.dma_semaphore, #tpu.memory_space<semaphore_mem>>) src(%arg11 : memref<128x128xf32, #tpu.memory_space<vmem>>) dst(%dma_wait3A_133 : memref<10240x128xf32, #tpu.memory_space<vmem_shared>>)
        tpu.yield
      }) : () -> ()
      %add3A_97 = arith.constant 2 : i32
      %add3A_98 = arith.addi %mul3A_86, %add3A_97 : i32
      %mul3A_99 = arith.constant 128 : i32
      %mul3A_100 = arith.muli %add3A_98, %mul3A_99 : i32
      %multiple_of3A_101 = tpu.assume_multiple %mul3A_100, 128 : i32
      %dma_start3A_102 = tpu.memref_slice %arg7[%multiple_of3A_101] : memref<4992xi32, #tpu.memory_space<vmem>> -> memref<128xi32, #tpu.memory_space<vmem>>
      %dma_start3A_103 = arith.constant 0 : i32
      %dma_start3A_104 = arith.constant 0 : i32
      %dma_start3A_105 = tpu.memref_slice %arg2[%dma_start3A_103, %dma_start3A_104] : memref<10240x128xf32, #tpu.memory_space<hbm>> -> memref<10240x128xf32, #tpu.memory_space<hbm>>
      tpu.enqueue_indirect_dma source(%dma_start3A_105 : memref<10240x128xf32, #tpu.memory_space<hbm>>) target(%arg11 : memref<128x128xf32, #tpu.memory_space<vmem>>) offsets(%dma_start3A_102 : memref<128xi32, #tpu.memory_space<vmem>>) semaphore(%arg14 : memref<!tpu.dma_semaphore, #tpu.memory_space<semaphore_mem>>)
      %dma_wait3A_106 = arith.constant 0 : i32
      %dma_wait3A_107 = tpu.memref_slice %arg7[%dma_wait3A_106] : memref<4992xi32, #tpu.memory_space<vmem>> -> memref<128xi32, #tpu.memory_space<vmem>>
      %dma_wait3A_108 = arith.constant 0 : i32
      %dma_wait3A_109 = arith.constant 0 : i32
      %dma_wait3A_110 = tpu.memref_slice %arg2[%dma_wait3A_108, %dma_wait3A_109] : memref<10240x128xf32, #tpu.memory_space<hbm>> -> memref<10240x128xf32, #tpu.memory_space<hbm>>
      tpu.wait_indirect_dma semaphore(%arg15 : memref<!tpu.dma_semaphore, #tpu.memory_space<semaphore_mem>>) src(%dma_wait3A_110 : memref<10240x128xf32, #tpu.memory_space<hbm>>) dst(%arg12 : memref<128x128xf32, #tpu.memory_space<vmem>>)
      %add3A_111 = arith.constant 0 : i32
      %add3A_112 = arith.addi %add3A_111, %mul3A_86 : i32
      %add3A_113 = arith.constant 1 : i32
      %add3A_114 = arith.addi %add3A_112, %add3A_113 : i32
      %mul3A_115 = arith.constant 128 : i32
      %mul3A_116 = arith.muli %add3A_114, %mul3A_115 : i32
      %multiple_of3A_117 = tpu.assume_multiple %mul3A_116, 128 : i32
      "tpu.region"() ({
        %run_scoped3A = tpu.sem_alloc : memref<!tpu.dma_semaphore, #tpu.memory_space<semaphore_mem>>
        %dma_start3A_126 = tpu.memref_slice %arg8[%multiple_of3A_117] : memref<9984xi32, #tpu.memory_space<vmem>> -> memref<128xi32, #tpu.memory_space<vmem>>
        %dma_start3A_127 = arith.constant 0 : i32
        %dma_start3A_128 = arith.constant 0 : i32
        %dma_start3A_129 = tpu.memref_slice %arg13[%dma_start3A_127, %dma_start3A_128] : memref<10240x128xf32, #tpu.memory_space<vmem_shared>> -> memref<10240x128xf32, #tpu.memory_space<vmem_shared>>
        tpu.enqueue_indirect_dma source(%arg12 : memref<128x128xf32, #tpu.memory_space<vmem>>) target(%dma_start3A_129 : memref<10240x128xf32, #tpu.memory_space<vmem_shared>>) offsets(%dma_start3A_126 : memref<128xi32, #tpu.memory_space<vmem>>) semaphore(%run_scoped3A : memref<!tpu.dma_semaphore, #tpu.memory_space<semaphore_mem>>) {add = true}
        %dma_wait3A_130 = tpu.memref_slice %arg8[%multiple_of3A_117] : memref<9984xi32, #tpu.memory_space<vmem>> -> memref<128xi32, #tpu.memory_space<vmem>>
        %dma_wait3A_131 = arith.constant 0 : i32
        %dma_wait3A_132 = arith.constant 0 : i32
        %dma_wait3A_133 = tpu.memref_slice %arg13[%dma_wait3A_131, %dma_wait3A_132] : memref<10240x128xf32, #tpu.memory_space<vmem_shared>> -> memref<10240x128xf32, #tpu.memory_space<vmem_shared>>
        tpu.wait_indirect_dma semaphore(%run_scoped3A : memref<!tpu.dma_semaphore, #tpu.memory_space<semaphore_mem>>) src(%arg12 : memref<128x128xf32, #tpu.memory_space<vmem>>) dst(%dma_wait3A_133 : memref<10240x128xf32, #tpu.memory_space<vmem_shared>>)
        tpu.yield
      }) : () -> ()
      %add3A_118 = arith.constant 3 : i32
      %add3A_119 = arith.addi %mul3A_86, %add3A_118 : i32
      %lt3A_120 = arith.constant 39 : i32
      %lt3A_121 = arith.cmpi slt, %add3A_119, %lt3A_120 : i32
      %convert_element_type3A_122 = arith.extui %lt3A_121 : i1 to i32
      %cond3A_123 = arith.constant 0 : i32
      %cond3A_124 = arith.cmpi ne, %convert_element_type3A_122, %cond3A_123 : i32
      scf.if %cond3A_124 {
        %add3A_126 = arith.constant 3 : i32
        %add3A_127 = arith.addi %mul3A_86, %add3A_126 : i32
        %mul3A_128 = arith.constant 128 : i32
        %mul3A_129 = arith.muli %add3A_127, %mul3A_128 : i32
        %multiple_of3A_130 = tpu.assume_multiple %mul3A_129, 128 : i32
        %dma_start3A_131 = tpu.memref_slice %arg7[%multiple_of3A_130] : memref<4992xi32, #tpu.memory_space<vmem>> -> memref<128xi32, #tpu.memory_space<vmem>>
        %dma_start3A_132 = arith.constant 0 : i32
        %dma_start3A_133 = arith.constant 0 : i32
        %dma_start3A_134 = tpu.memref_slice %arg2[%dma_start3A_132, %dma_start3A_133] : memref<10240x128xf32, #tpu.memory_space<hbm>> -> memref<10240x128xf32, #tpu.memory_space<hbm>>
        tpu.enqueue_indirect_dma source(%dma_start3A_134 : memref<10240x128xf32, #tpu.memory_space<hbm>>) target(%arg12 : memref<128x128xf32, #tpu.memory_space<vmem>>) offsets(%dma_start3A_131 : memref<128xi32, #tpu.memory_space<vmem>>) semaphore(%arg15 : memref<!tpu.dma_semaphore, #tpu.memory_space<semaphore_mem>>)
      } else {
      }
      %scan3A_125 = arith.constant 0 : i32
      scf.yield %scan3A_125 : i32
    }
    %scan3A_36 = arith.constant 19 : i32
    %dma_wait3A = arith.constant 0 : i32
    %dma_wait3A_37 = tpu.memref_slice %arg7[%dma_wait3A] : memref<4992xi32, #tpu.memory_space<vmem>> -> memref<128xi32, #tpu.memory_space<vmem>>
    %dma_wait3A_38 = arith.constant 0 : i32
    %dma_wait3A_39 = arith.constant 0 : i32
    %dma_wait3A_40 = tpu.memref_slice %arg2[%dma_wait3A_38, %dma_wait3A_39] : memref<10240x128xf32, #tpu.memory_space<hbm>> -> memref<10240x128xf32, #tpu.memory_space<hbm>>
    tpu.wait_indirect_dma semaphore(%arg14 : memref<!tpu.dma_semaphore, #tpu.memory_space<semaphore_mem>>) src(%dma_wait3A_40 : memref<10240x128xf32, #tpu.memory_space<hbm>>) dst(%arg11 : memref<128x128xf32, #tpu.memory_space<vmem>>)
    %multiple_of3A_41 = arith.constant 4864 : i32
    %multiple_of3A_42 = tpu.assume_multiple %multiple_of3A_41, 128 : i32
    "tpu.region"() ({
      %run_scoped3A = tpu.sem_alloc : memref<!tpu.dma_semaphore, #tpu.memory_space<semaphore_mem>>
      %dma_start3A_83 = tpu.memref_slice %arg8[%multiple_of3A_42] : memref<9984xi32, #tpu.memory_space<vmem>> -> memref<128xi32, #tpu.memory_space<vmem>>
      %dma_start3A_84 = arith.constant 0 : i32
      %dma_start3A_85 = arith.constant 0 : i32
      %dma_start3A_86 = tpu.memref_slice %arg13[%dma_start3A_84, %dma_start3A_85] : memref<10240x128xf32, #tpu.memory_space<vmem_shared>> -> memref<10240x128xf32, #tpu.memory_space<vmem_shared>>
      tpu.enqueue_indirect_dma source(%arg11 : memref<128x128xf32, #tpu.memory_space<vmem>>) target(%dma_start3A_86 : memref<10240x128xf32, #tpu.memory_space<vmem_shared>>) offsets(%dma_start3A_83 : memref<128xi32, #tpu.memory_space<vmem>>) semaphore(%run_scoped3A : memref<!tpu.dma_semaphore, #tpu.memory_space<semaphore_mem>>) {add = true}
      %dma_wait3A_87 = tpu.memref_slice %arg8[%multiple_of3A_42] : memref<9984xi32, #tpu.memory_space<vmem>> -> memref<128xi32, #tpu.memory_space<vmem>>
      %dma_wait3A_88 = arith.constant 0 : i32
      %dma_wait3A_89 = arith.constant 0 : i32
      %dma_wait3A_90 = tpu.memref_slice %arg13[%dma_wait3A_88, %dma_wait3A_89] : memref<10240x128xf32, #tpu.memory_space<vmem_shared>> -> memref<10240x128xf32, #tpu.memory_space<vmem_shared>>
      tpu.wait_indirect_dma semaphore(%run_scoped3A : memref<!tpu.dma_semaphore, #tpu.memory_space<semaphore_mem>>) src(%arg11 : memref<128x128xf32, #tpu.memory_space<vmem>>) dst(%dma_wait3A_90 : memref<10240x128xf32, #tpu.memory_space<vmem_shared>>)
      tpu.yield
    }) : () -> ()
    %add3A_43 = arith.constant 4992 : i32
    %add3A_44 = arith.addi %multiple_of3A, %add3A_43 : i32
    %multiple_of3A_45 = tpu.assume_multiple %add3A_44, 8 : i32
    "tpu.region"() ({
      %run_scoped3A = tpu.sem_alloc : memref<!tpu.dma_semaphore, #tpu.memory_space<semaphore_mem>>
      %dma_start3A_83 = tpu.memref_slice %arg3[%multiple_of3A_45] : memref<320000xi32, #tpu.memory_space<hbm>> -> memref<4992xi32, #tpu.memory_space<hbm>>
      %dma_start3A_84 = tpu.memref_slice %arg3[%multiple_of3A_45] : memref<320000xi32, #tpu.memory_space<hbm>> -> memref<4992xi32, #tpu.memory_space<hbm>>
      tpu.enqueue_dma source(%dma_start3A_84 : memref<4992xi32, #tpu.memory_space<hbm>>) target(%arg7 : memref<4992xi32, #tpu.memory_space<vmem>>) target_semaphore(%run_scoped3A : memref<!tpu.dma_semaphore, #tpu.memory_space<semaphore_mem>>)
      %dma_wait3A_85 = tpu.memref_slice %arg3[%multiple_of3A_45] : memref<320000xi32, #tpu.memory_space<hbm>> -> memref<4992xi32, #tpu.memory_space<hbm>>
      %dma_wait3A_86 = tpu.memref_slice %arg3[%multiple_of3A_45] : memref<320000xi32, #tpu.memory_space<hbm>> -> memref<4992xi32, #tpu.memory_space<hbm>>
      tpu.wait_dma2 semaphore(%run_scoped3A : memref<!tpu.dma_semaphore, #tpu.memory_space<semaphore_mem>>) src(%dma_wait3A_86 : memref<4992xi32, #tpu.memory_space<hbm>>) dst(%arg7 : memref<4992xi32, #tpu.memory_space<vmem>>)
      tpu.yield
    }) : () -> ()
    %multiple_of3A_46 = arith.constant 0 : i32
    %multiple_of3A_47 = tpu.assume_multiple %multiple_of3A_46, 128 : i32
    %dma_start3A_48 = tpu.memref_slice %arg7[%multiple_of3A_47] : memref<4992xi32, #tpu.memory_space<vmem>> -> memref<128xi32, #tpu.memory_space<vmem>>
    %dma_start3A_49 = arith.constant 0 : i32
    %dma_start3A_50 = arith.constant 0 : i32
    %dma_start3A_51 = tpu.memref_slice %arg2[%dma_start3A_49, %dma_start3A_50] : memref<10240x128xf32, #tpu.memory_space<hbm>> -> memref<10240x128xf32, #tpu.memory_space<hbm>>
    tpu.enqueue_indirect_dma source(%dma_start3A_51 : memref<10240x128xf32, #tpu.memory_space<hbm>>) target(%arg11 : memref<128x128xf32, #tpu.memory_space<vmem>>) offsets(%dma_start3A_48 : memref<128xi32, #tpu.memory_space<vmem>>) semaphore(%arg14 : memref<!tpu.dma_semaphore, #tpu.memory_space<semaphore_mem>>)
    %multiple_of3A_52 = arith.constant 128 : i32
    %multiple_of3A_53 = tpu.assume_multiple %multiple_of3A_52, 128 : i32
    %dma_start3A_54 = tpu.memref_slice %arg7[%multiple_of3A_53] : memref<4992xi32, #tpu.memory_space<vmem>> -> memref<128xi32, #tpu.memory_space<vmem>>
    %dma_start3A_55 = arith.constant 0 : i32
    %dma_start3A_56 = arith.constant 0 : i32
    %dma_start3A_57 = tpu.memref_slice %arg2[%dma_start3A_55, %dma_start3A_56] : memref<10240x128xf32, #tpu.memory_space<hbm>> -> memref<10240x128xf32, #tpu.memory_space<hbm>>
    tpu.enqueue_indirect_dma source(%dma_start3A_57 : memref<10240x128xf32, #tpu.memory_space<hbm>>) target(%arg12 : memref<128x128xf32, #tpu.memory_space<vmem>>) offsets(%dma_start3A_54 : memref<128xi32, #tpu.memory_space<vmem>>) semaphore(%arg15 : memref<!tpu.dma_semaphore, #tpu.memory_space<semaphore_mem>>)
    %scan3A_58 = arith.constant 0 : i32
    %scan3A_59 = arith.constant 0 : i32
    %scan3A_60 = arith.constant 19 : i32
    %scan3A_61 = arith.addi %scan3A_59, %scan3A_60 : i32
    %scan3A_62 = arith.constant 1 : i32
    %scan3A_63 = scf.for %scan3A_83 = %scan3A_59 to %scan3A_61 step %scan3A_62 iter_args(%scan3A_84 = %scan3A_58) -> (i32)  : i32 {
      %mul3A_85 = arith.constant 2 : i32
      %mul3A_86 = arith.muli %mul3A_85, %scan3A_83 : i32
      %dma_wait3A_87 = arith.constant 0 : i32
      %dma_wait3A_88 = tpu.memref_slice %arg7[%dma_wait3A_87] : memref<4992xi32, #tpu.memory_space<vmem>> -> memref<128xi32, #tpu.memory_space<vmem>>
      %dma_wait3A_89 = arith.constant 0 : i32
      %dma_wait3A_90 = arith.constant 0 : i32
      %dma_wait3A_91 = tpu.memref_slice %arg2[%dma_wait3A_89, %dma_wait3A_90] : memref<10240x128xf32, #tpu.memory_space<hbm>> -> memref<10240x128xf32, #tpu.memory_space<hbm>>
      tpu.wait_indirect_dma semaphore(%arg14 : memref<!tpu.dma_semaphore, #tpu.memory_space<semaphore_mem>>) src(%dma_wait3A_91 : memref<10240x128xf32, #tpu.memory_space<hbm>>) dst(%arg11 : memref<128x128xf32, #tpu.memory_space<vmem>>)
      %add3A_92 = arith.constant 39 : i32
      %add3A_93 = arith.addi %add3A_92, %mul3A_86 : i32
      %mul3A_94 = arith.constant 128 : i32
      %mul3A_95 = arith.muli %add3A_93, %mul3A_94 : i32
      %multiple_of3A_96 = tpu.assume_multiple %mul3A_95, 128 : i32
      "tpu.region"() ({
        %run_scoped3A = tpu.sem_alloc : memref<!tpu.dma_semaphore, #tpu.memory_space<semaphore_mem>>
        %dma_start3A_126 = tpu.memref_slice %arg8[%multiple_of3A_96] : memref<9984xi32, #tpu.memory_space<vmem>> -> memref<128xi32, #tpu.memory_space<vmem>>
        %dma_start3A_127 = arith.constant 0 : i32
        %dma_start3A_128 = arith.constant 0 : i32
        %dma_start3A_129 = tpu.memref_slice %arg13[%dma_start3A_127, %dma_start3A_128] : memref<10240x128xf32, #tpu.memory_space<vmem_shared>> -> memref<10240x128xf32, #tpu.memory_space<vmem_shared>>
        tpu.enqueue_indirect_dma source(%arg11 : memref<128x128xf32, #tpu.memory_space<vmem>>) target(%dma_start3A_129 : memref<10240x128xf32, #tpu.memory_space<vmem_shared>>) offsets(%dma_start3A_126 : memref<128xi32, #tpu.memory_space<vmem>>) semaphore(%run_scoped3A : memref<!tpu.dma_semaphore, #tpu.memory_space<semaphore_mem>>) {add = true}
        %dma_wait3A_130 = tpu.memref_slice %arg8[%multiple_of3A_96] : memref<9984xi32, #tpu.memory_space<vmem>> -> memref<128xi32, #tpu.memory_space<vmem>>
        %dma_wait3A_131 = arith.constant 0 : i32
        %dma_wait3A_132 = arith.constant 0 : i32
        %dma_wait3A_133 = tpu.memref_slice %arg13[%dma_wait3A_131, %dma_wait3A_132] : memref<10240x128xf32, #tpu.memory_space<vmem_shared>> -> memref<10240x128xf32, #tpu.memory_space<vmem_shared>>
        tpu.wait_indirect_dma semaphore(%run_scoped3A : memref<!tpu.dma_semaphore, #tpu.memory_space<semaphore_mem>>) src(%arg11 : memref<128x128xf32, #tpu.memory_space<vmem>>) dst(%dma_wait3A_133 : memref<10240x128xf32, #tpu.memory_space<vmem_shared>>)
        tpu.yield
      }) : () -> ()
      %add3A_97 = arith.constant 2 : i32
      %add3A_98 = arith.addi %mul3A_86, %add3A_97 : i32
      %mul3A_99 = arith.constant 128 : i32
      %mul3A_100 = arith.muli %add3A_98, %mul3A_99 : i32
      %multiple_of3A_101 = tpu.assume_multiple %mul3A_100, 128 : i32
      %dma_start3A_102 = tpu.memref_slice %arg7[%multiple_of3A_101] : memref<4992xi32, #tpu.memory_space<vmem>> -> memref<128xi32, #tpu.memory_space<vmem>>
      %dma_start3A_103 = arith.constant 0 : i32
      %dma_start3A_104 = arith.constant 0 : i32
      %dma_start3A_105 = tpu.memref_slice %arg2[%dma_start3A_103, %dma_start3A_104] : memref<10240x128xf32, #tpu.memory_space<hbm>> -> memref<10240x128xf32, #tpu.memory_space<hbm>>
      tpu.enqueue_indirect_dma source(%dma_start3A_105 : memref<10240x128xf32, #tpu.memory_space<hbm>>) target(%arg11 : memref<128x128xf32, #tpu.memory_space<vmem>>) offsets(%dma_start3A_102 : memref<128xi32, #tpu.memory_space<vmem>>) semaphore(%arg14 : memref<!tpu.dma_semaphore, #tpu.memory_space<semaphore_mem>>)
      %dma_wait3A_106 = arith.constant 0 : i32
      %dma_wait3A_107 = tpu.memref_slice %arg7[%dma_wait3A_106] : memref<4992xi32, #tpu.memory_space<vmem>> -> memref<128xi32, #tpu.memory_space<vmem>>
      %dma_wait3A_108 = arith.constant 0 : i32
      %dma_wait3A_109 = arith.constant 0 : i32
      %dma_wait3A_110 = tpu.memref_slice %arg2[%dma_wait3A_108, %dma_wait3A_109] : memref<10240x128xf32, #tpu.memory_space<hbm>> -> memref<10240x128xf32, #tpu.memory_space<hbm>>
      tpu.wait_indirect_dma semaphore(%arg15 : memref<!tpu.dma_semaphore, #tpu.memory_space<semaphore_mem>>) src(%dma_wait3A_110 : memref<10240x128xf32, #tpu.memory_space<hbm>>) dst(%arg12 : memref<128x128xf32, #tpu.memory_space<vmem>>)
      %add3A_111 = arith.constant 39 : i32
      %add3A_112 = arith.addi %add3A_111, %mul3A_86 : i32
      %add3A_113 = arith.constant 1 : i32
      %add3A_114 = arith.addi %add3A_112, %add3A_113 : i32
      %mul3A_115 = arith.constant 128 : i32
      %mul3A_116 = arith.muli %add3A_114, %mul3A_115 : i32
      %multiple_of3A_117 = tpu.assume_multiple %mul3A_116, 128 : i32
      "tpu.region"() ({
        %run_scoped3A = tpu.sem_alloc : memref<!tpu.dma_semaphore, #tpu.memory_space<semaphore_mem>>
        %dma_start3A_126 = tpu.memref_slice %arg8[%multiple_of3A_117] : memref<9984xi32, #tpu.memory_space<vmem>> -> memref<128xi32, #tpu.memory_space<vmem>>
        %dma_start3A_127 = arith.constant 0 : i32
        %dma_start3A_128 = arith.constant 0 : i32
        %dma_start3A_129 = tpu.memref_slice %arg13[%dma_start3A_127, %dma_start3A_128] : memref<10240x128xf32, #tpu.memory_space<vmem_shared>> -> memref<10240x128xf32, #tpu.memory_space<vmem_shared>>
        tpu.enqueue_indirect_dma source(%arg12 : memref<128x128xf32, #tpu.memory_space<vmem>>) target(%dma_start3A_129 : memref<10240x128xf32, #tpu.memory_space<vmem_shared>>) offsets(%dma_start3A_126 : memref<128xi32, #tpu.memory_space<vmem>>) semaphore(%run_scoped3A : memref<!tpu.dma_semaphore, #tpu.memory_space<semaphore_mem>>) {add = true}
        %dma_wait3A_130 = tpu.memref_slice %arg8[%multiple_of3A_117] : memref<9984xi32, #tpu.memory_space<vmem>> -> memref<128xi32, #tpu.memory_space<vmem>>
        %dma_wait3A_131 = arith.constant 0 : i32
        %dma_wait3A_132 = arith.constant 0 : i32
        %dma_wait3A_133 = tpu.memref_slice %arg13[%dma_wait3A_131, %dma_wait3A_132] : memref<10240x128xf32, #tpu.memory_space<vmem_shared>> -> memref<10240x128xf32, #tpu.memory_space<vmem_shared>>
        tpu.wait_indirect_dma semaphore(%run_scoped3A : memref<!tpu.dma_semaphore, #tpu.memory_space<semaphore_mem>>) src(%arg12 : memref<128x128xf32, #tpu.memory_space<vmem>>) dst(%dma_wait3A_133 : memref<10240x128xf32, #tpu.memory_space<vmem_shared>>)
        tpu.yield
      }) : () -> ()
      %add3A_118 = arith.constant 3 : i32
      %add3A_119 = arith.addi %mul3A_86, %add3A_118 : i32
      %lt3A_120 = arith.constant 39 : i32
      %lt3A_121 = arith.cmpi slt, %add3A_119, %lt3A_120 : i32
      %convert_element_type3A_122 = arith.extui %lt3A_121 : i1 to i32
      %cond3A_123 = arith.constant 0 : i32
      %cond3A_124 = arith.cmpi ne, %convert_element_type3A_122, %cond3A_123 : i32
      scf.if %cond3A_124 {
        %add3A_126 = arith.constant 3 : i32
        %add3A_127 = arith.addi %mul3A_86, %add3A_126 : i32
        %mul3A_128 = arith.constant 128 : i32
        %mul3A_129 = arith.muli %add3A_127, %mul3A_128 : i32
        %multiple_of3A_130 = tpu.assume_multiple %mul3A_129, 128 : i32
        %dma_start3A_131 = tpu.memref_slice %arg7[%multiple_of3A_130] : memref<4992xi32, #tpu.memory_space<vmem>> -> memref<128xi32, #tpu.memory_space<vmem>>
        %dma_start3A_132 = arith.constant 0 : i32
        %dma_start3A_133 = arith.constant 0 : i32
        %dma_start3A_134 = tpu.memref_slice %arg2[%dma_start3A_132, %dma_start3A_133] : memref<10240x128xf32, #tpu.memory_space<hbm>> -> memref<10240x128xf32, #tpu.memory_space<hbm>>
        tpu.enqueue_indirect_dma source(%dma_start3A_134 : memref<10240x128xf32, #tpu.memory_space<hbm>>) target(%arg12 : memref<128x128xf32, #tpu.memory_space<vmem>>) offsets(%dma_start3A_131 : memref<128xi32, #tpu.memory_space<vmem>>) semaphore(%arg15 : memref<!tpu.dma_semaphore, #tpu.memory_space<semaphore_mem>>)
      } else {
      }
      %scan3A_125 = arith.constant 0 : i32
      scf.yield %scan3A_125 : i32
    }
    %scan3A_64 = arith.constant 19 : i32
    %dma_wait3A_65 = arith.constant 0 : i32
    %dma_wait3A_66 = tpu.memref_slice %arg7[%dma_wait3A_65] : memref<4992xi32, #tpu.memory_space<vmem>> -> memref<128xi32, #tpu.memory_space<vmem>>
    %dma_wait3A_67 = arith.constant 0 : i32
    %dma_wait3A_68 = arith.constant 0 : i32
    %dma_wait3A_69 = tpu.memref_slice %arg2[%dma_wait3A_67, %dma_wait3A_68] : memref<10240x128xf32, #tpu.memory_space<hbm>> -> memref<10240x128xf32, #tpu.memory_space<hbm>>
    tpu.wait_indirect_dma semaphore(%arg14 : memref<!tpu.dma_semaphore, #tpu.memory_space<semaphore_mem>>) src(%dma_wait3A_69 : memref<10240x128xf32, #tpu.memory_space<hbm>>) dst(%arg11 : memref<128x128xf32, #tpu.memory_space<vmem>>)
    %multiple_of3A_70 = arith.constant 9856 : i32
    %multiple_of3A_71 = tpu.assume_multiple %multiple_of3A_70, 128 : i32
    "tpu.region"() ({
      %run_scoped3A = tpu.sem_alloc : memref<!tpu.dma_semaphore, #tpu.memory_space<semaphore_mem>>
      %dma_start3A_83 = tpu.memref_slice %arg8[%multiple_of3A_71] : memref<9984xi32, #tpu.memory_space<vmem>> -> memref<128xi32, #tpu.memory_space<vmem>>
      %dma_start3A_84 = arith.constant 0 : i32
      %dma_start3A_85 = arith.constant 0 : i32
      %dma_start3A_86 = tpu.memref_slice %arg13[%dma_start3A_84, %dma_start3A_85] : memref<10240x128xf32, #tpu.memory_space<vmem_shared>> -> memref<10240x128xf32, #tpu.memory_space<vmem_shared>>
      tpu.enqueue_indirect_dma source(%arg11 : memref<128x128xf32, #tpu.memory_space<vmem>>) target(%dma_start3A_86 : memref<10240x128xf32, #tpu.memory_space<vmem_shared>>) offsets(%dma_start3A_83 : memref<128xi32, #tpu.memory_space<vmem>>) semaphore(%run_scoped3A : memref<!tpu.dma_semaphore, #tpu.memory_space<semaphore_mem>>) {add = true}
      %dma_wait3A_87 = tpu.memref_slice %arg8[%multiple_of3A_71] : memref<9984xi32, #tpu.memory_space<vmem>> -> memref<128xi32, #tpu.memory_space<vmem>>
      %dma_wait3A_88 = arith.constant 0 : i32
      %dma_wait3A_89 = arith.constant 0 : i32
      %dma_wait3A_90 = tpu.memref_slice %arg13[%dma_wait3A_88, %dma_wait3A_89] : memref<10240x128xf32, #tpu.memory_space<vmem_shared>> -> memref<10240x128xf32, #tpu.memory_space<vmem_shared>>
      tpu.wait_indirect_dma semaphore(%run_scoped3A : memref<!tpu.dma_semaphore, #tpu.memory_space<semaphore_mem>>) src(%arg11 : memref<128x128xf32, #tpu.memory_space<vmem>>) dst(%dma_wait3A_90 : memref<10240x128xf32, #tpu.memory_space<vmem_shared>>)
      tpu.yield
    }) : () -> ()
    %barrier3A_72 = arith.constant 0 : index
    tpu.barrier barrier_id(%barrier3A_72)
    %eq3A_73 = arith.constant 0 : i32
    %eq3A_74 = arith.cmpi eq, %arg0, %eq3A_73 : i32
    %convert_element_type3A_75 = arith.extui %eq3A_74 : i1 to i32
    %cond3A_76 = arith.constant 0 : i32
    %cond3A_77 = arith.cmpi ne, %convert_element_type3A_75, %cond3A_76 : i32
    scf.if %cond3A_77 {
      "tpu.region"() ({
        %run_scoped3A = tpu.sem_alloc : memref<!tpu.dma_semaphore, #tpu.memory_space<semaphore_mem>>
        %dma_start3A_83 = arith.constant 0 : i32
        %dma_start3A_84 = tpu.memref_slice %arg5[%multiple_of3A_5, %dma_start3A_83] : memref<10240x128xf32, #tpu.memory_space<hbm>> -> memref<640x128xf32, #tpu.memory_space<hbm>>
        %dma_start3A_85 = arith.constant 0 : i32
        %dma_start3A_86 = tpu.memref_slice %arg13[%multiple_of3A_5, %dma_start3A_85] : memref<10240x128xf32, #tpu.memory_space<vmem_shared>> -> memref<640x128xf32, #tpu.memory_space<vmem_shared>>
        tpu.enqueue_dma source(%dma_start3A_86 : memref<640x128xf32, #tpu.memory_space<vmem_shared>>) target(%dma_start3A_84 : memref<640x128xf32, #tpu.memory_space<hbm>>) target_semaphore(%run_scoped3A : memref<!tpu.dma_semaphore, #tpu.memory_space<semaphore_mem>>)
        %dma_wait3A_87 = arith.constant 0 : i32
        %dma_wait3A_88 = tpu.memref_slice %arg5[%multiple_of3A_5, %dma_wait3A_87] : memref<10240x128xf32, #tpu.memory_space<hbm>> -> memref<640x128xf32, #tpu.memory_space<hbm>>
        %dma_wait3A_89 = arith.constant 0 : i32
        %dma_wait3A_90 = tpu.memref_slice %arg13[%multiple_of3A_5, %dma_wait3A_89] : memref<10240x128xf32, #tpu.memory_space<vmem_shared>> -> memref<640x128xf32, #tpu.memory_space<vmem_shared>>
        tpu.wait_dma2 semaphore(%run_scoped3A : memref<!tpu.dma_semaphore, #tpu.memory_space<semaphore_mem>>) src(%dma_wait3A_90 : memref<640x128xf32, #tpu.memory_space<vmem_shared>>) dst(%dma_wait3A_88 : memref<640x128xf32, #tpu.memory_space<hbm>>)
        tpu.yield
      }) : () -> ()
    } else {
    }
    %eq3A_78 = arith.constant 1 : i32
    %eq3A_79 = arith.cmpi eq, %arg0, %eq3A_78 : i32
    %convert_element_type3A_80 = arith.extui %eq3A_79 : i1 to i32
    %cond3A_81 = arith.constant 0 : i32
    %cond3A_82 = arith.cmpi ne, %convert_element_type3A_80, %cond3A_81 : i32
    scf.if %cond3A_82 {
      "tpu.region"() ({
        %run_scoped3A = tpu.sem_alloc : memref<!tpu.dma_semaphore, #tpu.memory_space<semaphore_mem>>
        %dma_start3A_83 = arith.constant 0 : i32
        %dma_start3A_84 = tpu.memref_slice %arg6[%multiple_of3A_5, %dma_start3A_83] : memref<10240x128xf32, #tpu.memory_space<hbm>> -> memref<640x128xf32, #tpu.memory_space<hbm>>
        %dma_start3A_85 = arith.constant 0 : i32
        %dma_start3A_86 = tpu.memref_slice %arg13[%multiple_of3A_5, %dma_start3A_85] : memref<10240x128xf32, #tpu.memory_space<vmem_shared>> -> memref<640x128xf32, #tpu.memory_space<vmem_shared>>
        tpu.enqueue_dma source(%dma_start3A_86 : memref<640x128xf32, #tpu.memory_space<vmem_shared>>) target(%dma_start3A_84 : memref<640x128xf32, #tpu.memory_space<hbm>>) target_semaphore(%run_scoped3A : memref<!tpu.dma_semaphore, #tpu.memory_space<semaphore_mem>>)
        %dma_wait3A_87 = arith.constant 0 : i32
        %dma_wait3A_88 = tpu.memref_slice %arg6[%multiple_of3A_5, %dma_wait3A_87] : memref<10240x128xf32, #tpu.memory_space<hbm>> -> memref<640x128xf32, #tpu.memory_space<hbm>>
        %dma_wait3A_89 = arith.constant 0 : i32
        %dma_wait3A_90 = tpu.memref_slice %arg13[%multiple_of3A_5, %dma_wait3A_89] : memref<10240x128xf32, #tpu.memory_space<vmem_shared>> -> memref<640x128xf32, #tpu.memory_space<vmem_shared>>
        tpu.wait_dma2 semaphore(%run_scoped3A : memref<!tpu.dma_semaphore, #tpu.memory_space<semaphore_mem>>) src(%dma_wait3A_90 : memref<640x128xf32, #tpu.memory_space<vmem_shared>>) dst(%dma_wait3A_88 : memref<640x128xf32, #tpu.memory_space<hbm>>)
        tpu.yield
      }) : () -> ()
    } else {
    }
    return
  }
}

module attributes {stable_mosaic.version = 14 : i64} {
  func.func @_y1_body(%arg0: i32, %arg1: memref<400x128xf32, #tpu.memory_space<vmem>>, %arg2: memref<128x128xf32, #tpu.memory_space<vmem>>, %arg3: memref<400x1xf32, #tpu.memory_space<vmem>>, %arg4: memref<400x1xf32, #tpu.memory_space<vmem>>, %arg5: memref<400x128xf32, #tpu.memory_space<vmem>>) attributes {dimension_semantics = [#tpu.dimension_semantics<arbitrary>], iteration_bounds = array<i64: 25>, scalar_prefetch = 0 : i64, scratch_operands = 0 : i64, tpu.core_type = #tpu.core_type<tc>, window_params = [{transform_indices = @transform_0, window_bounds = array<i64: 400, 128>}, {pipeline_mode = #tpu.pipeline_mode<synchronous>, transform_indices = @transform_1, window_bounds = array<i64: 128, 128>}, {transform_indices = @transform_2, window_bounds = array<i64: 400, 1>}, {transform_indices = @transform_3, window_bounds = array<i64: 400, 1>}, {transform_indices = @transform_4, window_bounds = array<i64: 400, 128>}]} {
    %get3A = arith.constant 0 : index
    %get3A_0 = arith.constant 0 : index
    %get3A_1 = vector.load %arg3[%get3A, %get3A_0] : memref<400x1xf32, #tpu.memory_space<vmem>>, vector<400x1xf32>
    %get3A_2 = arith.constant 0 : index
    %get3A_3 = arith.constant 0 : index
    %get3A_4 = vector.load %arg4[%get3A_2, %get3A_3] : memref<400x1xf32, #tpu.memory_space<vmem>>, vector<400x1xf32>
    %add3A = arith.addf %get3A_1, %get3A_4 : vector<400x1xf32>
    %add3A_5 = arith.constant 1.000000e+00 : f32
    %add3A_6 = vector.broadcast %add3A_5 : f32 to vector<400x1xf32>
    %add3A_7 = arith.addf %add3A, %add3A_6 : vector<400x1xf32>
    %rsqrt3A = math.rsqrt %add3A_7 : vector<400x1xf32>
    %get3A_8 = arith.constant 0 : index
    %get3A_9 = arith.constant 0 : index
    %get3A_10 = vector.load %arg1[%get3A_8, %get3A_9] : memref<400x128xf32, #tpu.memory_space<vmem>>, vector<400x128xf32>
    %get3A_11 = arith.constant 0 : index
    %get3A_12 = arith.constant 0 : index
    %get3A_13 = vector.load %arg2[%get3A_11, %get3A_12] : memref<128x128xf32, #tpu.memory_space<vmem>>, vector<128x128xf32>
    %dot_general3A = arith.constant dense<0.000000e+00> : vector<400x128xf32>
    %dot_general3A_14 = tpu.matmul %get3A_10, %get3A_13, %dot_general3A {dimension_numbers = #tpu.dot_dimension_numbers<[1], [0], [0], [1], [0, 0, 1, 1], [], []>, transpose_lhs_hint = false} : vector<400x128xf32>, vector<128x128xf32>, vector<400x128xf32> -> vector<400x128xf32>
    %mul3A = vector.broadcast %rsqrt3A : vector<400x1xf32> to vector<400x128xf32>
    %mul3A_15 = arith.mulf %dot_general3A_14, %mul3A : vector<400x128xf32>
    %swap3A = arith.constant 0 : index
    %swap3A_16 = arith.constant 0 : index
    %swap3A_17 = vector.load %arg5[%swap3A, %swap3A_16] : memref<400x128xf32, #tpu.memory_space<vmem>>, vector<400x128xf32>
    tpu.vector_store %arg5[%swap3A, %swap3A_16], %mul3A_15 {strides = array<i32>} : memref<400x128xf32, #tpu.memory_space<vmem>>, vector<400x128xf32>,
    return
  }
  func.func @transform_0(%arg0: i32) -> (i32, i32) {
    %c0_i32 = arith.constant 0 : i32
    %c0_i32_0 = arith.constant 0 : i32
    return %arg0, %c0_i32 : i32, i32
  }
  func.func @transform_1(%arg0: i32) -> (i32, i32) {
    %c0_i32 = arith.constant 0 : i32
    %c0_i32_0 = arith.constant 0 : i32
    %c0_i32_1 = arith.constant 0 : i32
    return %c0_i32, %c0_i32_0 : i32, i32
  }
  func.func @transform_2(%arg0: i32) -> (i32, i32) {
    %c0_i32 = arith.constant 0 : i32
    %c0_i32_0 = arith.constant 0 : i32
    return %arg0, %c0_i32 : i32, i32
  }
  func.func @transform_3(%arg0: i32) -> (i32, i32) {
    %c0_i32 = arith.constant 0 : i32
    %c0_i32_0 = arith.constant 0 : i32
    return %arg0, %c0_i32 : i32, i32
  }
  func.func @transform_4(%arg0: i32) -> (i32, i32) {
    %c0_i32 = arith.constant 0 : i32
    %c0_i32_0 = arith.constant 0 : i32
    return %arg0, %c0_i32 : i32, i32
  }
}

module attributes {stable_mosaic.version = 14 : i64} {
  func.func @_mid_body(%arg0: i32, %arg1: memref<400x128xf32, #tpu.memory_space<vmem>>, %arg2: memref<400x128xf32, #tpu.memory_space<vmem>>, %arg3: memref<400x1xf32, #tpu.memory_space<vmem>>, %arg4: memref<400x1xf32, #tpu.memory_space<vmem>>, %arg5: memref<1x128xf32, #tpu.memory_space<vmem>>, %arg6: memref<128x128xf32, #tpu.memory_space<vmem>>, %arg7: memref<400x128xf32, #tpu.memory_space<vmem>>) attributes {dimension_semantics = [#tpu.dimension_semantics<arbitrary>], iteration_bounds = array<i64: 25>, scalar_prefetch = 0 : i64, scratch_operands = 0 : i64, tpu.core_type = #tpu.core_type<tc>, window_params = [{transform_indices = @transform_0, window_bounds = array<i64: 400, 128>}, {transform_indices = @transform_1, window_bounds = array<i64: 400, 128>}, {transform_indices = @transform_2, window_bounds = array<i64: 400, 1>}, {transform_indices = @transform_3, window_bounds = array<i64: 400, 1>}, {pipeline_mode = #tpu.pipeline_mode<synchronous>, transform_indices = @transform_4, window_bounds = array<i64: 1, 128>}, {pipeline_mode = #tpu.pipeline_mode<synchronous>, transform_indices = @transform_5, window_bounds = array<i64: 128, 128>}, {transform_indices = @transform_6, window_bounds = array<i64: 400, 128>}]} {
    %get3A = arith.constant 0 : index
    %get3A_0 = arith.constant 0 : index
    %get3A_1 = vector.load %arg3[%get3A, %get3A_0] : memref<400x1xf32, #tpu.memory_space<vmem>>, vector<400x1xf32>
    %get3A_2 = arith.constant 0 : index
    %get3A_3 = arith.constant 0 : index
    %get3A_4 = vector.load %arg4[%get3A_2, %get3A_3] : memref<400x1xf32, #tpu.memory_space<vmem>>, vector<400x1xf32>
    %add3A = arith.addf %get3A_1, %get3A_4 : vector<400x1xf32>
    %add3A_5 = arith.constant 1.000000e+00 : f32
    %add3A_6 = vector.broadcast %add3A_5 : f32 to vector<400x1xf32>
    %add3A_7 = arith.addf %add3A, %add3A_6 : vector<400x1xf32>
    %rsqrt3A = math.rsqrt %add3A_7 : vector<400x1xf32>
    %get3A_8 = arith.constant 0 : index
    %get3A_9 = arith.constant 0 : index
    %get3A_10 = vector.load %arg1[%get3A_8, %get3A_9] : memref<400x128xf32, #tpu.memory_space<vmem>>, vector<400x128xf32>
    %get3A_11 = arith.constant 0 : index
    %get3A_12 = arith.constant 0 : index
    %get3A_13 = vector.load %arg2[%get3A_11, %get3A_12] : memref<400x128xf32, #tpu.memory_space<vmem>>, vector<400x128xf32>
    %add3A_14 = arith.addf %get3A_10, %get3A_13 : vector<400x128xf32>
    %mul3A = vector.broadcast %rsqrt3A : vector<400x1xf32> to vector<400x128xf32>
    %mul3A_15 = arith.mulf %mul3A, %add3A_14 : vector<400x128xf32>
    %get3A_16 = arith.constant 0 : index
    %get3A_17 = arith.constant 0 : index
    %get3A_18 = vector.load %arg5[%get3A_16, %get3A_17] : memref<1x128xf32, #tpu.memory_space<vmem>>, vector<1x128xf32>
    %add3A_19 = vector.broadcast %get3A_18 : vector<1x128xf32> to vector<400x128xf32>
    %add3A_20 = arith.addf %mul3A_15, %add3A_19 : vector<400x128xf32>
    %max3A = arith.constant 0.000000e+00 : f32
    %max3A_21 = vector.broadcast %max3A : f32 to vector<400x128xf32>
    %max3A_22 = arith.maximumf %add3A_20, %max3A_21 : vector<400x128xf32>
    %get3A_23 = arith.constant 0 : index
    %get3A_24 = arith.constant 0 : index
    %get3A_25 = vector.load %arg6[%get3A_23, %get3A_24] : memref<128x128xf32, #tpu.memory_space<vmem>>, vector<128x128xf32>
    %dot_general3A = arith.constant dense<0.000000e+00> : vector<400x128xf32>
    %dot_general3A_26 = tpu.matmul %max3A_22, %get3A_25, %dot_general3A {dimension_numbers = #tpu.dot_dimension_numbers<[1], [0], [0], [1], [0, 0, 1, 1], [], []>, transpose_lhs_hint = false} : vector<400x128xf32>, vector<128x128xf32>, vector<400x128xf32> -> vector<400x128xf32>
    %mul3A_27 = vector.broadcast %rsqrt3A : vector<400x1xf32> to vector<400x128xf32>
    %mul3A_28 = arith.mulf %mul3A_27, %dot_general3A_26 : vector<400x128xf32>
    %swap3A = arith.constant 0 : index
    %swap3A_29 = arith.constant 0 : index
    %swap3A_30 = vector.load %arg7[%swap3A, %swap3A_29] : memref<400x128xf32, #tpu.memory_space<vmem>>, vector<400x128xf32>
    tpu.vector_store %arg7[%swap3A, %swap3A_29], %mul3A_28 {strides = array<i32>} : memref<400x128xf32, #tpu.memory_space<vmem>>, vector<400x128xf32>,
    return
  }
  func.func @transform_0(%arg0: i32) -> (i32, i32) {
    %c0_i32 = arith.constant 0 : i32
    %c0_i32_0 = arith.constant 0 : i32
    return %arg0, %c0_i32 : i32, i32
  }
  func.func @transform_1(%arg0: i32) -> (i32, i32) {
    %c0_i32 = arith.constant 0 : i32
    %c0_i32_0 = arith.constant 0 : i32
    return %arg0, %c0_i32 : i32, i32
  }
  func.func @transform_2(%arg0: i32) -> (i32, i32) {
    %c0_i32 = arith.constant 0 : i32
    %c0_i32_0 = arith.constant 0 : i32
    return %arg0, %c0_i32 : i32, i32
  }
  func.func @transform_3(%arg0: i32) -> (i32, i32) {
    %c0_i32 = arith.constant 0 : i32
    %c0_i32_0 = arith.constant 0 : i32
    return %arg0, %c0_i32 : i32, i32
  }
  func.func @transform_4(%arg0: i32) -> (i32, i32) {
    %c0_i32 = arith.constant 0 : i32
    %c0_i32_0 = arith.constant 0 : i32
    %c0_i32_1 = arith.constant 0 : i32
    return %c0_i32, %c0_i32_0 : i32, i32
  }
  func.func @transform_5(%arg0: i32) -> (i32, i32) {
    %c0_i32 = arith.constant 0 : i32
    %c0_i32_0 = arith.constant 0 : i32
    %c0_i32_1 = arith.constant 0 : i32
    return %c0_i32, %c0_i32_0 : i32, i32
  }
  func.func @transform_6(%arg0: i32) -> (i32, i32) {
    %c0_i32 = arith.constant 0 : i32
    %c0_i32_0 = arith.constant 0 : i32
    return %arg0, %c0_i32 : i32, i32
  }
}

module attributes {stable_mosaic.version = 14 : i64} {
  func.func @_fin_body(%arg0: i32, %arg1: memref<400x128xf32, #tpu.memory_space<vmem>>, %arg2: memref<400x128xf32, #tpu.memory_space<vmem>>, %arg3: memref<400x1xf32, #tpu.memory_space<vmem>>, %arg4: memref<400x1xf32, #tpu.memory_space<vmem>>, %arg5: memref<1x128xf32, #tpu.memory_space<vmem>>, %arg6: memref<400x128xf32, #tpu.memory_space<vmem>>) attributes {dimension_semantics = [#tpu.dimension_semantics<arbitrary>], iteration_bounds = array<i64: 25>, scalar_prefetch = 0 : i64, scratch_operands = 0 : i64, tpu.core_type = #tpu.core_type<tc>, window_params = [{transform_indices = @transform_0, window_bounds = array<i64: 400, 128>}, {transform_indices = @transform_1, window_bounds = array<i64: 400, 128>}, {transform_indices = @transform_2, window_bounds = array<i64: 400, 1>}, {transform_indices = @transform_3, window_bounds = array<i64: 400, 1>}, {pipeline_mode = #tpu.pipeline_mode<synchronous>, transform_indices = @transform_4, window_bounds = array<i64: 1, 128>}, {transform_indices = @transform_5, window_bounds = array<i64: 400, 128>}]} {
    %get3A = arith.constant 0 : index
    %get3A_0 = arith.constant 0 : index
    %get3A_1 = vector.load %arg3[%get3A, %get3A_0] : memref<400x1xf32, #tpu.memory_space<vmem>>, vector<400x1xf32>
    %get3A_2 = arith.constant 0 : index
    %get3A_3 = arith.constant 0 : index
    %get3A_4 = vector.load %arg4[%get3A_2, %get3A_3] : memref<400x1xf32, #tpu.memory_space<vmem>>, vector<400x1xf32>
    %add3A = arith.addf %get3A_1, %get3A_4 : vector<400x1xf32>
    %add3A_5 = arith.constant 1.000000e+00 : f32
    %add3A_6 = vector.broadcast %add3A_5 : f32 to vector<400x1xf32>
    %add3A_7 = arith.addf %add3A, %add3A_6 : vector<400x1xf32>
    %rsqrt3A = math.rsqrt %add3A_7 : vector<400x1xf32>
    %get3A_8 = arith.constant 0 : index
    %get3A_9 = arith.constant 0 : index
    %get3A_10 = vector.load %arg1[%get3A_8, %get3A_9] : memref<400x128xf32, #tpu.memory_space<vmem>>, vector<400x128xf32>
    %get3A_11 = arith.constant 0 : index
    %get3A_12 = arith.constant 0 : index
    %get3A_13 = vector.load %arg2[%get3A_11, %get3A_12] : memref<400x128xf32, #tpu.memory_space<vmem>>, vector<400x128xf32>
    %add3A_14 = arith.addf %get3A_10, %get3A_13 : vector<400x128xf32>
    %mul3A = vector.broadcast %rsqrt3A : vector<400x1xf32> to vector<400x128xf32>
    %mul3A_15 = arith.mulf %mul3A, %add3A_14 : vector<400x128xf32>
    %get3A_16 = arith.constant 0 : index
    %get3A_17 = arith.constant 0 : index
    %get3A_18 = vector.load %arg5[%get3A_16, %get3A_17] : memref<1x128xf32, #tpu.memory_space<vmem>>, vector<1x128xf32>
    %add3A_19 = vector.broadcast %get3A_18 : vector<1x128xf32> to vector<400x128xf32>
    %add3A_20 = arith.addf %mul3A_15, %add3A_19 : vector<400x128xf32>
    %swap3A = arith.constant 0 : index
    %swap3A_21 = arith.constant 0 : index
    %swap3A_22 = vector.load %arg6[%swap3A, %swap3A_21] : memref<400x128xf32, #tpu.memory_space<vmem>>, vector<400x128xf32>
    tpu.vector_store %arg6[%swap3A, %swap3A_21], %add3A_20 {strides = array<i32>} : memref<400x128xf32, #tpu.memory_space<vmem>>, vector<400x128xf32>,
    return
  }
  func.func @transform_0(%arg0: i32) -> (i32, i32) {
    %c0_i32 = arith.constant 0 : i32
    %c0_i32_0 = arith.constant 0 : i32
    return %arg0, %c0_i32 : i32, i32
  }
  func.func @transform_1(%arg0: i32) -> (i32, i32) {
    %c0_i32 = arith.constant 0 : i32
    %c0_i32_0 = arith.constant 0 : i32
    return %arg0, %c0_i32 : i32, i32
  }
  func.func @transform_2(%arg0: i32) -> (i32, i32) {
    %c0_i32 = arith.constant 0 : i32
    %c0_i32_0 = arith.constant 0 : i32
    return %arg0, %c0_i32 : i32, i32
  }
  func.func @transform_3(%arg0: i32) -> (i32, i32) {
    %c0_i32 = arith.constant 0 : i32
    %c0_i32_0 = arith.constant 0 : i32
    return %arg0, %c0_i32 : i32, i32
  }
  func.func @transform_4(%arg0: i32) -> (i32, i32) {
    %c0_i32 = arith.constant 0 : i32
    %c0_i32_0 = arith.constant 0 : i32
    %c0_i32_1 = arith.constant 0 : i32
    return %c0_i32, %c0_i32_0 : i32, i32
  }
  func.func @transform_5(%arg0: i32) -> (i32, i32) {
    %c0_i32 = arith.constant 0 : i32
    %c0_i32_0 = arith.constant 0 : i32
    return %arg0, %c0_i32 : i32, i32
  }
}

</mosaic_0001>

<sc_bundles>
// kernel: kernel.11.cloned.1.call-start
scs
__scs_entry_jumppad:
0x0: {  	(pc) =	sbr.rel $0x88, $3  }
0x1: {  	(tag) =	ssettag $0x0;
	lr =	simm.s32 $0x1  }
0x2: {  	[smem:$0x3F9B] =	sst lr;
	_ =	strace $0xD0000000  }
0x3: {  	_ = 	snop  }
0x4: {  	_ = 	snop  }
0x5: {  	_ = 	snop  }
0x6: {  	_ = 	snop  }
0x7: {  	_ = 	snop  }
__scs_overlays_trampoline_lowered:
0x8: {  	[smem:$0x3FAA] =	sst s0  }
0x9: {  	[smem:$0x3FAB] =	sst s1  }
0xa: {  	[smem:$0x3FAC] =	sst s2  }
0xb: {  	[smem:$0x3FAD] =	sst s3  }
0xc: {  	[smem:$0x3FAE] =	sst s4  }
0xd: {  	[smem:$0x3FAF] =	sst s5  }
0xe: {  	[smem:$0x3FB0] =	sst s6  }
0xf: {  	[smem:$0x3FB1] =	sst s7  }
0x10: {  	[smem:$0x3FB2] =	sst s8  }
0x11: {  	[smem:$0x3FB3] =	sst s9;
	s0 =	simm.s32 @!p0 $0x0  }
0x12: {  	s1 =	sld [smem:$0x3F99];
	s0 =	simm.s32 @p0 $0x1  }
0x13: {  	[smem:$0x3FB4] =	sst s0;
	s0 =	simm.s32 @!p1 $0x0  }
0x14: {  	s2 =	sld [smem:$0x3F98];
	s0 =	simm.s32 @p1 $0x1  }
0x15: {  	[smem:$0x3FB5] =	sst s0;
	s0 =	simm.s32 @!p2 $0x0  }
0x16: {  	s3 =	sld [smem:$0x3FDB];
	s0 =	simm.s32 @p2 $0x1  }
0x17: {  	s4 =	simm.s32 $0x1BF5;
	[smem:$0x3FB7] =	sst s0  }
0x18: {  	s0 =	sld [smem:$0x3F9A];
	_ =	swait.ge [sflag:s4], $0x0  }
0x19: {  	s7 =	sld [smem:$0x3F9B]  }
0x1a: {  	s8 =	sadd.s32 $0xFFFFE003, lr  }
0x1b: {  	s9 =	sadd.s32 $0xFFFFFEF7, lr;
	s5 =	simm.s32 $0xFFFFFFFF;
	p2 =	slt.u32 s8, $0xFFFFF086  }
0x1c: {  	p1 =	slt.u32 s9, $0xF7A;
	s5 =	simm.s32 @!p2 $0x0  }
0x1d: {  	s5 =	simm.s32 @p1 $0x1;
	p0 =	seq.s32 s7, s2  }
0x1e: {  	s7 =	smul.u32 @!p0 $0xF7A, s2;
	p2 =	seq.s32 @!p0 s5, $0x0  }
0x1f: {  	s9 =	smul.u32 $0xF7A, s1;
	s8 =	simm.s32 @!p0 $0x1BF5;
	p2 =	por !p2, p0  }
0x20: {  	[sflag:s8] =	ssyncset.s32 @!p0 $0xFFFFF086;
	s6 =	sadd.s32 @!p0 s3, s7;
	s7 =	simm.s32 @!p0 $0x108  }
0x21: {  	s3 =	sadd.s32 s3, s9;
	s6 =	sadd.s32 @!p0 $0x88, s6;
	s7 =	simm.s32 @p2 $0x1082  }
0x22: {  	[simem:s7], [sflag:s8] =	dma.local @!p0 [hbm:s6], $0xF7A  }
0x23: {  	s9 =	sor.u32 $0xD0000000, s2;
	s6 =	simm.s32 $0x108;
	_ =	swait.ge @!p0 [sflag:s8], $0x0  }
0x24: {  	s3 =	sadd.s32 $0x88, s3;
	s6 =	simm.s32 @!p1 $0x1082;
	[sflag:s4] =	ssyncset.s32 $0xFFFFF086  }
0x25: {  	[simem:s6], [sflag:s4] =	dma.local [hbm:s3], $0xF7A  }
0x26: {  	[smem:$0x3F9B] =	sst s1;
	(tag) =	ssettag s2;
	_ =	strace s9  }
0x27: {  	s1 =	sld [smem:$0x3FAB]  }
0x28: {  	s2 =	sld [smem:$0x3FAC]  }
0x29: {  	s4 =	sld [smem:$0x3FAE]  }
0x2a: {  	p0 =	seq.s32 s5, $0x0;
	s5 =	sld [smem:$0x3FAF]  }
0x2b: {  	s6 =	sld [smem:$0x3FB0]  }
0x2c: {  	s7 =	sld [smem:$0x3FB1]  }
0x2d: {  	s3 =	simm.s32 $0x108;
	s8 =	sld [smem:$0x3FB2]  }
0x2e: {  	s3 =	simm.s32 @!p0 $0x1082;
	s9 =	sld [smem:$0x3FB3]  }
0x2f: {  	lr =	sadd.s32 s0, s3;
	s0 =	sld [smem:$0x3FAA]  }
0x30: {  	s3 =	sld [smem:$0x3FAD]  }
0x31: {  	[smem:$0x3FB6] =	sst s10  }
0x32: {  	s10 =	sld [smem:$0x3FB4];
	_ =	sdelay $0x3  }
0x33: {  	p0 =	seq.s32 s10, $0x1;
	s10 =	sld [smem:$0x3FB6];
	_ =	sdelay $0x3  }
0x34: {  	[smem:$0x3FB6] =	sst s10  }
0x35: {  	s10 =	sld [smem:$0x3FB5];
	_ =	sdelay $0x3  }
0x36: {  	p1 =	seq.s32 s10, $0x1;
	s10 =	sld [smem:$0x3FB6];
	_ =	sdelay $0x3  }
0x37: {  	[smem:$0x3FB6] =	sst s10  }
0x38: {  	s10 =	sld [smem:$0x3FB7]  }
0x39: {  	_ = 	snop;
	(pc) =	sbr.ind lr, $3  }
0x3a: {  	_ = 	snop  }
0x3b: {  	_ = 	snop  }
0x3c: {  	p2 =	seq.s32 s10, $0x1;
	s10 =	sld [smem:$0x3FB6]  }
0x3d: {  	_ =	shalt  }
0x3e: {  	_ =	shalt  }
0x3f: {  	_ =	shalt  }
0x40: {  	_ =	shalt  }
0x41: {  	_ =	shalt  }
0x42: {  	_ =	shalt  }
0x43: {  	_ =	shalt  }
0x44: {  	_ =	shalt  }
0x45: {  	_ =	shalt  }
0x46: {  	_ =	shalt  }
0x47: {  	_ =	shalt  }
0x48: {  	_ =	shalt  }
0x49: {  	_ =	shalt  }
0x4a: {  	_ =	shalt  }
0x4b: {  	_ =	shalt  }
0x4c: {  	_ =	shalt  }
0x4d: {  	_ =	shalt  }
0x4e: {  	_ =	shalt  }
0x4f: {  	_ =	shalt  }
0x50: {  	_ =	shalt  }
0x51: {  	_ =	shalt  }
0x52: {  	_ =	shalt  }
0x53: {  	_ =	shalt  }
0x54: {  	_ =	shalt  }
0x55: {  	_ =	shalt  }
0x56: {  	_ =	shalt  }
0x57: {  	_ =	shalt  }
0x58: {  	_ =	shalt  }
0x59: {  	_ =	shalt  }
0x5a: {  	_ =	shalt  }
0x5b: {  	_ =	shalt  }
0x5c: {  	_ =	shalt  }
0x5d: {  	_ =	shalt  }
0x5e: {  	_ =	shalt  }
0x5f: {  	_ =	shalt  }
0x60: {  	_ =	shalt  }
0x61: {  	_ =	shalt  }
0x62: {  	_ =	shalt  }
0x63: {  	_ =	shalt  }
0x64: {  	_ =	shalt  }
0x65: {  	_ =	shalt  }
0x66: {  	_ =	shalt  }
0x67: {  	_ =	shalt  }
0x68: {  	_ =	shalt  }
0x69: {  	_ =	shalt  }
0x6a: {  	_ =	shalt  }
0x6b: {  	_ =	shalt  }
0x6c: {  	_ =	shalt  }
0x6d: {  	_ =	shalt  }
0x6e: {  	_ =	shalt  }
0x6f: {  	_ =	shalt  }
0x70: {  	_ =	shalt  }
0x71: {  	_ =	shalt  }
0x72: {  	_ =	shalt  }
0x73: {  	_ =	shalt  }
0x74: {  	_ =	shalt  }
0x75: {  	_ =	shalt  }
0x76: {  	_ =	shalt  }
0x77: {  	_ =	shalt  }
0x78: {  	_ =	shalt  }
0x79: {  	_ =	shalt  }
0x7a: {  	_ =	shalt  }
0x7b: {  	_ =	shalt  }
0x7c: {  	_ =	shalt  }
0x7d: {  	_ =	shalt  }
0x7e: {  	_ =	shalt  }
0x7f: {  	_ =	shalt  }
0x80: {  	_ =	shalt  }
0x81: {  	_ =	shalt  }
0x82: {  	_ =	shalt  }
0x83: {  	_ =	shalt  }
0x84: {  	_ =	shalt  }
0x85: {  	_ =	shalt  }
0x86: {  	_ =	shalt  }
0x87: {  	_ =	shalt  }
.Lfunc_end0:
.L_simem_size_0:
called_computation.1_lowered:
.L_overlay_start_0:
0x88: {  	s2 =	sld [smem:$0x3FD9]  }
0x89: {  	s3 =	sld [smem:$0x3FFE];
	_ =	sdelay $0x1  }
0x8a: {  	s1 =	srdreg.scid  }
0x8b: {  	s0 =	sand.u32 $0x1, s1  }
0x8c: {  	s17 =	sshll.u32 s0, $0xA;
	s2 =	sadd.s32 s3, s2  }
0x8d: {  	s2 =	sadd.s32 s2, s17  }
0x8e: {  	[smem:$0x3FC2] =	sst s2  }
0x8f: {  	_ = 	snop  }
0x90: {  	s2 =	sld [smem:$0x3FD0];
	(tm) =	ssettm $0x1  }
0x91: {  	s18 =	sld [smem:$0x3FFB];
	_ =	sdelay $0x3  }
0x92: {  	_ =	strace s18  }
0x93: {  	s3 =	sld [smem:$0x3FFC];
	_ =	sdelay $0x3  }
0x94: {  	_ =	strace s3  }
0x95: {  	s3 =	sld [smem:$0x3FFD];
	_ =	sdelay $0x3  }
0x96: {  	_ =	strace s3  }
0x97: {  	_ =	strace $0x8FFFFFFF  }
0x98: {  	s19 =	sld [smem:$0x3FDB];
	_ =	sdelay $0x1  }
0x99: {  	s4 =	simm.s32 $_scs_section_size  }
0x9a: {  	s5 =	simm.s32 $_size__tile_overlayer_lowered;
	s6 =	simm.s32 $_tile_overlayer_lowered  }
0x9b: {  	s22 =	simm.s32 $0x1BFF;
	s21 =	sshll.u32 s6, $0x1;
	s3 =	sadd.s32 s4, s19  }
0x9c: {  	s7 =	simm.s32 $0x0;
	s20 =	sshll.u32 s5, $0x1;
	s5 =	sadd.s32 s21, s3  }
0x9d: {  	[timem:s7], [sflag:s22] =	dma.local [hbm:s5], s20  }
0x9e: {  	_ =	swait.ge [sflag:s22], s20  }
0x9f: {  	s4 =	ssub.s32 $0x0, s20;
	[sflag:s22] =	ssyncset.done $0x0  }
0xa0: {  	[sflag:s22] =	ssyncadd.s32 s4;
	_ =	sdelay $0x1  }
0xa1: {  	s23 =	simm.s32 $0x1B8B  }
0xa2: {  	_ =	swait.ge [sflag:s23], $0x1  }
0xa3: {  	[sflag:s23] =	ssyncset.done $0x0  }
0xa4: {  	s25 =	simm.s32 $0x1B8E;
	s24 =	sld [smem:$0x3FFE];
	[sflag:s23] =	ssyncadd.s32 $0xFFFFFFFF  }
0xa5: {  	s26 =	simm.s32 $execute0_lowered;
	[smem:$0x3FD2] =	sst s25  }
0xa6: {  	s5 =	sshll.u32 s26, $0x1;
	_ =	strace $0x80000049;
	[dreg:$0x1] =	wrdreg $0xFFFFFFFF  }
0xa7: {  	s28 =	simm.s32 $_size_execute0_lowered;
	s3 =	sadd.s32 s3, s5;
	[dreg:$0x0] =	wrdreg $0x0  }
0xa8: {  	s5 =	sshll.u32 s28, $0x1;
	[dreg:$0x2] =	wrdreg s3  }
0xa9: {  	[dreg:$0x3] =	wrdreg s5  }
0xaa: {  	[dreg:$0x4] =	wrdreg $0xC0  }
0xab: {  	_ =	task [dreg:s7], $0x5FFFF  }
0xac: {  	[dreg:$0x1] =	wrdreg $0xFFFFFFFF  }
0xad: {  	[dreg:$0x0] =	wrdreg $0x60  }
0xae: {  	[dreg:$0x2] =	wrdreg s24  }
0xaf: {  	[dreg:$0x3] =	wrdreg s2  }
0xb0: {  	[dreg:$0x4] =	wrdreg $0xBB800  }
0xb1: {  	[dreg:$0x5] =	wrdreg $0x9  }
0xb2: {  	_ =	task.clear_ibuf [dreg:s7], $0x6FFFF;
	_ =	strace $0x90000049  }
0xb3: {  	s29 =	simm.s32 $0x9;
	_ =	strace $0x8000004B  }
0xb4: {  	_ =	swait.ge [sflag:s29], $0x1  }
0xb5: {  	[sflag:s29] =	ssyncadd.s32 $0xFFFFFFFF  }
0xb6: {  	_ =	strace $0x9000004B  }
0xb7: {  	_ =	sfence  }
0xb8: {  	s30 =	sld [smem:$0x0];
	_ =	sdelay $0x2  }
0xb9: {  	s31 =	sshll.u32 s1, $0xD;
	s1 =	sshrl.u32 s1, $0x2  }
0xba: {  	s3 =	sand.u32 $0x4000, s31;
	s1 =	sadd.s32 s1, s30  }
0xbb: {  	s0 =	sor.u32 s3, s0;
	s1 =	sshll.u32 s1, $0x11  }
0xbc: {  	s0 =	sor.u32 s1, s0  }
0xbd: {  	s0 =	sadd.s32 $0x8F2B, s0  }
0xbe: {  	[sflag:s0] =	ssyncadd.remote.s32 $0x1  }
0xbf: {  	_ =	sfence.sel $0xFFFF  }
0xc0: {  	[dreg:$0x0] =	wrdreg $0xFFFFFFFF;
	(pc) =	sbr.abs _section_cstart, $3  }
0xc1: {  	[dreg:$0x1] =	wrdreg $0xFFFFFFFF  }
0xc2: {  	_ =	task.clear_ibuf [dreg:s7], $0x2FFFF;
	_ =	strace $0x9FFFFFFF  }
0xc3: {  	(tm) =	ssettm $0x7FFFFFFF  }
tec
execute0_lowered:
.L_overlay_start_1:
0x0: {  	(tag) =	ssettag $0x1  }
0x1: {  	s0 =	rddreg [dreg:$0x0]  }
0x2: {  	s7 =	rddreg [dreg:$0x1]  }
0x3: {  	s1 =	srdreg.scid;
	s2 =	rddreg [dreg:$0x2]  }
0x4: {  	s20 =	stileid.u32;
	s3 =	simm.s32 $0x0;
	s18 =	simm.s32 $0x5E200  }
0x5: {  	s28 =	simm.s32 $0x1300;
	s30 =	simm.s32 $0x2680;
	s31 =	simm.s32 $0x3900  }
0x6: {  	s8 =	sand.u32 $0x1, s1;
	[smem:$0x7FF] =	sst s3;
	s10 =	smul.u32 $0x50000, s20  }
0x7: {  	s12 =	sadd.s32 $0x3800, s0;
	s24 =	smul.u32 $0x14000, s20;
	s13 =	sshll.u32 s20, $0x4  }
0x8: {  	s4 =	sshll.u32 s8, $0x4;
	_ =	strace $0x8000004A;
	s6 =	ssub.s32 $0x2, s8  }
0x9: {  	p0 =	seq.s32 s8, $0x0;
	s14 =	sor.u32 $0x9C00, s13;
	s9 =	sor.u32 s20, s4  }
0xa: {  	s4 =	sadd.s32 $0x36200, s0;
	s11 =	sshrl.u32 s6, $0x1;
	s21 =	sshrl.u32 s10, $0x2  }
0xb: {  	s10 =	sshrl.u32 s24, $0x3;
	s13 =	sadd.s32 s7, s14;
	s14 =	sadd.s32 s12, s14  }
0xc: {  	s18 =	simm.s32 @!p0 $0x86200;
	p0 =	sne.s32 s8, $0x0;
	s20 =	simm.s32 $0x3  }
0xd: {  	s8 =	simm.s32 $0x0;
	s5 =	smul.u32 $0x2700, s9;
	s17 =	ssub.s32 s6, s11  }
0xe: {  	s6 =	sadd.s32 s21, s2;
	s11 =	sadd.s32 s24, s2;
	s29 =	sadd.s32 s4, s10  }
0xf: {  	s0 =	sadd.s32 s18, s0;
	p1 =	sgt.u32 s9, $0x3;
	s21 =	simm.s32 $0x80  }
0x10: {  	s24 =	simm.s32 $0x1;
	s22 =	sadd.s32 $0x4000, s6;
	[dreg:$0x8] =	wrdreg s29  }
0x11: {  	s23 =	sadd.s32 $0x8000, s6;
	s25 =	sadd.s32 $0xC000, s6;
	[dreg:$0x4] =	wrdreg s22  }
0x12: {  	s26 =	sadd.s32 $0x10000, s6;
	s17 =	smax.u32 s17, $0x1;
	[dreg:$0x5] =	wrdreg s23  }
0x13: {  	s18 =	sadd.s32 s0, s10;
	s0 =	simm.s32 $0x3980;
	[dreg:$0x6] =	wrdreg s25  }
0x14: {  	s15 =	sshrl.u32 s5, $0x3;
	[dreg:$0x7] =	wrdreg s26;
	s22 =	simm.s32 $0x3B80  }
0x15: {  	s23 =	simm.s32 $0x7B80;
	s5 =	sadd.s32 s12, s15;
	s15 =	sadd.s32 s7, s15  }
0x16: {  	v0 =	vimm.f32 $0.0e+00;
	s25 =	simm.s32 $0x2;
	s7 =	simm.s32 $0x3A00;
	s16 =	sadd.s32 $0x270, s15  }
.LBB2_1:
.Ltmp0:
0x17: {  	s1 =	simm.s32 $0x1380;
	(pc) =	sbr.rel @p0 .LBB2_3-.Ltmp0, $4  }
0x18: {  	[tilespmem:s1], [sflag:$0x3] =	stream.linear.gather [hbm4b:s5+s3], $0x2700, $0x38;
	[tilespmem:$0x1FB80] =	vst v63  }
0x19: {  	s29 =	stileid.u32;
	_ =	swait.ge [sflag:s20], $0x2700  }
0x1a: {  	s10 =	sshll.u32 s29, $0x6;
	[sflag:s20] =	ssyncset.done $0x0  }
0x1b: {  	s9 =	sshrl.u32 s11, $0x3;
	s10 =	sor.u32 $0x1C03, s10;
	[sflag:s20] =	ssyncadd.s32 $0xFFFFD900  }
.Ltmp1:
0x1c: {  	s1 =	rddreg [dreg:$0x8];
	(pc) =	sbr.rel .LBB2_6-.Ltmp1, $4  }
0x1d: {  	[spmem:s9], [sflag:s10] =	dma.local [hbm:s1], $0x2800  }
0x1e: {  	_ =	swait.ge [sflag:s20], $0x2800  }
0x1f: {  	[sflag:s20] =	ssyncset.done $0x0  }
0x20: {  	[sflag:s20] =	ssyncadd.s32 $0xFFFFD800  }
.LBB2_3:
0x21: {  	s12 =	sshra.s32 s3, $0x2;
	s19 =	sadd.s32 $0x200, s3  }
.LBB2_4:
0x22: {  	p2 =	sne.s32 s19, $0xFE00;
	[tilespmem:s12+$0x3BF0] =	vst v0  }
0x23: {  	[tilespmem:s12+$0x3B80] =	vst v0  }
0x24: {  	[tilespmem:s12+$0x3B90] =	vst v0  }
.Ltmp2:
0x25: {  	[tilespmem:s12+$0x3BA0] =	vst v0;
	(pc) =	sbr.rel @p2 .LBB2_4-.Ltmp2, $4  }
0x26: {  	[tilespmem:s12+$0x3BB0] =	vst v0  }
0x27: {  	[tilespmem:s12+$0x3BC0] =	vst v0  }
0x28: {  	[tilespmem:s12+$0x3BD0] =	vst v0  }
0x29: {  	[tilespmem:s12+$0x3BE0] =	vst v0;
	s12 =	sshra.s32 s19, $0x2;
	s19 =	sadd.s32 $0x200, s19  }
0x2a: {  	[tilespmem:s12+$0x3BF0] =	vst v0  }
0x2b: {  	[tilespmem:s12+$0x3B80] =	vst v0  }
0x2c: {  	[tilespmem:s12+$0x3B90] =	vst v0  }
0x2d: {  	[tilespmem:s12+$0x3BA0] =	vst v0  }
0x2e: {  	[tilespmem:s12+$0x3BB0] =	vst v0  }
0x2f: {  	[tilespmem:s12+$0x3BC0] =	vst v0  }
0x30: {  	[tilespmem:s12+$0x3BD0] =	vst v0  }
0x31: {  	[tilespmem:s12+$0x3BE0] =	vst v0  }
0x32: {  	[spmem:s6] =	stream.linear.scatter [tilespmem:s22], [sflag:$0x3], $0x4000, $0x38;
	[tilespmem:$0x1FB80] =	vst v63  }
0x33: {  	_ =	swait.ge [sflag:s20], $0x4000  }
0x34: {  	[sflag:s20] =	ssyncset.done $0x0  }
0x35: {  	s1 =	rddreg [dreg:$0x4];
	[sflag:s20] =	ssyncadd.s32 $0xFFFFC000  }
0x36: {  	[spmem:s1] =	stream.linear.scatter [tilespmem:s22], [sflag:$0x3], $0x4000, $0x38;
	[tilespmem:$0x1FB80] =	vst v63  }
0x37: {  	_ =	swait.ge [sflag:s20], $0x4000  }
0x38: {  	[sflag:s20] =	ssyncset.done $0x0  }
0x39: {  	s19 =	rddreg [dreg:$0x5];
	[sflag:s20] =	ssyncadd.s32 $0xFFFFC000  }
0x3a: {  	[spmem:s19] =	stream.linear.scatter [tilespmem:s22], [sflag:$0x3], $0x4000, $0x38;
	[tilespmem:$0x1FB80] =	vst v63  }
0x3b: {  	_ =	swait.ge [sflag:s20], $0x4000  }
0x3c: {  	[sflag:s20] =	ssyncset.done $0x0  }
0x3d: {  	s26 =	rddreg [dreg:$0x6];
	[sflag:s20] =	ssyncadd.s32 $0xFFFFC000  }
0x3e: {  	[spmem:s26] =	stream.linear.scatter [tilespmem:s22], [sflag:$0x3], $0x4000, $0x38;
	[tilespmem:$0x1FB80] =	vst v63  }
0x3f: {  	_ =	swait.ge [sflag:s20], $0x4000  }
0x40: {  	[sflag:s20] =	ssyncset.done $0x0  }
0x41: {  	s29 =	rddreg [dreg:$0x7];
	[sflag:s20] =	ssyncadd.s32 $0xFFFFC000  }
0x42: {  	[spmem:s29] =	stream.linear.scatter [tilespmem:s22], [sflag:$0x3], $0x4000, $0x38;
	[tilespmem:$0x1FB80] =	vst v63  }
0x43: {  	_ =	swait.ge [sflag:s20], $0x4000  }
0x44: {  	[sflag:s20] =	ssyncset.done $0x0  }
0x45: {  	[sflag:s20] =	ssyncadd.s32 $0xFFFFC000  }
.LBB2_6:
0x46: {  	[bflag:$0x0] =	sbarrier.arrive $0xFFFF  }
0x47: {  	s12 =	simm.s32 @!p1 $0x0;
	s19 =	simm.s32 @!p1 $0x3A80;
	s1 =	simm.s32 @!p1 $0x3  }
0x48: {  	[tilespmem:s19], [sflag:$0x3] =	stream.linear.gather @!p1 [hbm4b:s13+s12], $0x80, $0x38;
	[tilespmem:$0x1FB80] =	vst v63  }
0x49: {  	_ =	swait.ge @!p1 [sflag:s1], $0x80  }
0x4a: {  	[sflag:s1] =	ssyncset.done @!p1 $0x0  }
0x4b: {  	s26 =	simm.s32 @!p1 $0x3B00;
	[sflag:s1] =	ssyncadd.s32 @!p1 $0xFFFFFF80  }
0x4c: {  	[tilespmem:s26], [sflag:$0x3] =	stream.linear.gather @!p1 [hbm4b:s14+s12], $0x80, $0x38;
	[tilespmem:$0x1FB80] =	vst v63  }
0x4d: {  	_ =	swait.ge @!p1 [sflag:s1], $0x80  }
0x4e: {  	[sflag:s1] =	ssyncset.done @!p1 $0x0  }
0x4f: {  	s29 =	simm.s32 @!p1 $0x3B80;
	s12 =	simm.s32 @!p1 $0x80;
	[sflag:s1] =	ssyncadd.s32 @!p1 $0xFFFFFF80  }
0x50: {  	[tilespmem:s29], [sflag:$0x1] =	stream.indirect.gather @!p1 [hbm4b:s4+s12], $0x80, s19, s12, $0xb8;
	[tilespmem:$0x1FB80] =	vst v63  }
0x51: {  	s19 =	simm.s32 @!p1 $0x1  }
0x52: {  	_ =	swait.ge @!p1 [sflag:s19], $0x4000  }
0x53: {  	[sflag:s19] =	ssyncset.done @!p1 $0x0  }
0x54: {  	[sflag:s19] =	ssyncadd.s32 @!p1 $0xFFFFC000  }
0x55: {  	[spmem:s2] =	stream.indirect.scatter.add.f32 @!p1 [tilespmem:s29], [sflag:$0x3], $0x80, s26, s12, $0xb8;
	[tilespmem:$0x1FB80] =	vst v63  }
0x56: {  	_ =	swait.ge @!p1 [sflag:s1], $0x4000  }
0x57: {  	[sflag:s1] =	ssyncset.done @!p1 $0x0  }
0x58: {  	s12 =	simm.s32 $0x0;
	[sflag:s1] =	ssyncadd.s32 @!p1 $0xFFFFC000  }
0x59: {  	[tilespmem:s12], [sflag:$0x3] =	stream.linear.gather [hbm4b:s15+s12], $0x1380, $0x38;
	[tilespmem:$0x1FB80] =	vst v63  }
0x5a: {  	_ =	swait.ge [sflag:s20], $0x1380  }
0x5b: {  	[sflag:s20] =	ssyncset.done $0x0  }
0x5c: {  	[sflag:s20] =	ssyncadd.s32 $0xFFFFEC80  }
0x5d: {  	[tilespmem:s22], [sflag:$0x1] =	stream.indirect.gather [hbm4b:s4+s21], $0x80, s12, s21, $0xb8;
	[tilespmem:$0x1FB80] =	vst v63  }
0x5e: {  	_ = 	snop  }
0x5f: {  	[tilespmem:s23], [sflag:$0x2] =	stream.indirect.gather [hbm4b:s4+s21], $0x80, s21, s21, $0xb8;
	[tilespmem:$0x1FB80] =	vst v63  }
0x60: {  	_ =	swait.ge [sflag:s24], $0x4000  }
0x61: {  	[sflag:s24] =	ssyncset.done $0x0  }
0x62: {  	s19 =	simm.s32 $0x1380;
	[sflag:s24] =	ssyncadd.s32 $0xFFFFC000  }
0x63: {  	[spmem:s2] =	stream.indirect.scatter.add.f32 [tilespmem:s22], [sflag:$0x3], $0x80, s19, s21, $0xb8;
	[tilespmem:$0x1FB80] =	vst v63  }
0x64: {  	_ =	swait.ge [sflag:s20], $0x4000  }
0x65: {  	[sflag:s20] =	ssyncset.done $0x0  }
0x66: {  	s26 =	simm.s32 $0x100;
	[sflag:s20] =	ssyncadd.s32 $0xFFFFC000  }
0x67: {  	[tilespmem:s22], [sflag:$0x1] =	stream.indirect.gather [hbm4b:s4+s21], $0x80, s26, s21, $0xb8;
	[tilespmem:$0x1FB80] =	vst v63  }
0x68: {  	_ =	swait.ge [sflag:s25], $0x4000  }
0x69: {  	[sflag:s25] =	ssyncset.done $0x0  }
0x6a: {  	s29 =	simm.s32 $0x1400;
	[sflag:s25] =	ssyncadd.s32 $0xFFFFC000  }
0x6b: {  	[spmem:s2] =	stream.indirect.scatter.add.f32 [tilespmem:s23], [sflag:$0x3], $0x80, s29, s21, $0xb8;
	[tilespmem:$0x1FB80] =	vst v63  }
0x6c: {  	_ =	swait.ge [sflag:s20], $0x4000  }
0x6d: {  	[sflag:s20] =	ssyncset.done $0x0  }
0x6e: {  	s12 =	simm.s32 $0x400;
	s19 =	simm.s32 $0x180;
	[sflag:s20] =	ssyncadd.s32 $0xFFFFC000  }
.LBB2_7:
0x6f: {  	[tilespmem:s23], [sflag:$0x2] =	stream.indirect.gather [hbm4b:s4+s21], $0x80, s19, s21, $0xb8;
	[tilespmem:$0x1FB80] =	vst v63  }
0x70: {  	s1 =	smov.u32 s12  }
0x71: {  	p2 =	sne.s32 s12, $0x4400;
	s12 =	sadd.s32 $0x400, s12;
	_ =	swait.ge [sflag:s24], $0x4000  }
0x72: {  	s1 =	sshra.s32 s1, $0x2;
	[sflag:s24] =	ssyncset.done $0x0  }
0x73: {  	s19 =	sadd.s32 $0x1380, s1;
	[sflag:s24] =	ssyncadd.s32 $0xFFFFC000  }
0x74: {  	[spmem:s2] =	stream.indirect.scatter.add.f32 [tilespmem:s22], [sflag:$0x3], $0x80, s19, s21, $0xb8;
	[tilespmem:$0x1FB80] =	vst v63  }
0x75: {  	_ =	swait.ge [sflag:s20], $0x4000  }
0x76: {  	[sflag:s20] =	ssyncset.done $0x0  }
0x77: {  	s19 =	sadd.s32 $0x100, s1;
	[sflag:s20] =	ssyncadd.s32 $0xFFFFC000  }
0x78: {  	[tilespmem:s22], [sflag:$0x1] =	stream.indirect.gather [hbm4b:s4+s21], $0x80, s19, s21, $0xb8;
	[tilespmem:$0x1FB80] =	vst v63  }
0x79: {  	_ =	swait.ge [sflag:s25], $0x4000  }
0x7a: {  	[sflag:s25] =	ssyncset.done $0x0  }
.Ltmp3:
0x7b: {  	s19 =	sadd.s32 $0x1400, s1;
	[sflag:s25] =	ssyncadd.s32 $0xFFFFC000;
	(pc) =	sbr.rel @p2 .LBB2_7-.Ltmp3, $4  }
0x7c: {  	[spmem:s2] =	stream.indirect.scatter.add.f32 [tilespmem:s23], [sflag:$0x3], $0x80, s19, s21, $0xb8;
	[tilespmem:$0x1FB80] =	vst v63  }
0x7d: {  	_ =	swait.ge [sflag:s20], $0x4000  }
0x7e: {  	[sflag:s20] =	ssyncset.done $0x0  }
0x7f: {  	s19 =	sadd.s32 $0x180, s1;
	[sflag:s20] =	ssyncadd.s32 $0xFFFFC000  }
0x80: {  	[tilespmem:s23], [sflag:$0x2] =	stream.indirect.gather [hbm4b:s4+s21], $0x80, s19, s21, $0xb8;
	[tilespmem:$0x1FB80] =	vst v63  }
0x81: {  	_ =	swait.ge [sflag:s24], $0x4000  }
0x82: {  	[sflag:s24] =	ssyncset.done $0x0  }
0x83: {  	s1 =	simm.s32 $0x2580;
	[sflag:s24] =	ssyncadd.s32 $0xFFFFC000  }
0x84: {  	[spmem:s2] =	stream.indirect.scatter.add.f32 [tilespmem:s22], [sflag:$0x3], $0x80, s1, s21, $0xb8;
	[tilespmem:$0x1FB80] =	vst v63  }
0x85: {  	_ =	swait.ge [sflag:s20], $0x4000  }
0x86: {  	[sflag:s20] =	ssyncset.done $0x0  }
0x87: {  	[sflag:s20] =	ssyncadd.s32 $0xFFFFC000  }
0x88: {  	[tilespmem:s22], [sflag:$0x1] =	stream.indirect.gather [hbm4b:s4+s21], $0x80, s28, s21, $0xb8;
	[tilespmem:$0x1FB80] =	vst v63  }
0x89: {  	_ =	swait.ge [sflag:s25], $0x4000  }
0x8a: {  	[sflag:s25] =	ssyncset.done $0x0  }
0x8b: {  	s12 =	simm.s32 $0x2600;
	[sflag:s25] =	ssyncadd.s32 $0xFFFFC000  }
0x8c: {  	[spmem:s2] =	stream.indirect.scatter.add.f32 [tilespmem:s23], [sflag:$0x3], $0x80, s12, s21, $0xb8;
	[tilespmem:$0x1FB80] =	vst v63  }
0x8d: {  	_ =	swait.ge [sflag:s20], $0x4000  }
0x8e: {  	[sflag:s20] =	ssyncset.done $0x0  }
0x8f: {  	[sflag:s20] =	ssyncadd.s32 $0xFFFFC000  }
0x90: {  	_ =	swait.ge [sflag:s24], $0x4000  }
0x91: {  	[sflag:s24] =	ssyncset.done $0x0  }
0x92: {  	[sflag:s24] =	ssyncadd.s32 $0xFFFFC000  }
0x93: {  	[spmem:s2] =	stream.indirect.scatter.add.f32 [tilespmem:s22], [sflag:$0x3], $0x80, s30, s21, $0xb8;
	[tilespmem:$0x1FB80] =	vst v63  }
0x94: {  	_ =	swait.ge [sflag:s20], $0x4000  }
0x95: {  	[sflag:s20] =	ssyncset.done $0x0  }
0x96: {  	[sflag:s20] =	ssyncadd.s32 $0xFFFFC000  }
0x97: {  	[tilespmem:s3], [sflag:$0x3] =	stream.linear.gather [hbm4b:s16+s3], $0x1380, $0x38;
	[tilespmem:$0x1FB80] =	vst v63  }
0x98: {  	_ =	swait.ge [sflag:s20], $0x1380  }
0x99: {  	[sflag:s20] =	ssyncset.done $0x0  }
0x9a: {  	[sflag:s20] =	ssyncadd.s32 $0xFFFFEC80  }
0x9b: {  	[tilespmem:s22], [sflag:$0x1] =	stream.indirect.gather [hbm4b:s4+s21], $0x80, s3, s21, $0xb8;
	[tilespmem:$0x1FB80] =	vst v63  }
0x9c: {  	_ = 	snop  }
0x9d: {  	[tilespmem:s23], [sflag:$0x2] =	stream.indirect.gather [hbm4b:s4+s21], $0x80, s21, s21, $0xb8;
	[tilespmem:$0x1FB80] =	vst v63  }
0x9e: {  	_ =	swait.ge [sflag:s24], $0x4000  }
0x9f: {  	[sflag:s24] =	ssyncset.done $0x0  }
0xa0: {  	s19 =	simm.s32 $0x2700;
	[sflag:s24] =	ssyncadd.s32 $0xFFFFC000  }
0xa1: {  	[spmem:s2] =	stream.indirect.scatter.add.f32 [tilespmem:s22], [sflag:$0x3], $0x80, s19, s21, $0xb8;
	[tilespmem:$0x1FB80] =	vst v63  }
0xa2: {  	_ =	swait.ge [sflag:s20], $0x4000  }
0xa3: {  	[sflag:s20] =	ssyncset.done $0x0  }
0xa4: {  	s26 =	simm.s32 $0x100;
	[sflag:s20] =	ssyncadd.s32 $0xFFFFC000  }
0xa5: {  	[tilespmem:s22], [sflag:$0x1] =	stream.indirect.gather [hbm4b:s4+s21], $0x80, s26, s21, $0xb8;
	[tilespmem:$0x1FB80] =	vst v63  }
0xa6: {  	_ =	swait.ge [sflag:s25], $0x4000  }
0xa7: {  	[sflag:s25] =	ssyncset.done $0x0  }
0xa8: {  	s29 =	simm.s32 $0x2780;
	[sflag:s25] =	ssyncadd.s32 $0xFFFFC000  }
0xa9: {  	[spmem:s2] =	stream.indirect.scatter.add.f32 [tilespmem:s23], [sflag:$0x3], $0x80, s29, s21, $0xb8;
	[tilespmem:$0x1FB80] =	vst v63  }
0xaa: {  	_ =	swait.ge [sflag:s20], $0x4000  }
0xab: {  	[sflag:s20] =	ssyncset.done $0x0  }
0xac: {  	s12 =	simm.s32 $0xFFFFBC00;
	s19 =	simm.s32 $0x180;
	[sflag:s20] =	ssyncadd.s32 $0xFFFFC000  }
.LBB2_9:
0xad: {  	[tilespmem:s23], [sflag:$0x2] =	stream.indirect.gather [hbm4b:s4+s21], $0x80, s19, s21, $0xb8;
	[tilespmem:$0x1FB80] =	vst v63  }
0xae: {  	s1 =	smov.u32 s12  }
0xaf: {  	p2 =	sne.s32 s12, $0xFFFFFC00;
	s12 =	sadd.s32 $0x400, s12;
	_ =	swait.ge [sflag:s24], $0x4000  }
0xb0: {  	s1 =	sshra.s32 s1, $0x2;
	[sflag:s24] =	ssyncset.done $0x0  }
0xb1: {  	s19 =	sadd.s32 $0x3900, s1;
	[sflag:s24] =	ssyncadd.s32 $0xFFFFC000  }
0xb2: {  	[spmem:s2] =	stream.indirect.scatter.add.f32 [tilespmem:s22], [sflag:$0x3], $0x80, s19, s21, $0xb8;
	[tilespmem:$0x1FB80] =	vst v63  }
0xb3: {  	_ =	swait.ge [sflag:s20], $0x4000  }
0xb4: {  	[sflag:s20] =	ssyncset.done $0x0  }
0xb5: {  	s19 =	sadd.s32 $0x1300, s1;
	[sflag:s20] =	ssyncadd.s32 $0xFFFFC000  }
0xb6: {  	[tilespmem:s22], [sflag:$0x1] =	stream.indirect.gather [hbm4b:s4+s21], $0x80, s19, s21, $0xb8;
	[tilespmem:$0x1FB80] =	vst v63  }
0xb7: {  	_ =	swait.ge [sflag:s25], $0x4000  }
0xb8: {  	[sflag:s25] =	ssyncset.done $0x0  }
.Ltmp4:
0xb9: {  	s19 =	sadd.s32 $0x3980, s1;
	[sflag:s25] =	ssyncadd.s32 $0xFFFFC000;
	(pc) =	sbr.rel @p2 .LBB2_9-.Ltmp4, $4  }
0xba: {  	[spmem:s2] =	stream.indirect.scatter.add.f32 [tilespmem:s23], [sflag:$0x3], $0x80, s19, s21, $0xb8;
	[tilespmem:$0x1FB80] =	vst v63  }
0xbb: {  	_ =	swait.ge [sflag:s20], $0x4000  }
0xbc: {  	[sflag:s20] =	ssyncset.done $0x0  }
0xbd: {  	s19 =	sadd.s32 $0x1380, s1;
	[sflag:s20] =	ssyncadd.s32 $0xFFFFC000  }
0xbe: {  	[tilespmem:s23], [sflag:$0x2] =	stream.indirect.gather [hbm4b:s4+s21], $0x80, s19, s21, $0xb8;
	[tilespmem:$0x1FB80] =	vst v63  }
0xbf: {  	_ =	swait.ge [sflag:s24], $0x4000  }
0xc0: {  	[sflag:s24] =	ssyncset.done $0x0  }
0xc1: {  	[sflag:s24] =	ssyncadd.s32 $0xFFFFC000  }
0xc2: {  	[spmem:s2] =	stream.indirect.scatter.add.f32 [tilespmem:s22], [sflag:$0x3], $0x80, s31, s21, $0xb8;
	[tilespmem:$0x1FB80] =	vst v63  }
0xc3: {  	_ =	swait.ge [sflag:s20], $0x4000  }
0xc4: {  	[sflag:s20] =	ssyncset.done $0x0  }
0xc5: {  	[sflag:s20] =	ssyncadd.s32 $0xFFFFC000  }
0xc6: {  	[tilespmem:s22], [sflag:$0x1] =	stream.indirect.gather [hbm4b:s4+s21], $0x80, s28, s21, $0xb8;
	[tilespmem:$0x1FB80] =	vst v63  }
0xc7: {  	_ =	swait.ge [sflag:s25], $0x4000  }
0xc8: {  	[sflag:s25] =	ssyncset.done $0x0  }
0xc9: {  	[sflag:s25] =	ssyncadd.s32 $0xFFFFC000  }
0xca: {  	[spmem:s2] =	stream.indirect.scatter.add.f32 [tilespmem:s23], [sflag:$0x3], $0x80, s0, s21, $0xb8;
	[tilespmem:$0x1FB80] =	vst v63  }
0xcb: {  	_ =	swait.ge [sflag:s20], $0x4000  }
0xcc: {  	[sflag:s20] =	ssyncset.done $0x0  }
0xcd: {  	[sflag:s20] =	ssyncadd.s32 $0xFFFFC000  }
0xce: {  	_ =	swait.ge [sflag:s24], $0x4000  }
0xcf: {  	[sflag:s24] =	ssyncset.done $0x0  }
0xd0: {  	[sflag:s24] =	ssyncadd.s32 $0xFFFFC000  }
0xd1: {  	[spmem:s2] =	stream.indirect.scatter.add.f32 [tilespmem:s22], [sflag:$0x3], $0x80, s7, s21, $0xb8;
	[tilespmem:$0x1FB80] =	vst v63  }
0xd2: {  	_ =	swait.ge [sflag:s20], $0x4000  }
0xd3: {  	s8 =	sadd.s32 $0x1, s8;
	[sflag:s20] =	ssyncset.done $0x0  }
0xd4: {  	p2 =	sne.s32 s8, s17;
	[sflag:s20] =	ssyncadd.s32 $0xFFFFC000  }
.Ltmp5:
0xd5: {  	[bflag:$0x0] =	sbarrier.arrive $0xFFFF;
	(pc) =	sbr.rel @p2 .LBB2_1-.Ltmp5, $4  }
0xd6: {  	[hbm:s18], [sflag:s10] =	dma.local [spmem:s9], $0x2800  }
0xd7: {  	_ =	swait.ge [sflag:s20], $0x2800  }
0xd8: {  	[sflag:s20] =	ssyncset.done $0x0  }
0xd9: {  	[sflag:s20] =	ssyncadd.s32 $0xFFFFD800  }
0xda: {  	_ =	sfence.sel $0x180000  }
0xdb: {  	[bflag:$0x0] =	sbarrier.arrive $0xFFFF  }
0xdc: {  	_ =	strace $0x9000004A  }
0xdd: {  	s0 =	stileid.u32;
	[bflag:$0x2] =	sbarrier.arrive $0xFFFF  }
0xde: {  	p0 =	sne.s32 s0, $0x0;
	s0 =	rddreg [dreg:$0x3]  }
0xdf: {  	s0 =	sadd.s32 @!p0 $0x100000, s0  }
0xe0: {  	[sflag:s0] =	ssyncadd.tile.s32 @!p0 $0x1;
	_ =	shalt  }
.Lfunc_end2:
_tile_overlayer_lowered:
.L_overlay_start_2:
0xe1: {  	(tag) =	ssettag $0x2  }
0xe2: {  	s0 =	rddreg [dreg:$0x0];
	s2 =	stileid.u32  }
0xe3: {  	s1 =	rddreg [dreg:$0x1];
	p0 =	sne.s32 s2, $0x0  }
0xe4: {  	s3 =	rddreg [dreg:$0x2];
	[bflag:$0x3] =	sbarrier.arrive $0xFFFF;
	s2 =	simm.s32 @!p0 $0x1C03  }
0xe5: {  	[timem:s3], [sflag:s2] =	dma.local @!p0 [hbm:s0], s1  }
0xe6: {  	s0 =	simm.s32 @!p0 $0x3  }
0xe7: {  	_ =	swait.ge @!p0 [sflag:s0], s1  }
0xe8: {  	s1 =	ssub.s32 @!p0 $0x0, s1;
	[sflag:s0] =	ssyncset.done @!p0 $0x0  }
0xe9: {  	[sflag:s0] =	ssyncadd.s32 @!p0 s1  }
0xea: {  	[bflag:$0x3] =	sbarrier.arrive $0xFFFF  }
0xeb: {  	_ =	shalt  }

// kernel: kernel.14.cloned.1.call-start
scs
__scs_entry_jumppad:
0x0: {  	(pc) =	sbr.rel $0x88, $3  }
0x1: {  	(tag) =	ssettag $0x0;
	lr =	simm.s32 $0x1  }
0x2: {  	[smem:$0x3F9B] =	sst lr;
	_ =	strace $0xD0000000  }
0x3: {  	_ = 	snop  }
0x4: {  	_ = 	snop  }
0x5: {  	_ = 	snop  }
0x6: {  	_ = 	snop  }
0x7: {  	_ = 	snop  }
__scs_overlays_trampoline_lowered:
0x8: {  	[smem:$0x3FAA] =	sst s0  }
0x9: {  	[smem:$0x3FAB] =	sst s1  }
0xa: {  	[smem:$0x3FAC] =	sst s2  }
0xb: {  	[smem:$0x3FAD] =	sst s3  }
0xc: {  	[smem:$0x3FAE] =	sst s4  }
0xd: {  	[smem:$0x3FAF] =	sst s5  }
0xe: {  	[smem:$0x3FB0] =	sst s6  }
0xf: {  	[smem:$0x3FB1] =	sst s7  }
0x10: {  	[smem:$0x3FB2] =	sst s8  }
0x11: {  	[smem:$0x3FB3] =	sst s9;
	s0 =	simm.s32 @!p0 $0x0  }
0x12: {  	s1 =	sld [smem:$0x3F99];
	s0 =	simm.s32 @p0 $0x1  }
0x13: {  	[smem:$0x3FB4] =	sst s0;
	s0 =	simm.s32 @!p1 $0x0  }
0x14: {  	s2 =	sld [smem:$0x3F98];
	s0 =	simm.s32 @p1 $0x1  }
0x15: {  	[smem:$0x3FB5] =	sst s0;
	s0 =	simm.s32 @!p2 $0x0  }
0x16: {  	s3 =	sld [smem:$0x3FDB];
	s0 =	simm.s32 @p2 $0x1  }
0x17: {  	s4 =	simm.s32 $0x1BF5;
	[smem:$0x3FB7] =	sst s0  }
0x18: {  	s0 =	sld [smem:$0x3F9A];
	_ =	swait.ge [sflag:s4], $0x0  }
0x19: {  	s7 =	sld [smem:$0x3F9B]  }
0x1a: {  	s8 =	sadd.s32 $0xFFFFE003, lr  }
0x1b: {  	s9 =	sadd.s32 $0xFFFFFEF7, lr;
	s5 =	simm.s32 $0xFFFFFFFF;
	p2 =	slt.u32 s8, $0xFFFFF086  }
0x1c: {  	p1 =	slt.u32 s9, $0xF7A;
	s5 =	simm.s32 @!p2 $0x0  }
0x1d: {  	s5 =	simm.s32 @p1 $0x1;
	p0 =	seq.s32 s7, s2  }
0x1e: {  	s7 =	smul.u32 @!p0 $0xF7A, s2;
	p2 =	seq.s32 @!p0 s5, $0x0  }
0x1f: {  	s9 =	smul.u32 $0xF7A, s1;
	s8 =	simm.s32 @!p0 $0x1BF5;
	p2 =	por !p2, p0  }
0x20: {  	[sflag:s8] =	ssyncset.s32 @!p0 $0xFFFFF086;
	s6 =	sadd.s32 @!p0 s3, s7;
	s7 =	simm.s32 @!p0 $0x108  }
0x21: {  	s3 =	sadd.s32 s3, s9;
	s6 =	sadd.s32 @!p0 $0x88, s6;
	s7 =	simm.s32 @p2 $0x1082  }
0x22: {  	[simem:s7], [sflag:s8] =	dma.local @!p0 [hbm:s6], $0xF7A  }
0x23: {  	s9 =	sor.u32 $0xD0000000, s2;
	s6 =	simm.s32 $0x108;
	_ =	swait.ge @!p0 [sflag:s8], $0x0  }
0x24: {  	s3 =	sadd.s32 $0x88, s3;
	s6 =	simm.s32 @!p1 $0x1082;
	[sflag:s4] =	ssyncset.s32 $0xFFFFF086  }
0x25: {  	[simem:s6], [sflag:s4] =	dma.local [hbm:s3], $0xF7A  }
0x26: {  	[smem:$0x3F9B] =	sst s1;
	(tag) =	ssettag s2;
	_ =	strace s9  }
0x27: {  	s1 =	sld [smem:$0x3FAB]  }
0x28: {  	s2 =	sld [smem:$0x3FAC]  }
0x29: {  	s4 =	sld [smem:$0x3FAE]  }
0x2a: {  	p0 =	seq.s32 s5, $0x0;
	s5 =	sld [smem:$0x3FAF]  }
0x2b: {  	s6 =	sld [smem:$0x3FB0]  }
0x2c: {  	s7 =	sld [smem:$0x3FB1]  }
0x2d: {  	s3 =	simm.s32 $0x108;
	s8 =	sld [smem:$0x3FB2]  }
0x2e: {  	s3 =	simm.s32 @!p0 $0x1082;
	s9 =	sld [smem:$0x3FB3]  }
0x2f: {  	lr =	sadd.s32 s0, s3;
	s0 =	sld [smem:$0x3FAA]  }
0x30: {  	s3 =	sld [smem:$0x3FAD]  }
0x31: {  	[smem:$0x3FB6] =	sst s10  }
0x32: {  	s10 =	sld [smem:$0x3FB4];
	_ =	sdelay $0x3  }
0x33: {  	p0 =	seq.s32 s10, $0x1;
	s10 =	sld [smem:$0x3FB6];
	_ =	sdelay $0x3  }
0x34: {  	[smem:$0x3FB6] =	sst s10  }
0x35: {  	s10 =	sld [smem:$0x3FB5];
	_ =	sdelay $0x3  }
0x36: {  	p1 =	seq.s32 s10, $0x1;
	s10 =	sld [smem:$0x3FB6];
	_ =	sdelay $0x3  }
0x37: {  	[smem:$0x3FB6] =	sst s10  }
0x38: {  	s10 =	sld [smem:$0x3FB7]  }
0x39: {  	_ = 	snop;
	(pc) =	sbr.ind lr, $3  }
0x3a: {  	_ = 	snop  }
0x3b: {  	_ = 	snop  }
0x3c: {  	p2 =	seq.s32 s10, $0x1;
	s10 =	sld [smem:$0x3FB6]  }
0x3d: {  	_ =	shalt  }
0x3e: {  	_ =	shalt  }
0x3f: {  	_ =	shalt  }
0x40: {  	_ =	shalt  }
0x41: {  	_ =	shalt  }
0x42: {  	_ =	shalt  }
0x43: {  	_ =	shalt  }
0x44: {  	_ =	shalt  }
0x45: {  	_ =	shalt  }
0x46: {  	_ =	shalt  }
0x47: {  	_ =	shalt  }
0x48: {  	_ =	shalt  }
0x49: {  	_ =	shalt  }
0x4a: {  	_ =	shalt  }
0x4b: {  	_ =	shalt  }
0x4c: {  	_ =	shalt  }
0x4d: {  	_ =	shalt  }
0x4e: {  	_ =	shalt  }
0x4f: {  	_ =	shalt  }
0x50: {  	_ =	shalt  }
0x51: {  	_ =	shalt  }
0x52: {  	_ =	shalt  }
0x53: {  	_ =	shalt  }
0x54: {  	_ =	shalt  }
0x55: {  	_ =	shalt  }
0x56: {  	_ =	shalt  }
0x57: {  	_ =	shalt  }
0x58: {  	_ =	shalt  }
0x59: {  	_ =	shalt  }
0x5a: {  	_ =	shalt  }
0x5b: {  	_ =	shalt  }
0x5c: {  	_ =	shalt  }
0x5d: {  	_ =	shalt  }
0x5e: {  	_ =	shalt  }
0x5f: {  	_ =	shalt  }
0x60: {  	_ =	shalt  }
0x61: {  	_ =	shalt  }
0x62: {  	_ =	shalt  }
0x63: {  	_ =	shalt  }
0x64: {  	_ =	shalt  }
0x65: {  	_ =	shalt  }
0x66: {  	_ =	shalt  }
0x67: {  	_ =	shalt  }
0x68: {  	_ =	shalt  }
0x69: {  	_ =	shalt  }
0x6a: {  	_ =	shalt  }
0x6b: {  	_ =	shalt  }
0x6c: {  	_ =	shalt  }
0x6d: {  	_ =	shalt  }
0x6e: {  	_ =	shalt  }
0x6f: {  	_ =	shalt  }
0x70: {  	_ =	shalt  }
0x71: {  	_ =	shalt  }
0x72: {  	_ =	shalt  }
0x73: {  	_ =	shalt  }
0x74: {  	_ =	shalt  }
0x75: {  	_ =	shalt  }
0x76: {  	_ =	shalt  }
0x77: {  	_ =	shalt  }
0x78: {  	_ =	shalt  }
0x79: {  	_ =	shalt  }
0x7a: {  	_ =	shalt  }
0x7b: {  	_ =	shalt  }
0x7c: {  	_ =	shalt  }
0x7d: {  	_ =	shalt  }
0x7e: {  	_ =	shalt  }
0x7f: {  	_ =	shalt  }
0x80: {  	_ =	shalt  }
0x81: {  	_ =	shalt  }
0x82: {  	_ =	shalt  }
0x83: {  	_ =	shalt  }
0x84: {  	_ =	shalt  }
0x85: {  	_ =	shalt  }
0x86: {  	_ =	shalt  }
0x87: {  	_ =	shalt  }
.Lfunc_end0:
.L_simem_size_0:
called_computation.2_lowered:
.L_overlay_start_0:
0x88: {  	s2 =	sld [smem:$0x3FD9]  }
0x89: {  	s3 =	sld [smem:$0x3FFE];
	_ =	sdelay $0x1  }
0x8a: {  	s1 =	srdreg.scid  }
0x8b: {  	s0 =	sand.u32 $0x1, s1  }
0x8c: {  	s17 =	sshll.u32 s0, $0xA;
	s2 =	sadd.s32 s3, s2  }
0x8d: {  	s2 =	sadd.s32 s2, s17  }
0x8e: {  	[smem:$0x3FC2] =	sst s2  }
0x8f: {  	_ = 	snop  }
0x90: {  	s2 =	sld [smem:$0x3FD0];
	(tm) =	ssettm $0x1  }
0x91: {  	s18 =	sld [smem:$0x3FFB];
	_ =	sdelay $0x3  }
0x92: {  	_ =	strace s18  }
0x93: {  	s3 =	sld [smem:$0x3FFC];
	_ =	sdelay $0x3  }
0x94: {  	_ =	strace s3  }
0x95: {  	s3 =	sld [smem:$0x3FFD];
	_ =	sdelay $0x3  }
0x96: {  	_ =	strace s3  }
0x97: {  	_ =	strace $0x8FFFFFFF  }
0x98: {  	s19 =	sld [smem:$0x3FDB];
	_ =	sdelay $0x1  }
0x99: {  	s4 =	simm.s32 $_scs_section_size  }
0x9a: {  	s5 =	simm.s32 $_size__tile_overlayer_lowered;
	s6 =	simm.s32 $_tile_overlayer_lowered  }
0x9b: {  	s22 =	simm.s32 $0x1BFF;
	s21 =	sshll.u32 s6, $0x1;
	s3 =	sadd.s32 s4, s19  }
0x9c: {  	s7 =	simm.s32 $0x0;
	s20 =	sshll.u32 s5, $0x1;
	s5 =	sadd.s32 s21, s3  }
0x9d: {  	[timem:s7], [sflag:s22] =	dma.local [hbm:s5], s20  }
0x9e: {  	_ =	swait.ge [sflag:s22], s20  }
0x9f: {  	s4 =	ssub.s32 $0x0, s20;
	[sflag:s22] =	ssyncset.done $0x0  }
0xa0: {  	[sflag:s22] =	ssyncadd.s32 s4;
	_ =	sdelay $0x1  }
0xa1: {  	s23 =	simm.s32 $0x1B8B  }
0xa2: {  	_ =	swait.ge [sflag:s23], $0x1  }
0xa3: {  	[sflag:s23] =	ssyncset.done $0x0  }
0xa4: {  	s25 =	simm.s32 $0x1B8E;
	s24 =	sld [smem:$0x3FFE];
	[sflag:s23] =	ssyncadd.s32 $0xFFFFFFFF  }
0xa5: {  	s26 =	simm.s32 $execute0_lowered;
	[smem:$0x3FD2] =	sst s25  }
0xa6: {  	s5 =	sshll.u32 s26, $0x1;
	_ =	strace $0x8000004C;
	[dreg:$0x1] =	wrdreg $0xFFFFFFFF  }
0xa7: {  	s28 =	simm.s32 $_size_execute0_lowered;
	s3 =	sadd.s32 s3, s5;
	[dreg:$0x0] =	wrdreg $0x0  }
0xa8: {  	s5 =	sshll.u32 s28, $0x1;
	[dreg:$0x2] =	wrdreg s3  }
0xa9: {  	[dreg:$0x3] =	wrdreg s5  }
0xaa: {  	[dreg:$0x4] =	wrdreg $0xC0  }
0xab: {  	_ =	task [dreg:s7], $0x5FFFF  }
0xac: {  	[dreg:$0x1] =	wrdreg $0xFFFFFFFF  }
0xad: {  	[dreg:$0x0] =	wrdreg $0x60  }
0xae: {  	[dreg:$0x2] =	wrdreg s24  }
0xaf: {  	[dreg:$0x3] =	wrdreg s2  }
0xb0: {  	[dreg:$0x4] =	wrdreg $0xBB800  }
0xb1: {  	[dreg:$0x5] =	wrdreg $0x9  }
0xb2: {  	_ =	task.clear_ibuf [dreg:s7], $0x6FFFF;
	_ =	strace $0x9000004C  }
0xb3: {  	s29 =	simm.s32 $0x9;
	_ =	strace $0x8000004E  }
0xb4: {  	_ =	swait.ge [sflag:s29], $0x1  }
0xb5: {  	[sflag:s29] =	ssyncadd.s32 $0xFFFFFFFF  }
0xb6: {  	_ =	strace $0x9000004E  }
0xb7: {  	_ =	sfence  }
0xb8: {  	s30 =	sld [smem:$0x0];
	_ =	sdelay $0x2  }
0xb9: {  	s31 =	sshll.u32 s1, $0xD;
	s1 =	sshrl.u32 s1, $0x2  }
0xba: {  	s3 =	sand.u32 $0x4000, s31;
	s1 =	sadd.s32 s1, s30  }
0xbb: {  	s0 =	sor.u32 s3, s0;
	s1 =	sshll.u32 s1, $0x11  }
0xbc: {  	s0 =	sor.u32 s1, s0  }
0xbd: {  	s0 =	sadd.s32 $0x8F2B, s0  }
0xbe: {  	[sflag:s0] =	ssyncadd.remote.s32 $0x1  }
0xbf: {  	_ =	sfence.sel $0xFFFF  }
0xc0: {  	[dreg:$0x0] =	wrdreg $0xFFFFFFFF;
	(pc) =	sbr.abs _section_cstart, $3  }
0xc1: {  	[dreg:$0x1] =	wrdreg $0xFFFFFFFF  }
0xc2: {  	_ =	task.clear_ibuf [dreg:s7], $0x2FFFF;
	_ =	strace $0x9FFFFFFF  }
0xc3: {  	(tm) =	ssettm $0x7FFFFFFF  }
tec
execute0_lowered:
.L_overlay_start_1:
0x0: {  	(tag) =	ssettag $0x1  }
0x1: {  	s0 =	rddreg [dreg:$0x0]  }
0x2: {  	s7 =	rddreg [dreg:$0x1]  }
0x3: {  	s1 =	srdreg.scid;
	s2 =	rddreg [dreg:$0x2]  }
0x4: {  	s20 =	stileid.u32;
	s3 =	simm.s32 $0x0;
	s18 =	simm.s32 $0x5E200  }
0x5: {  	s28 =	simm.s32 $0x1300;
	s30 =	simm.s32 $0x2680;
	s31 =	simm.s32 $0x3900  }
0x6: {  	s8 =	sand.u32 $0x1, s1;
	[smem:$0x7FF] =	sst s3;
	s10 =	smul.u32 $0x50000, s20  }
0x7: {  	s12 =	sadd.s32 $0x3800, s0;
	s24 =	smul.u32 $0x14000, s20;
	s13 =	sshll.u32 s20, $0x4  }
0x8: {  	s4 =	sshll.u32 s8, $0x4;
	_ =	strace $0x8000004D;
	s6 =	ssub.s32 $0x2, s8  }
0x9: {  	p0 =	seq.s32 s8, $0x0;
	s14 =	sor.u32 $0x9C00, s13;
	s9 =	sor.u32 s20, s4  }
0xa: {  	s4 =	sadd.s32 $0x36200, s0;
	s11 =	sshrl.u32 s6, $0x1;
	s21 =	sshrl.u32 s10, $0x2  }
0xb: {  	s10 =	sshrl.u32 s24, $0x3;
	s13 =	sadd.s32 s7, s14;
	s14 =	sadd.s32 s12, s14  }
0xc: {  	s18 =	simm.s32 @!p0 $0x86200;
	p0 =	sne.s32 s8, $0x0;
	s20 =	simm.s32 $0x3  }
0xd: {  	s8 =	simm.s32 $0x0;
	s5 =	smul.u32 $0x2700, s9;
	s17 =	ssub.s32 s6, s11  }
0xe: {  	s6 =	sadd.s32 s21, s2;
	s11 =	sadd.s32 s24, s2;
	s29 =	sadd.s32 s4, s10  }
0xf: {  	s0 =	sadd.s32 s18, s0;
	p1 =	sgt.u32 s9, $0x3;
	s21 =	simm.s32 $0x80  }
0x10: {  	s24 =	simm.s32 $0x1;
	s22 =	sadd.s32 $0x4000, s6;
	[dreg:$0x8] =	wrdreg s29  }
0x11: {  	s23 =	sadd.s32 $0x8000, s6;
	s25 =	sadd.s32 $0xC000, s6;
	[dreg:$0x4] =	wrdreg s22  }
0x12: {  	s26 =	sadd.s32 $0x10000, s6;
	s17 =	smax.u32 s17, $0x1;
	[dreg:$0x5] =	wrdreg s23  }
0x13: {  	s18 =	sadd.s32 s0, s10;
	s0 =	simm.s32 $0x3980;
	[dreg:$0x6] =	wrdreg s25  }
0x14: {  	s15 =	sshrl.u32 s5, $0x3;
	[dreg:$0x7] =	wrdreg s26;
	s22 =	simm.s32 $0x3B80  }
0x15: {  	s23 =	simm.s32 $0x7B80;
	s5 =	sadd.s32 s12, s15;
	s15 =	sadd.s32 s7, s15  }
0x16: {  	v0 =	vimm.f32 $0.0e+00;
	s25 =	simm.s32 $0x2;
	s7 =	simm.s32 $0x3A00;
	s16 =	sadd.s32 $0x270, s15  }
.LBB2_1:
.Ltmp0:
0x17: {  	s1 =	simm.s32 $0x1380;
	(pc) =	sbr.rel @p0 .LBB2_3-.Ltmp0, $4  }
0x18: {  	[tilespmem:s1], [sflag:$0x3] =	stream.linear.gather [hbm4b:s5+s3], $0x2700, $0x38;
	[tilespmem:$0x1FB80] =	vst v63  }
0x19: {  	s29 =	stileid.u32;
	_ =	swait.ge [sflag:s20], $0x2700  }
0x1a: {  	s10 =	sshll.u32 s29, $0x6;
	[sflag:s20] =	ssyncset.done $0x0  }
0x1b: {  	s9 =	sshrl.u32 s11, $0x3;
	s10 =	sor.u32 $0x1C03, s10;
	[sflag:s20] =	ssyncadd.s32 $0xFFFFD900  }
.Ltmp1:
0x1c: {  	s1 =	rddreg [dreg:$0x8];
	(pc) =	sbr.rel .LBB2_6-.Ltmp1, $4  }
0x1d: {  	[spmem:s9], [sflag:s10] =	dma.local [hbm:s1], $0x2800  }
0x1e: {  	_ =	swait.ge [sflag:s20], $0x2800  }
0x1f: {  	[sflag:s20] =	ssyncset.done $0x0  }
0x20: {  	[sflag:s20] =	ssyncadd.s32 $0xFFFFD800  }
.LBB2_3:
0x21: {  	s12 =	sshra.s32 s3, $0x2;
	s19 =	sadd.s32 $0x200, s3  }
.LBB2_4:
0x22: {  	p2 =	sne.s32 s19, $0xFE00;
	[tilespmem:s12+$0x3BF0] =	vst v0  }
0x23: {  	[tilespmem:s12+$0x3B80] =	vst v0  }
0x24: {  	[tilespmem:s12+$0x3B90] =	vst v0  }
.Ltmp2:
0x25: {  	[tilespmem:s12+$0x3BA0] =	vst v0;
	(pc) =	sbr.rel @p2 .LBB2_4-.Ltmp2, $4  }
0x26: {  	[tilespmem:s12+$0x3BB0] =	vst v0  }
0x27: {  	[tilespmem:s12+$0x3BC0] =	vst v0  }
0x28: {  	[tilespmem:s12+$0x3BD0] =	vst v0  }
0x29: {  	[tilespmem:s12+$0x3BE0] =	vst v0;
	s12 =	sshra.s32 s19, $0x2;
	s19 =	sadd.s32 $0x200, s19  }
0x2a: {  	[tilespmem:s12+$0x3BF0] =	vst v0  }
0x2b: {  	[tilespmem:s12+$0x3B80] =	vst v0  }
0x2c: {  	[tilespmem:s12+$0x3B90] =	vst v0  }
0x2d: {  	[tilespmem:s12+$0x3BA0] =	vst v0  }
0x2e: {  	[tilespmem:s12+$0x3BB0] =	vst v0  }
0x2f: {  	[tilespmem:s12+$0x3BC0] =	vst v0  }
0x30: {  	[tilespmem:s12+$0x3BD0] =	vst v0  }
0x31: {  	[tilespmem:s12+$0x3BE0] =	vst v0  }
0x32: {  	[spmem:s6] =	stream.linear.scatter [tilespmem:s22], [sflag:$0x3], $0x4000, $0x38;
	[tilespmem:$0x1FB80] =	vst v63  }
0x33: {  	_ =	swait.ge [sflag:s20], $0x4000  }
0x34: {  	[sflag:s20] =	ssyncset.done $0x0  }
0x35: {  	s1 =	rddreg [dreg:$0x4];
	[sflag:s20] =	ssyncadd.s32 $0xFFFFC000  }
0x36: {  	[spmem:s1] =	stream.linear.scatter [tilespmem:s22], [sflag:$0x3], $0x4000, $0x38;
	[tilespmem:$0x1FB80] =	vst v63  }
0x37: {  	_ =	swait.ge [sflag:s20], $0x4000  }
0x38: {  	[sflag:s20] =	ssyncset.done $0x0  }
0x39: {  	s19 =	rddreg [dreg:$0x5];
	[sflag:s20] =	ssyncadd.s32 $0xFFFFC000  }
0x3a: {  	[spmem:s19] =	stream.linear.scatter [tilespmem:s22], [sflag:$0x3], $0x4000, $0x38;
	[tilespmem:$0x1FB80] =	vst v63  }
0x3b: {  	_ =	swait.ge [sflag:s20], $0x4000  }
0x3c: {  	[sflag:s20] =	ssyncset.done $0x0  }
0x3d: {  	s26 =	rddreg [dreg:$0x6];
	[sflag:s20] =	ssyncadd.s32 $0xFFFFC000  }
0x3e: {  	[spmem:s26] =	stream.linear.scatter [tilespmem:s22], [sflag:$0x3], $0x4000, $0x38;
	[tilespmem:$0x1FB80] =	vst v63  }
0x3f: {  	_ =	swait.ge [sflag:s20], $0x4000  }
0x40: {  	[sflag:s20] =	ssyncset.done $0x0  }
0x41: {  	s29 =	rddreg [dreg:$0x7];
	[sflag:s20] =	ssyncadd.s32 $0xFFFFC000  }
0x42: {  	[spmem:s29] =	stream.linear.scatter [tilespmem:s22], [sflag:$0x3], $0x4000, $0x38;
	[tilespmem:$0x1FB80] =	vst v63  }
0x43: {  	_ =	swait.ge [sflag:s20], $0x4000  }
0x44: {  	[sflag:s20] =	ssyncset.done $0x0  }
0x45: {  	[sflag:s20] =	ssyncadd.s32 $0xFFFFC000  }
.LBB2_6:
0x46: {  	[bflag:$0x0] =	sbarrier.arrive $0xFFFF  }
0x47: {  	s12 =	simm.s32 @!p1 $0x0;
	s19 =	simm.s32 @!p1 $0x3A80;
	s1 =	simm.s32 @!p1 $0x3  }
0x48: {  	[tilespmem:s19], [sflag:$0x3] =	stream.linear.gather @!p1 [hbm4b:s13+s12], $0x80, $0x38;
	[tilespmem:$0x1FB80] =	vst v63  }
0x49: {  	_ =	swait.ge @!p1 [sflag:s1], $0x80  }
0x4a: {  	[sflag:s1] =	ssyncset.done @!p1 $0x0  }
0x4b: {  	s26 =	simm.s32 @!p1 $0x3B00;
	[sflag:s1] =	ssyncadd.s32 @!p1 $0xFFFFFF80  }
0x4c: {  	[tilespmem:s26], [sflag:$0x3] =	stream.linear.gather @!p1 [hbm4b:s14+s12], $0x80, $0x38;
	[tilespmem:$0x1FB80] =	vst v63  }
0x4d: {  	_ =	swait.ge @!p1 [sflag:s1], $0x80  }
0x4e: {  	[sflag:s1] =	ssyncset.done @!p1 $0x0  }
0x4f: {  	s29 =	simm.s32 @!p1 $0x3B80;
	s12 =	simm.s32 @!p1 $0x80;
	[sflag:s1] =	ssyncadd.s32 @!p1 $0xFFFFFF80  }
0x50: {  	[tilespmem:s29], [sflag:$0x1] =	stream.indirect.gather @!p1 [hbm4b:s4+s12], $0x80, s19, s12, $0xb8;
	[tilespmem:$0x1FB80] =	vst v63  }
0x51: {  	s19 =	simm.s32 @!p1 $0x1  }
0x52: {  	_ =	swait.ge @!p1 [sflag:s19], $0x4000  }
0x53: {  	[sflag:s19] =	ssyncset.done @!p1 $0x0  }
0x54: {  	[sflag:s19] =	ssyncadd.s32 @!p1 $0xFFFFC000  }
0x55: {  	[spmem:s2] =	stream.indirect.scatter.add.f32 @!p1 [tilespmem:s29], [sflag:$0x3], $0x80, s26, s12, $0xb8;
	[tilespmem:$0x1FB80] =	vst v63  }
0x56: {  	_ =	swait.ge @!p1 [sflag:s1], $0x4000  }
0x57: {  	[sflag:s1] =	ssyncset.done @!p1 $0x0  }
0x58: {  	s12 =	simm.s32 $0x0;
	[sflag:s1] =	ssyncadd.s32 @!p1 $0xFFFFC000  }
0x59: {  	[tilespmem:s12], [sflag:$0x3] =	stream.linear.gather [hbm4b:s15+s12], $0x1380, $0x38;
	[tilespmem:$0x1FB80] =	vst v63  }
0x5a: {  	_ =	swait.ge [sflag:s20], $0x1380  }
0x5b: {  	[sflag:s20] =	ssyncset.done $0x0  }
0x5c: {  	[sflag:s20] =	ssyncadd.s32 $0xFFFFEC80  }
0x5d: {  	[tilespmem:s22], [sflag:$0x1] =	stream.indirect.gather [hbm4b:s4+s21], $0x80, s12, s21, $0xb8;
	[tilespmem:$0x1FB80] =	vst v63  }
0x5e: {  	_ = 	snop  }
0x5f: {  	[tilespmem:s23], [sflag:$0x2] =	stream.indirect.gather [hbm4b:s4+s21], $0x80, s21, s21, $0xb8;
	[tilespmem:$0x1FB80] =	vst v63  }
0x60: {  	_ =	swait.ge [sflag:s24], $0x4000  }
0x61: {  	[sflag:s24] =	ssyncset.done $0x0  }
0x62: {  	s19 =	simm.s32 $0x1380;
	[sflag:s24] =	ssyncadd.s32 $0xFFFFC000  }
0x63: {  	[spmem:s2] =	stream.indirect.scatter.add.f32 [tilespmem:s22], [sflag:$0x3], $0x80, s19, s21, $0xb8;
	[tilespmem:$0x1FB80] =	vst v63  }
0x64: {  	_ =	swait.ge [sflag:s20], $0x4000  }
0x65: {  	[sflag:s20] =	ssyncset.done $0x0  }
0x66: {  	s26 =	simm.s32 $0x100;
	[sflag:s20] =	ssyncadd.s32 $0xFFFFC000  }
0x67: {  	[tilespmem:s22], [sflag:$0x1] =	stream.indirect.gather [hbm4b:s4+s21], $0x80, s26, s21, $0xb8;
	[tilespmem:$0x1FB80] =	vst v63  }
0x68: {  	_ =	swait.ge [sflag:s25], $0x4000  }
0x69: {  	[sflag:s25] =	ssyncset.done $0x0  }
0x6a: {  	s29 =	simm.s32 $0x1400;
	[sflag:s25] =	ssyncadd.s32 $0xFFFFC000  }
0x6b: {  	[spmem:s2] =	stream.indirect.scatter.add.f32 [tilespmem:s23], [sflag:$0x3], $0x80, s29, s21, $0xb8;
	[tilespmem:$0x1FB80] =	vst v63  }
0x6c: {  	_ =	swait.ge [sflag:s20], $0x4000  }
0x6d: {  	[sflag:s20] =	ssyncset.done $0x0  }
0x6e: {  	s12 =	simm.s32 $0x400;
	s19 =	simm.s32 $0x180;
	[sflag:s20] =	ssyncadd.s32 $0xFFFFC000  }
.LBB2_7:
0x6f: {  	[tilespmem:s23], [sflag:$0x2] =	stream.indirect.gather [hbm4b:s4+s21], $0x80, s19, s21, $0xb8;
	[tilespmem:$0x1FB80] =	vst v63  }
0x70: {  	s1 =	smov.u32 s12  }
0x71: {  	p2 =	sne.s32 s12, $0x4400;
	s12 =	sadd.s32 $0x400, s12;
	_ =	swait.ge [sflag:s24], $0x4000  }
0x72: {  	s1 =	sshra.s32 s1, $0x2;
	[sflag:s24] =	ssyncset.done $0x0  }
0x73: {  	s19 =	sadd.s32 $0x1380, s1;
	[sflag:s24] =	ssyncadd.s32 $0xFFFFC000  }
0x74: {  	[spmem:s2] =	stream.indirect.scatter.add.f32 [tilespmem:s22], [sflag:$0x3], $0x80, s19, s21, $0xb8;
	[tilespmem:$0x1FB80] =	vst v63  }
0x75: {  	_ =	swait.ge [sflag:s20], $0x4000  }
0x76: {  	[sflag:s20] =	ssyncset.done $0x0  }
0x77: {  	s19 =	sadd.s32 $0x100, s1;
	[sflag:s20] =	ssyncadd.s32 $0xFFFFC000  }
0x78: {  	[tilespmem:s22], [sflag:$0x1] =	stream.indirect.gather [hbm4b:s4+s21], $0x80, s19, s21, $0xb8;
	[tilespmem:$0x1FB80] =	vst v63  }
0x79: {  	_ =	swait.ge [sflag:s25], $0x4000  }
0x7a: {  	[sflag:s25] =	ssyncset.done $0x0  }
.Ltmp3:
0x7b: {  	s19 =	sadd.s32 $0x1400, s1;
	[sflag:s25] =	ssyncadd.s32 $0xFFFFC000;
	(pc) =	sbr.rel @p2 .LBB2_7-.Ltmp3, $4  }
0x7c: {  	[spmem:s2] =	stream.indirect.scatter.add.f32 [tilespmem:s23], [sflag:$0x3], $0x80, s19, s21, $0xb8;
	[tilespmem:$0x1FB80] =	vst v63  }
0x7d: {  	_ =	swait.ge [sflag:s20], $0x4000  }
0x7e: {  	[sflag:s20] =	ssyncset.done $0x0  }
0x7f: {  	s19 =	sadd.s32 $0x180, s1;
	[sflag:s20] =	ssyncadd.s32 $0xFFFFC000  }
0x80: {  	[tilespmem:s23], [sflag:$0x2] =	stream.indirect.gather [hbm4b:s4+s21], $0x80, s19, s21, $0xb8;
	[tilespmem:$0x1FB80] =	vst v63  }
0x81: {  	_ =	swait.ge [sflag:s24], $0x4000  }
0x82: {  	[sflag:s24] =	ssyncset.done $0x0  }
0x83: {  	s1 =	simm.s32 $0x2580;
	[sflag:s24] =	ssyncadd.s32 $0xFFFFC000  }
0x84: {  	[spmem:s2] =	stream.indirect.scatter.add.f32 [tilespmem:s22], [sflag:$0x3], $0x80, s1, s21, $0xb8;
	[tilespmem:$0x1FB80] =	vst v63  }
0x85: {  	_ =	swait.ge [sflag:s20], $0x4000  }
0x86: {  	[sflag:s20] =	ssyncset.done $0x0  }
0x87: {  	[sflag:s20] =	ssyncadd.s32 $0xFFFFC000  }
0x88: {  	[tilespmem:s22], [sflag:$0x1] =	stream.indirect.gather [hbm4b:s4+s21], $0x80, s28, s21, $0xb8;
	[tilespmem:$0x1FB80] =	vst v63  }
0x89: {  	_ =	swait.ge [sflag:s25], $0x4000  }
0x8a: {  	[sflag:s25] =	ssyncset.done $0x0  }
0x8b: {  	s12 =	simm.s32 $0x2600;
	[sflag:s25] =	ssyncadd.s32 $0xFFFFC000  }
0x8c: {  	[spmem:s2] =	stream.indirect.scatter.add.f32 [tilespmem:s23], [sflag:$0x3], $0x80, s12, s21, $0xb8;
	[tilespmem:$0x1FB80] =	vst v63  }
0x8d: {  	_ =	swait.ge [sflag:s20], $0x4000  }
0x8e: {  	[sflag:s20] =	ssyncset.done $0x0  }
0x8f: {  	[sflag:s20] =	ssyncadd.s32 $0xFFFFC000  }
0x90: {  	_ =	swait.ge [sflag:s24], $0x4000  }
0x91: {  	[sflag:s24] =	ssyncset.done $0x0  }
0x92: {  	[sflag:s24] =	ssyncadd.s32 $0xFFFFC000  }
0x93: {  	[spmem:s2] =	stream.indirect.scatter.add.f32 [tilespmem:s22], [sflag:$0x3], $0x80, s30, s21, $0xb8;
	[tilespmem:$0x1FB80] =	vst v63  }
0x94: {  	_ =	swait.ge [sflag:s20], $0x4000  }
0x95: {  	[sflag:s20] =	ssyncset.done $0x0  }
0x96: {  	[sflag:s20] =	ssyncadd.s32 $0xFFFFC000  }
0x97: {  	[tilespmem:s3], [sflag:$0x3] =	stream.linear.gather [hbm4b:s16+s3], $0x1380, $0x38;
	[tilespmem:$0x1FB80] =	vst v63  }
0x98: {  	_ =	swait.ge [sflag:s20], $0x1380  }
0x99: {  	[sflag:s20] =	ssyncset.done $0x0  }
0x9a: {  	[sflag:s20] =	ssyncadd.s32 $0xFFFFEC80  }
0x9b: {  	[tilespmem:s22], [sflag:$0x1] =	stream.indirect.gather [hbm4b:s4+s21], $0x80, s3, s21, $0xb8;
	[tilespmem:$0x1FB80] =	vst v63  }
0x9c: {  	_ = 	snop  }
0x9d: {  	[tilespmem:s23], [sflag:$0x2] =	stream.indirect.gather [hbm4b:s4+s21], $0x80, s21, s21, $0xb8;
	[tilespmem:$0x1FB80] =	vst v63  }
0x9e: {  	_ =	swait.ge [sflag:s24], $0x4000  }
0x9f: {  	[sflag:s24] =	ssyncset.done $0x0  }
0xa0: {  	s19 =	simm.s32 $0x2700;
	[sflag:s24] =	ssyncadd.s32 $0xFFFFC000  }
0xa1: {  	[spmem:s2] =	stream.indirect.scatter.add.f32 [tilespmem:s22], [sflag:$0x3], $0x80, s19, s21, $0xb8;
	[tilespmem:$0x1FB80] =	vst v63  }
0xa2: {  	_ =	swait.ge [sflag:s20], $0x4000  }
0xa3: {  	[sflag:s20] =	ssyncset.done $0x0  }
0xa4: {  	s26 =	simm.s32 $0x100;
	[sflag:s20] =	ssyncadd.s32 $0xFFFFC000  }
0xa5: {  	[tilespmem:s22], [sflag:$0x1] =	stream.indirect.gather [hbm4b:s4+s21], $0x80, s26, s21, $0xb8;
	[tilespmem:$0x1FB80] =	vst v63  }
0xa6: {  	_ =	swait.ge [sflag:s25], $0x4000  }
0xa7: {  	[sflag:s25] =	ssyncset.done $0x0  }
0xa8: {  	s29 =	simm.s32 $0x2780;
	[sflag:s25] =	ssyncadd.s32 $0xFFFFC000  }
0xa9: {  	[spmem:s2] =	stream.indirect.scatter.add.f32 [tilespmem:s23], [sflag:$0x3], $0x80, s29, s21, $0xb8;
	[tilespmem:$0x1FB80] =	vst v63  }
0xaa: {  	_ =	swait.ge [sflag:s20], $0x4000  }
0xab: {  	[sflag:s20] =	ssyncset.done $0x0  }
0xac: {  	s12 =	simm.s32 $0xFFFFBC00;
	s19 =	simm.s32 $0x180;
	[sflag:s20] =	ssyncadd.s32 $0xFFFFC000  }
.LBB2_9:
0xad: {  	[tilespmem:s23], [sflag:$0x2] =	stream.indirect.gather [hbm4b:s4+s21], $0x80, s19, s21, $0xb8;
	[tilespmem:$0x1FB80] =	vst v63  }
0xae: {  	s1 =	smov.u32 s12  }
0xaf: {  	p2 =	sne.s32 s12, $0xFFFFFC00;
	s12 =	sadd.s32 $0x400, s12;
	_ =	swait.ge [sflag:s24], $0x4000  }
0xb0: {  	s1 =	sshra.s32 s1, $0x2;
	[sflag:s24] =	ssyncset.done $0x0  }
0xb1: {  	s19 =	sadd.s32 $0x3900, s1;
	[sflag:s24] =	ssyncadd.s32 $0xFFFFC000  }
0xb2: {  	[spmem:s2] =	stream.indirect.scatter.add.f32 [tilespmem:s22], [sflag:$0x3], $0x80, s19, s21, $0xb8;
	[tilespmem:$0x1FB80] =	vst v63  }
0xb3: {  	_ =	swait.ge [sflag:s20], $0x4000  }
0xb4: {  	[sflag:s20] =	ssyncset.done $0x0  }
0xb5: {  	s19 =	sadd.s32 $0x1300, s1;
	[sflag:s20] =	ssyncadd.s32 $0xFFFFC000  }
0xb6: {  	[tilespmem:s22], [sflag:$0x1] =	stream.indirect.gather [hbm4b:s4+s21], $0x80, s19, s21, $0xb8;
	[tilespmem:$0x1FB80] =	vst v63  }
0xb7: {  	_ =	swait.ge [sflag:s25], $0x4000  }
0xb8: {  	[sflag:s25] =	ssyncset.done $0x0  }
.Ltmp4:
0xb9: {  	s19 =	sadd.s32 $0x3980, s1;
	[sflag:s25] =	ssyncadd.s32 $0xFFFFC000;
	(pc) =	sbr.rel @p2 .LBB2_9-.Ltmp4, $4  }
0xba: {  	[spmem:s2] =	stream.indirect.scatter.add.f32 [tilespmem:s23], [sflag:$0x3], $0x80, s19, s21, $0xb8;
	[tilespmem:$0x1FB80] =	vst v63  }
0xbb: {  	_ =	swait.ge [sflag:s20], $0x4000  }
0xbc: {  	[sflag:s20] =	ssyncset.done $0x0  }
0xbd: {  	s19 =	sadd.s32 $0x1380, s1;
	[sflag:s20] =	ssyncadd.s32 $0xFFFFC000  }
0xbe: {  	[tilespmem:s23], [sflag:$0x2] =	stream.indirect.gather [hbm4b:s4+s21], $0x80, s19, s21, $0xb8;
	[tilespmem:$0x1FB80] =	vst v63  }
0xbf: {  	_ =	swait.ge [sflag:s24], $0x4000  }
0xc0: {  	[sflag:s24] =	ssyncset.done $0x0  }
0xc1: {  	[sflag:s24] =	ssyncadd.s32 $0xFFFFC000  }
0xc2: {  	[spmem:s2] =	stream.indirect.scatter.add.f32 [tilespmem:s22], [sflag:$0x3], $0x80, s31, s21, $0xb8;
	[tilespmem:$0x1FB80] =	vst v63  }
0xc3: {  	_ =	swait.ge [sflag:s20], $0x4000  }
0xc4: {  	[sflag:s20] =	ssyncset.done $0x0  }
0xc5: {  	[sflag:s20] =	ssyncadd.s32 $0xFFFFC000  }
0xc6: {  	[tilespmem:s22], [sflag:$0x1] =	stream.indirect.gather [hbm4b:s4+s21], $0x80, s28, s21, $0xb8;
	[tilespmem:$0x1FB80] =	vst v63  }
0xc7: {  	_ =	swait.ge [sflag:s25], $0x4000  }
0xc8: {  	[sflag:s25] =	ssyncset.done $0x0  }
0xc9: {  	[sflag:s25] =	ssyncadd.s32 $0xFFFFC000  }
0xca: {  	[spmem:s2] =	stream.indirect.scatter.add.f32 [tilespmem:s23], [sflag:$0x3], $0x80, s0, s21, $0xb8;
	[tilespmem:$0x1FB80] =	vst v63  }
0xcb: {  	_ =	swait.ge [sflag:s20], $0x4000  }
0xcc: {  	[sflag:s20] =	ssyncset.done $0x0  }
0xcd: {  	[sflag:s20] =	ssyncadd.s32 $0xFFFFC000  }
0xce: {  	_ =	swait.ge [sflag:s24], $0x4000  }
0xcf: {  	[sflag:s24] =	ssyncset.done $0x0  }
0xd0: {  	[sflag:s24] =	ssyncadd.s32 $0xFFFFC000  }
0xd1: {  	[spmem:s2] =	stream.indirect.scatter.add.f32 [tilespmem:s22], [sflag:$0x3], $0x80, s7, s21, $0xb8;
	[tilespmem:$0x1FB80] =	vst v63  }
0xd2: {  	_ =	swait.ge [sflag:s20], $0x4000  }
0xd3: {  	s8 =	sadd.s32 $0x1, s8;
	[sflag:s20] =	ssyncset.done $0x0  }
0xd4: {  	p2 =	sne.s32 s8, s17;
	[sflag:s20] =	ssyncadd.s32 $0xFFFFC000  }
.Ltmp5:
0xd5: {  	[bflag:$0x0] =	sbarrier.arrive $0xFFFF;
	(pc) =	sbr.rel @p2 .LBB2_1-.Ltmp5, $4  }
0xd6: {  	[hbm:s18], [sflag:s10] =	dma.local [spmem:s9], $0x2800  }
0xd7: {  	_ =	swait.ge [sflag:s20], $0x2800  }
0xd8: {  	[sflag:s20] =	ssyncset.done $0x0  }
0xd9: {  	[sflag:s20] =	ssyncadd.s32 $0xFFFFD800  }
0xda: {  	_ =	sfence.sel $0x180000  }
0xdb: {  	[bflag:$0x0] =	sbarrier.arrive $0xFFFF  }
0xdc: {  	_ =	strace $0x9000004D  }
0xdd: {  	s0 =	stileid.u32;
	[bflag:$0x2] =	sbarrier.arrive $0xFFFF  }
0xde: {  	p0 =	sne.s32 s0, $0x0;
	s0 =	rddreg [dreg:$0x3]  }
0xdf: {  	s0 =	sadd.s32 @!p0 $0x100000, s0  }
0xe0: {  	[sflag:s0] =	ssyncadd.tile.s32 @!p0 $0x1;
	_ =	shalt  }
.Lfunc_end2:
_tile_overlayer_lowered:
.L_overlay_start_2:
0xe1: {  	(tag) =	ssettag $0x2  }
0xe2: {  	s0 =	rddreg [dreg:$0x0];
	s2 =	stileid.u32  }
0xe3: {  	s1 =	rddreg [dreg:$0x1];
	p0 =	sne.s32 s2, $0x0  }
0xe4: {  	s3 =	rddreg [dreg:$0x2];
	[bflag:$0x3] =	sbarrier.arrive $0xFFFF;
	s2 =	simm.s32 @!p0 $0x1C03  }
0xe5: {  	[timem:s3], [sflag:s2] =	dma.local @!p0 [hbm:s0], s1  }
0xe6: {  	s0 =	simm.s32 @!p0 $0x3  }
0xe7: {  	_ =	swait.ge @!p0 [sflag:s0], s1  }
0xe8: {  	s1 =	ssub.s32 @!p0 $0x0, s1;
	[sflag:s0] =	ssyncset.done @!p0 $0x0  }
0xe9: {  	[sflag:s0] =	ssyncadd.s32 @!p0 s1  }
0xea: {  	[bflag:$0x3] =	sbarrier.arrive $0xFFFF  }
0xeb: {  	_ =	shalt  }

// kernel: kernel.8.cloned.1.call-start
scs
__scs_entry_jumppad:
0x0: {  	(pc) =	sbr.rel $0x88, $3  }
0x1: {  	(tag) =	ssettag $0x0;
	lr =	simm.s32 $0x1  }
0x2: {  	[smem:$0x3F9B] =	sst lr;
	_ =	strace $0xD0000000  }
0x3: {  	_ = 	snop  }
0x4: {  	_ = 	snop  }
0x5: {  	_ = 	snop  }
0x6: {  	_ = 	snop  }
0x7: {  	_ = 	snop  }
__scs_overlays_trampoline_lowered:
0x8: {  	[smem:$0x3FAA] =	sst s0  }
0x9: {  	[smem:$0x3FAB] =	sst s1  }
0xa: {  	[smem:$0x3FAC] =	sst s2  }
0xb: {  	[smem:$0x3FAD] =	sst s3  }
0xc: {  	[smem:$0x3FAE] =	sst s4  }
0xd: {  	[smem:$0x3FAF] =	sst s5  }
0xe: {  	[smem:$0x3FB0] =	sst s6  }
0xf: {  	[smem:$0x3FB1] =	sst s7  }
0x10: {  	[smem:$0x3FB2] =	sst s8  }
0x11: {  	[smem:$0x3FB3] =	sst s9;
	s0 =	simm.s32 @!p0 $0x0  }
0x12: {  	s1 =	sld [smem:$0x3F99];
	s0 =	simm.s32 @p0 $0x1  }
0x13: {  	[smem:$0x3FB4] =	sst s0;
	s0 =	simm.s32 @!p1 $0x0  }
0x14: {  	s2 =	sld [smem:$0x3F98];
	s0 =	simm.s32 @p1 $0x1  }
0x15: {  	[smem:$0x3FB5] =	sst s0;
	s0 =	simm.s32 @!p2 $0x0  }
0x16: {  	s3 =	sld [smem:$0x3FDB];
	s0 =	simm.s32 @p2 $0x1  }
0x17: {  	s4 =	simm.s32 $0x1BF5;
	[smem:$0x3FB7] =	sst s0  }
0x18: {  	s0 =	sld [smem:$0x3F9A];
	_ =	swait.ge [sflag:s4], $0x0  }
0x19: {  	s7 =	sld [smem:$0x3F9B]  }
0x1a: {  	s8 =	sadd.s32 $0xFFFFE003, lr  }
0x1b: {  	s9 =	sadd.s32 $0xFFFFFEF7, lr;
	s5 =	simm.s32 $0xFFFFFFFF;
	p2 =	slt.u32 s8, $0xFFFFF086  }
0x1c: {  	p1 =	slt.u32 s9, $0xF7A;
	s5 =	simm.s32 @!p2 $0x0  }
0x1d: {  	s5 =	simm.s32 @p1 $0x1;
	p0 =	seq.s32 s7, s2  }
0x1e: {  	s7 =	smul.u32 @!p0 $0xF7A, s2;
	p2 =	seq.s32 @!p0 s5, $0x0  }
0x1f: {  	s9 =	smul.u32 $0xF7A, s1;
	s8 =	simm.s32 @!p0 $0x1BF5;
	p2 =	por !p2, p0  }
0x20: {  	[sflag:s8] =	ssyncset.s32 @!p0 $0xFFFFF086;
	s6 =	sadd.s32 @!p0 s3, s7;
	s7 =	simm.s32 @!p0 $0x108  }
0x21: {  	s3 =	sadd.s32 s3, s9;
	s6 =	sadd.s32 @!p0 $0x88, s6;
	s7 =	simm.s32 @p2 $0x1082  }
0x22: {  	[simem:s7], [sflag:s8] =	dma.local @!p0 [hbm:s6], $0xF7A  }
0x23: {  	s9 =	sor.u32 $0xD0000000, s2;
	s6 =	simm.s32 $0x108;
	_ =	swait.ge @!p0 [sflag:s8], $0x0  }
0x24: {  	s3 =	sadd.s32 $0x88, s3;
	s6 =	simm.s32 @!p1 $0x1082;
	[sflag:s4] =	ssyncset.s32 $0xFFFFF086  }
0x25: {  	[simem:s6], [sflag:s4] =	dma.local [hbm:s3], $0xF7A  }
0x26: {  	[smem:$0x3F9B] =	sst s1;
	(tag) =	ssettag s2;
	_ =	strace s9  }
0x27: {  	s1 =	sld [smem:$0x3FAB]  }
0x28: {  	s2 =	sld [smem:$0x3FAC]  }
0x29: {  	s4 =	sld [smem:$0x3FAE]  }
0x2a: {  	p0 =	seq.s32 s5, $0x0;
	s5 =	sld [smem:$0x3FAF]  }
0x2b: {  	s6 =	sld [smem:$0x3FB0]  }
0x2c: {  	s7 =	sld [smem:$0x3FB1]  }
0x2d: {  	s3 =	simm.s32 $0x108;
	s8 =	sld [smem:$0x3FB2]  }
0x2e: {  	s3 =	simm.s32 @!p0 $0x1082;
	s9 =	sld [smem:$0x3FB3]  }
0x2f: {  	lr =	sadd.s32 s0, s3;
	s0 =	sld [smem:$0x3FAA]  }
0x30: {  	s3 =	sld [smem:$0x3FAD]  }
0x31: {  	[smem:$0x3FB6] =	sst s10  }
0x32: {  	s10 =	sld [smem:$0x3FB4];
	_ =	sdelay $0x3  }
0x33: {  	p0 =	seq.s32 s10, $0x1;
	s10 =	sld [smem:$0x3FB6];
	_ =	sdelay $0x3  }
0x34: {  	[smem:$0x3FB6] =	sst s10  }
0x35: {  	s10 =	sld [smem:$0x3FB5];
	_ =	sdelay $0x3  }
0x36: {  	p1 =	seq.s32 s10, $0x1;
	s10 =	sld [smem:$0x3FB6];
	_ =	sdelay $0x3  }
0x37: {  	[smem:$0x3FB6] =	sst s10  }
0x38: {  	s10 =	sld [smem:$0x3FB7]  }
0x39: {  	_ = 	snop;
	(pc) =	sbr.ind lr, $3  }
0x3a: {  	_ = 	snop  }
0x3b: {  	_ = 	snop  }
0x3c: {  	p2 =	seq.s32 s10, $0x1;
	s10 =	sld [smem:$0x3FB6]  }
0x3d: {  	_ =	shalt  }
0x3e: {  	_ =	shalt  }
0x3f: {  	_ =	shalt  }
0x40: {  	_ =	shalt  }
0x41: {  	_ =	shalt  }
0x42: {  	_ =	shalt  }
0x43: {  	_ =	shalt  }
0x44: {  	_ =	shalt  }
0x45: {  	_ =	shalt  }
0x46: {  	_ =	shalt  }
0x47: {  	_ =	shalt  }
0x48: {  	_ =	shalt  }
0x49: {  	_ =	shalt  }
0x4a: {  	_ =	shalt  }
0x4b: {  	_ =	shalt  }
0x4c: {  	_ =	shalt  }
0x4d: {  	_ =	shalt  }
0x4e: {  	_ =	shalt  }
0x4f: {  	_ =	shalt  }
0x50: {  	_ =	shalt  }
0x51: {  	_ =	shalt  }
0x52: {  	_ =	shalt  }
0x53: {  	_ =	shalt  }
0x54: {  	_ =	shalt  }
0x55: {  	_ =	shalt  }
0x56: {  	_ =	shalt  }
0x57: {  	_ =	shalt  }
0x58: {  	_ =	shalt  }
0x59: {  	_ =	shalt  }
0x5a: {  	_ =	shalt  }
0x5b: {  	_ =	shalt  }
0x5c: {  	_ =	shalt  }
0x5d: {  	_ =	shalt  }
0x5e: {  	_ =	shalt  }
0x5f: {  	_ =	shalt  }
0x60: {  	_ =	shalt  }
0x61: {  	_ =	shalt  }
0x62: {  	_ =	shalt  }
0x63: {  	_ =	shalt  }
0x64: {  	_ =	shalt  }
0x65: {  	_ =	shalt  }
0x66: {  	_ =	shalt  }
0x67: {  	_ =	shalt  }
0x68: {  	_ =	shalt  }
0x69: {  	_ =	shalt  }
0x6a: {  	_ =	shalt  }
0x6b: {  	_ =	shalt  }
0x6c: {  	_ =	shalt  }
0x6d: {  	_ =	shalt  }
0x6e: {  	_ =	shalt  }
0x6f: {  	_ =	shalt  }
0x70: {  	_ =	shalt  }
0x71: {  	_ =	shalt  }
0x72: {  	_ =	shalt  }
0x73: {  	_ =	shalt  }
0x74: {  	_ =	shalt  }
0x75: {  	_ =	shalt  }
0x76: {  	_ =	shalt  }
0x77: {  	_ =	shalt  }
0x78: {  	_ =	shalt  }
0x79: {  	_ =	shalt  }
0x7a: {  	_ =	shalt  }
0x7b: {  	_ =	shalt  }
0x7c: {  	_ =	shalt  }
0x7d: {  	_ =	shalt  }
0x7e: {  	_ =	shalt  }
0x7f: {  	_ =	shalt  }
0x80: {  	_ =	shalt  }
0x81: {  	_ =	shalt  }
0x82: {  	_ =	shalt  }
0x83: {  	_ =	shalt  }
0x84: {  	_ =	shalt  }
0x85: {  	_ =	shalt  }
0x86: {  	_ =	shalt  }
0x87: {  	_ =	shalt  }
.Lfunc_end0:
.L_simem_size_0:
called_computation_lowered:
.L_overlay_start_0:
0x88: {  	s2 =	sld [smem:$0x3FD9]  }
0x89: {  	s3 =	sld [smem:$0x3FFE];
	_ =	sdelay $0x1  }
0x8a: {  	s1 =	srdreg.scid  }
0x8b: {  	s0 =	sand.u32 $0x1, s1  }
0x8c: {  	s16 =	sshll.u32 s0, $0xA;
	s2 =	sadd.s32 s3, s2  }
0x8d: {  	s2 =	sadd.s32 s2, s16  }
0x8e: {  	[smem:$0x3FC2] =	sst s2  }
0x8f: {  	_ = 	snop  }
0x90: {  	(tm) =	ssettm $0x1  }
0x91: {  	s17 =	sld [smem:$0x3FFB];
	_ =	sdelay $0x3  }
0x92: {  	_ =	strace s17  }
0x93: {  	s2 =	sld [smem:$0x3FFC];
	_ =	sdelay $0x3  }
0x94: {  	_ =	strace s2  }
0x95: {  	s2 =	sld [smem:$0x3FFD];
	_ =	sdelay $0x3  }
0x96: {  	_ =	strace s2  }
0x97: {  	_ =	strace $0x8FFFFFFF  }
0x98: {  	s18 =	sld [smem:$0x3FDB];
	_ =	sdelay $0x1  }
0x99: {  	s19 =	simm.s32 $_scs_section_size  }
0x9a: {  	s4 =	simm.s32 $_size__tile_overlayer_lowered;
	s5 =	simm.s32 $_tile_overlayer_lowered  }
0x9b: {  	s22 =	simm.s32 $0x1BFF;
	s21 =	sshll.u32 s5, $0x1;
	s2 =	sadd.s32 s19, s18  }
0x9c: {  	s6 =	simm.s32 $0x0;
	s20 =	sshll.u32 s4, $0x1;
	s4 =	sadd.s32 s21, s2  }
0x9d: {  	[timem:s6], [sflag:s22] =	dma.local [hbm:s4], s20  }
0x9e: {  	_ =	swait.ge [sflag:s22], s20  }
0x9f: {  	s3 =	ssub.s32 $0x0, s20;
	[sflag:s22] =	ssyncset.done $0x0  }
0xa0: {  	[sflag:s22] =	ssyncadd.s32 s3;
	_ =	sdelay $0x1  }
0xa1: {  	s23 =	simm.s32 $0x1B8B  }
0xa2: {  	_ =	swait.ge [sflag:s23], $0x1  }
0xa3: {  	[sflag:s23] =	ssyncset.done $0x0  }
0xa4: {  	s25 =	simm.s32 $0x1B8E;
	s24 =	sld [smem:$0x3FFE];
	[sflag:s23] =	ssyncadd.s32 $0xFFFFFFFF  }
0xa5: {  	s26 =	simm.s32 $execute0_lowered;
	[smem:$0x3FD2] =	sst s25  }
0xa6: {  	s4 =	sshll.u32 s26, $0x1;
	_ =	strace $0x80000046;
	[dreg:$0x1] =	wrdreg $0xFFFFFFFF  }
0xa7: {  	s28 =	simm.s32 $_size_execute0_lowered;
	s2 =	sadd.s32 s2, s4;
	[dreg:$0x0] =	wrdreg $0x0  }
0xa8: {  	s4 =	sshll.u32 s28, $0x1;
	[dreg:$0x2] =	wrdreg s2  }
0xa9: {  	[dreg:$0x3] =	wrdreg s4  }
0xaa: {  	[dreg:$0x4] =	wrdreg $0xC0  }
0xab: {  	_ =	task [dreg:s6], $0x5FFFF  }
0xac: {  	[dreg:$0x1] =	wrdreg $0xFFFFFFFF  }
0xad: {  	[dreg:$0x0] =	wrdreg $0x60  }
0xae: {  	[dreg:$0x2] =	wrdreg s24  }
0xaf: {  	[dreg:$0x3] =	wrdreg $0x29E00  }
0xb0: {  	[dreg:$0x4] =	wrdreg $0x9  }
0xb1: {  	_ =	task.clear_ibuf [dreg:s6], $0x5FFFF;
	_ =	strace $0x90000046  }
0xb2: {  	s29 =	simm.s32 $0x9;
	_ =	strace $0x80000048  }
0xb3: {  	_ =	swait.ge [sflag:s29], $0x1  }
0xb4: {  	[sflag:s29] =	ssyncadd.s32 $0xFFFFFFFF  }
0xb5: {  	_ =	strace $0x90000048  }
0xb6: {  	_ =	sfence  }
0xb7: {  	s30 =	sld [smem:$0x0];
	_ =	sdelay $0x2  }
0xb8: {  	s31 =	sshll.u32 s1, $0xD;
	s1 =	sshrl.u32 s1, $0x2  }
0xb9: {  	s3 =	sand.u32 $0x4000, s31;
	s1 =	sadd.s32 s1, s30  }
0xba: {  	s0 =	sor.u32 s3, s0;
	s1 =	sshll.u32 s1, $0x11  }
0xbb: {  	s0 =	sor.u32 s1, s0  }
0xbc: {  	s0 =	sadd.s32 $0x8F2B, s0  }
0xbd: {  	[sflag:s0] =	ssyncadd.remote.s32 $0x1  }
0xbe: {  	_ =	sfence.sel $0xFFFF  }
0xbf: {  	[dreg:$0x0] =	wrdreg $0xFFFFFFFF;
	(pc) =	sbr.abs _section_cstart, $3  }
0xc0: {  	[dreg:$0x1] =	wrdreg $0xFFFFFFFF  }
0xc1: {  	_ =	task.clear_ibuf [dreg:s6], $0x2FFFF;
	_ =	strace $0x9FFFFFFF  }
0xc2: {  	(tm) =	ssettm $0x7FFFFFFF  }
0xc3: {  	_ =	shalt  }
tec
execute0_lowered:
.L_overlay_start_1:
0x0: {  	(tag) =	ssettag $0x1  }
0x1: {  	s0 =	srdreg.scid;
	s7 =	rddreg [dreg:$0x0]  }
0x2: {  	s2 =	rddreg [dreg:$0x1];
	s1 =	stileid.u32  }
0x3: {  	s3 =	simm.s32 $0x0;
	s10 =	simm.s32 $0x50;
	s11 =	simm.s32 $0x2710  }
0x4: {  	s14 =	simm.s32 $0x0;
	s4 =	sand.u32 $0x1, s0;
	s0 =	rddreg [dreg:$0x2]  }
0x5: {  	[smem:$0x7FF] =	sst s3;
	s9 =	smul.u32 $0x280, s1;
	s12 =	sshll.u32 s1, $0x6  }
0x6: {  	s5 =	sshll.u32 s4, $0x4;
	_ =	strace $0x80000047;
	s6 =	ssub.s32 $0x2, s4  }
0x7: {  	p0 =	seq.s32 s4, $0x1;
	s5 =	sor.u32 s1, s5;
	s8 =	sshrl.u32 s6, $0x1  }
0x8: {  	s5 =	smul.u32 $0x4E2, s5;
	s6 =	ssub.s32 s6, s8;
	s8 =	simm.s32 $0xD600  }
0x9: {  	s12 =	sor.u32 $0x1C01, s12;
	s8 =	simm.s32 @!p0 $0xDC00;
	s6 =	smax.u32 s6, $0x1  }
0xa: {  	s5 =	sadd.s32 s5, s7;
	s7 =	sadd.s32 s8, s7;
	s8 =	simm.s32 $0x1  }
0xb: {  	s4 =	sadd.s32 $0x3800, s5;
	s5 =	sadd.s32 s9, s2;
	s9 =	sshrl.u32 s9, $0x3  }
0xc: {  	v0 =	vimm.f32 $1.000000000e+00;
	v1 =	vimm.f32 $0.0e+00;
	s7 =	sadd.s32 s7, s9;
	s9 =	simm.s32 $0x2760;
	s13 =	sshrl.u32 s5, $0x3  }
.LBB2_1:
0xd: {  	[tilespmem:s3], [sflag:$0x1] =	stream.linear.gather [hbm4b:s4+s3], $0x2710, $0x38;
	[tilespmem:$0x2C60] =	vst v63  }
0xe: {  	_ =	swait.ge [sflag:s8], $0x2710  }
0xf: {  	[sflag:s8] =	ssyncset.done $0x0  }
0x10: {  	[sflag:s8] =	ssyncadd.s32 $0xFFFFD8F0  }
0x11: {  	[tilespmem:$0x2710] =	vst v0  }
0x12: {  	[tilespmem:$0x2720] =	vst v0  }
0x13: {  	[tilespmem:$0x2730] =	vst v0  }
0x14: {  	[tilespmem:$0x2740] =	vst v0  }
0x15: {  	[tilespmem:$0x2750] =	vst v0  }
0x16: {  	[tilespmem:$0x2760] =	vst v1  }
0x17: {  	[tilespmem:$0x2770] =	vst v1  }
0x18: {  	[tilespmem:$0x2780] =	vst v1  }
0x19: {  	[tilespmem:$0x2790] =	vst v1  }
0x1a: {  	[tilespmem:$0x27A0] =	vst v1  }
0x1b: {  	[tilespmem:$0x27B0] =	vst v1  }
0x1c: {  	[tilespmem:$0x27C0] =	vst v1  }
0x1d: {  	[tilespmem:$0x27D0] =	vst v1  }
0x1e: {  	[tilespmem:$0x27E0] =	vst v1  }
0x1f: {  	[tilespmem:$0x27F0] =	vst v1  }
0x20: {  	[tilespmem:$0x2800] =	vst v1  }
0x21: {  	[tilespmem:$0x2810] =	vst v1  }
0x22: {  	[tilespmem:$0x2820] =	vst v1  }
0x23: {  	[tilespmem:$0x2830] =	vst v1  }
0x24: {  	[tilespmem:$0x2840] =	vst v1  }
0x25: {  	[tilespmem:$0x2850] =	vst v1  }
0x26: {  	[tilespmem:$0x2860] =	vst v1  }
0x27: {  	[tilespmem:$0x2870] =	vst v1  }
0x28: {  	[tilespmem:$0x2880] =	vst v1  }
0x29: {  	[tilespmem:$0x2890] =	vst v1  }
0x2a: {  	[tilespmem:$0x28A0] =	vst v1  }
0x2b: {  	[tilespmem:$0x28B0] =	vst v1  }
0x2c: {  	[tilespmem:$0x28C0] =	vst v1  }
0x2d: {  	[tilespmem:$0x28D0] =	vst v1  }
0x2e: {  	[tilespmem:$0x28E0] =	vst v1  }
0x2f: {  	[tilespmem:$0x28F0] =	vst v1  }
0x30: {  	[tilespmem:$0x2900] =	vst v1  }
0x31: {  	[tilespmem:$0x2910] =	vst v1  }
0x32: {  	[tilespmem:$0x2920] =	vst v1  }
0x33: {  	[tilespmem:$0x2930] =	vst v1  }
0x34: {  	[tilespmem:$0x2940] =	vst v1  }
0x35: {  	[tilespmem:$0x2950] =	vst v1  }
0x36: {  	[tilespmem:$0x2960] =	vst v1  }
0x37: {  	[tilespmem:$0x2970] =	vst v1  }
0x38: {  	[tilespmem:$0x2980] =	vst v1  }
0x39: {  	[tilespmem:$0x2990] =	vst v1  }
0x3a: {  	[tilespmem:$0x29A0] =	vst v1  }
0x3b: {  	[tilespmem:$0x29B0] =	vst v1  }
0x3c: {  	[tilespmem:$0x29C0] =	vst v1  }
0x3d: {  	[tilespmem:$0x29D0] =	vst v1  }
0x3e: {  	[spmem:s5] =	stream.linear.scatter [tilespmem:s9], [sflag:$0x1], $0x280, $0x38;
	[tilespmem:$0x2C60] =	vst v63  }
0x3f: {  	_ =	swait.ge [sflag:s8], $0x280  }
0x40: {  	[sflag:s8] =	ssyncset.done $0x0  }
0x41: {  	[sflag:s8] =	ssyncadd.s32 $0xFFFFFD80  }
0x42: {  	s15 =	simm.s32 $0x0;
	[bflag:$0x0] =	sbarrier.arrive $0xFFFF  }
0x43: {  	[spmem:s2] =	stream.indirect.scatter.add.f32 [tilespmem:s11], [sflag:$0x1], $0x1, s15, s10, $0xb8;
	[tilespmem:$0x2C60] =	vst v63  }
0x44: {  	_ =	swait.ge [sflag:s8], $0x50  }
0x45: {  	s15 =	simm.s32 $0x140;
	[sflag:s8] =	ssyncset.done $0x0  }
.LBB2_2:
0x46: {  	s16 =	sshra.s32 s15, $0x2;
	[sflag:s8] =	ssyncadd.s32 $0xFFFFFFB0;
	p0 =	sne.s32 s15, $0x9B00  }
0x47: {  	[spmem:s2] =	stream.indirect.scatter.add.f32 [tilespmem:s11], [sflag:$0x1], $0x1, s16, s10, $0xb8;
	[tilespmem:$0x2C60] =	vst v63  }
.Ltmp0:
0x48: {  	_ = 	snop;
	(pc) =	sbr.rel @p0 .LBB2_2-.Ltmp0, $4  }
0x49: {  	_ = 	snop  }
0x4a: {  	s15 =	sadd.s32 $0x140, s15  }
0x4b: {  	_ =	swait.ge [sflag:s8], $0x50  }
0x4c: {  	[sflag:s8] =	ssyncset.done $0x0  }
0x4d: {  	s14 =	sadd.s32 $0x1, s14  }
0x4e: {  	[sflag:s8] =	ssyncadd.s32 $0xFFFFFFB0;
	p0 =	sne.s32 s14, s6  }
.Ltmp1:
0x4f: {  	[bflag:$0x0] =	sbarrier.arrive $0xFFFF;
	(pc) =	sbr.rel @p0 .LBB2_1-.Ltmp1, $4  }
0x50: {  	[hbm:s7], [sflag:s12] =	dma.local [spmem:s13], $0x50  }
0x51: {  	_ =	swait.ge [sflag:s8], $0x50  }
0x52: {  	[sflag:s8] =	ssyncset.done $0x0  }
0x53: {  	[sflag:s8] =	ssyncadd.s32 $0xFFFFFFB0  }
0x54: {  	_ =	sfence.sel $0x180000  }
0x55: {  	[bflag:$0x0] =	sbarrier.arrive $0xFFFF  }
0x56: {  	p0 =	sne.s32 s1, $0x0;
	_ =	strace $0x90000047  }
0x57: {  	s0 =	sadd.s32 @!p0 $0x100000, s0;
	[bflag:$0x2] =	sbarrier.arrive $0xFFFF  }
0x58: {  	[sflag:s0] =	ssyncadd.tile.s32 @!p0 $0x1;
	_ =	shalt  }
.Lfunc_end2:
_tile_overlayer_lowered:
.L_overlay_start_2:
0x59: {  	(tag) =	ssettag $0x2  }
0x5a: {  	s0 =	rddreg [dreg:$0x0];
	s2 =	stileid.u32  }
0x5b: {  	s1 =	rddreg [dreg:$0x1];
	p0 =	sne.s32 s2, $0x0  }
0x5c: {  	s3 =	rddreg [dreg:$0x2];
	[bflag:$0x3] =	sbarrier.arrive $0xFFFF;
	s2 =	simm.s32 @!p0 $0x1C01  }
0x5d: {  	[timem:s3], [sflag:s2] =	dma.local @!p0 [hbm:s0], s1  }
0x5e: {  	s0 =	simm.s32 @!p0 $0x1  }
0x5f: {  	_ =	swait.ge @!p0 [sflag:s0], s1  }
0x60: {  	s1 =	ssub.s32 @!p0 $0x0, s1;
	[sflag:s0] =	ssyncset.done @!p0 $0x0  }
0x61: {  	[sflag:s0] =	ssyncadd.s32 @!p0 s1  }
0x62: {  	[bflag:$0x3] =	sbarrier.arrive $0xFFFF  }
0x63: {  	_ =	shalt  }

</sc_bundles>
